<compile_context>
chip_gen: v7x
topology: tpu7x:2x2x1
jax: 0.10.2.dev20260603
libtpu: 0.0.44.dev20260713+nightly
codegen_flags: <defaults>
</compile_context>

<pallas_src>
import functools

import jax
import jax.numpy as jnp
from jax import lax
from jax.experimental import pallas as pl
from jax.experimental.pallas import tpu as pltpu
from jax.experimental.pallas import tpu_sc as plsc

N_NODES = 10000
N_PAD = 10240
N_EDGES = 320000
D = 128

NC = 2
NS = 16
NW = NC * NS
EPW = N_EDGES // NW
C = 80
NCHUNK = EPW // C
RSTRIPE = N_PAD // NS
ZR = ZW_ROWS = 8
ZW = ZR * D



def _proj_nodes(x, w1a, w1b):
    bn = 2000

    def body(x_ref, wa_ref, wb_ref, oa_ref, ob_ref):
        xv = x_ref[...]
        oa_ref[...] = jnp.dot(xv, wa_ref[...], preferred_element_type=jnp.float32)
        ob_ref[...] = jnp.dot(xv, wb_ref[...], preferred_element_type=jnp.float32)

    return pl.pallas_call(
        body,
        grid=(N_NODES // bn,),
        in_specs=[
            pl.BlockSpec((bn, D), lambda i: (i, 0)),
            pl.BlockSpec((D, D), lambda i: (0, 0)),
            pl.BlockSpec((D, D), lambda i: (0, 0)),
        ],
        out_specs=[
            pl.BlockSpec((bn, D), lambda i: (i, 0)),
            pl.BlockSpec((bn, D), lambda i: (i, 0)),
        ],
        out_shape=[
            jax.ShapeDtypeStruct((N_NODES, D), jnp.float32),
            jax.ShapeDtypeStruct((N_NODES, D), jnp.float32),
        ],
    )(x, w1a, w1b)


def _proj_edges(edge_attr, w1c, b1):
    be = 8000

    def body(e_ref, w_ref, b_ref, o_ref):
        o_ref[...] = (
            jnp.dot(e_ref[...], w_ref[...], preferred_element_type=jnp.float32)
            + b_ref[...]
        )

    return pl.pallas_call(
        body,
        grid=(N_EDGES // be,),
        in_specs=[
            pl.BlockSpec((be, 16), lambda i: (i, 0)),
            pl.BlockSpec((16, D), lambda i: (0, 0)),
            pl.BlockSpec((1, D), lambda i: (0, 0)),
        ],
        out_specs=pl.BlockSpec((be, D), lambda i: (i, 0)),
        out_shape=jax.ShapeDtypeStruct((N_EDGES, D), jnp.float32),
    )(edge_attr, w1c, b1.reshape(1, D))


def _final_mm(s_parts, w2):
    bn = 2048

    def body(s_ref, w_ref, o_ref):
        s = s_ref[0] + s_ref[1]
        o_ref[...] = jnp.dot(s, w_ref[...], preferred_element_type=jnp.float32)

    return pl.pallas_call(
        body,
        grid=(N_PAD // bn,),
        in_specs=[
            pl.BlockSpec((2, bn, D), lambda i: (0, i, 0)),
            pl.BlockSpec((D, D), lambda i: (0, 0)),
        ],
        out_specs=pl.BlockSpec((bn, D), lambda i: (i, 0)),
        out_shape=jax.ShapeDtypeStruct((N_PAD, D), jnp.float32),
    )(s_parts, w2)



@functools.partial(
    pl.kernel,
    out_type=jax.ShapeDtypeStruct((NC, N_PAD, D), jnp.float32),
    mesh=plsc.VectorSubcoreMesh(core_axis_name="c", subcore_axis_name="s"),
    scratch_types=[
        pltpu.VMEM((C,), jnp.int32),
        pltpu.VMEM((C,), jnp.int32),
        pltpu.VMEM((C,), jnp.int32),
        pltpu.VMEM((C, D), jnp.float32),
        pltpu.VMEM((C, D), jnp.float32),
        pltpu.VMEM((C, D), jnp.float32),
        pltpu.VMEM((C, D), jnp.float32),
        pltpu.VMEM((D,), jnp.float32),
        pltpu.VMEM((ZR, D), jnp.float32),
        pltpu.VMEM_SHARED((N_PAD, D), jnp.float32),
        pltpu.SemaphoreType.DMA,
        pltpu.SemaphoreType.DMA,
        pltpu.SemaphoreType.DMA,
    ],
)
def _sc_edge_kernel(xa_hbm, xb_hbm, ec_hbm, row_hbm, col_hbm,
                    t_hbm, out_hbm,
                    rowva, rowvb, colv, bufa, bufb, bufea, bufeb, tbuf, zbuf,
                    s_acc, sem_a, sem_b, sem_e):
    cid = lax.axis_index("c")
    sid = lax.axis_index("s")
    wid = sid * NC + cid

    zvec = jnp.zeros((16,), jnp.float32)

    pltpu.sync_copy(t_hbm, tbuf)
    tvs = [tbuf[pl.ds(u * 16, 16)] for u in range(D // 16)]

    for zr in range(ZR):
        for u in range(D // 16):
            zbuf[zr, pl.ds(u * 16, 16)] = zvec

    def zero_stripe(k, _):
        pltpu.sync_copy(zbuf, s_acc.at[pl.ds(sid * RSTRIPE + k * ZR, ZR)])
        return 0
    lax.fori_loop(0, RSTRIPE // ZR, zero_stripe, 0)

    plsc.subcore_barrier()

    base_e = wid * EPW

    def fetch(i, rowv, bufe):
        off = base_e + i * C
        pltpu.sync_copy(row_hbm.at[pl.ds(off, C)], rowv)
        pltpu.sync_copy(col_hbm.at[pl.ds(off, C)], colv)
        pltpu.async_copy(xa_hbm.at[rowv], bufa, sem_a)
        pltpu.async_copy(xb_hbm.at[colv], bufb, sem_b)
        pltpu.async_copy(ec_hbm.at[pl.ds(off, C)], bufe, sem_e)

    def wait3(rowv, bufe):
        pltpu.make_async_copy(xa_hbm.at[rowv], bufa, sem_a).wait()
        pltpu.make_async_copy(xb_hbm.at[rowv], bufb, sem_b).wait()
        pltpu.make_async_copy(ec_hbm.at[pl.ds(0, C)], bufe, sem_e).wait()

    def comp(bufe):
        def comp1(r, _):
            for u in range(D // 16):
                cc = u * 16
                v = bufa[r, pl.ds(cc, 16)] + bufb[r, pl.ds(cc, 16)] \
                    + bufe[r, pl.ds(cc, 16)]
                bufe[r, pl.ds(cc, 16)] = (
                    jnp.maximum(v, jnp.float32(0.0)) + tvs[u])
            return 0
        lax.fori_loop(0, C, comp1, 0)

    def scat(rowv, bufe):
        plsc.subcore_barrier()

        def scat_ser(k, _):
            @pl.when(sid == k)
            def _():
                pltpu.sync_copy(bufe, s_acc.at[rowv], add=True)
            plsc.subcore_barrier()
            return 0
        lax.fori_loop(0, NS, scat_ser, 0)

    fetch(0, rowva, bufea)

    def pair(gi, _):
        i = 2 * gi
        wait3(rowva, bufea)
        comp(bufea)
        fetch(i + 1, rowvb, bufeb)
        scat(rowva, bufea)
        wait3(rowvb, bufeb)
        comp(bufeb)
        fetch(i + 2, rowva, bufea)
        scat(rowvb, bufeb)
        return 0
    lax.fori_loop(0, (NCHUNK - 1) // 2, pair, 0)

    wait3(rowva, bufea)
    comp(bufea)
    scat(rowva, bufea)

    plsc.subcore_barrier()

    def outcp(k, _):
        r0 = sid * RSTRIPE + k * C
        pltpu.sync_copy(s_acc.at[pl.ds(r0, C)], bufa)
        pltpu.sync_copy(bufa, out_hbm.at[cid, pl.ds(r0, C)])
        return 0
    lax.fori_loop(0, RSTRIPE // C, outcp, 0)



def kernel(x, edge_index, edge_attr, W1, b1, W2, b2):
    x = x.astype(jnp.float32)
    row = edge_index[0].astype(jnp.int32)
    col = edge_index[1].astype(jnp.int32)

    w1a = W1[:D]
    w1b = W1[D:2 * D]
    w1c = W1[2 * D:]

    t = jnp.linalg.solve(W2.T, b2)
    t = t + jnp.linalg.solve(W2.T, b2 - t @ W2)

    xa, xb = _proj_nodes(x, w1a, w1b)
    ec = _proj_edges(edge_attr, w1c, b1)

    s_parts = _sc_edge_kernel(xa, xb, ec, row, col, t)

    return _final_mm(s_parts, W2)[:N_NODES]

# --- scband reference (transcript-rebuilt; emitter-appended) ---
"""Pipeline reference for scband-advanced-edge-conv-layer-31782757990847 (READ-ONLY COPY).

The authoritative reference and input builder live on the scoring server;
editing this copy changes nothing except your own understanding.
"""

import jax, jax.numpy as jnp
import numpy as np

N_NODES = 10000
N_EDGES = 320000
NODE_DIM = 128
EDGE_DIM = 16
HIDDEN_DIM = 128


def setup_inputs(seed: int = 0) -> dict:
    key = jax.random.key(seed)
    k_x, k_ei, k_ea, k_w1, k_b1, k_w2, k_b2 = jax.random.split(key, 7)
    x = jax.random.normal(k_x, (N_NODES, NODE_DIM), dtype=jnp.float32)
    edge_index = jax.random.randint(k_ei, (2, N_EDGES), 0, N_NODES, dtype=jnp.int64)
    edge_attr = jax.random.normal(k_ea, (N_EDGES, EDGE_DIM), dtype=jnp.float32)
    in_dim = 2 * NODE_DIM + EDGE_DIM
    # Kaiming-uniform-like init similar to nn.Linear defaults
    lim1 = 1.0 / np.sqrt(in_dim)
    W1 = jax.random.uniform(k_w1, (in_dim, HIDDEN_DIM), minval=-lim1, maxval=lim1, dtype=jnp.float32)
    b1 = jax.random.uniform(k_b1, (HIDDEN_DIM,), minval=-lim1, maxval=lim1, dtype=jnp.float32)
    lim2 = 1.0 / np.sqrt(HIDDEN_DIM)
    W2 = jax.random.uniform(k_w2, (HIDDEN_DIM, NODE_DIM), minval=-lim2, maxval=lim2, dtype=jnp.float32)
    b2 = jax.random.uniform(k_b2, (NODE_DIM,), minval=-lim2, maxval=lim2, dtype=jnp.float32)
    return {"x": x, "edge_index": edge_index, "edge_attr": edge_attr,
            "W1": W1, "b1": b1, "W2": W2, "b2": b2}


def reference(x, edge_index, edge_attr, W1, b1, W2, b2):
    row = edge_index[0]
    col = edge_index[1]
    # gather node features for both endpoints of every edge
    x_row = jnp.take(x, row, axis=0)
    x_col = jnp.take(x, col, axis=0)
    msg = jnp.concatenate([x_row, x_col, edge_attr], axis=-1)
    # MLP: Linear -> ReLU -> (Dropout p=0.0, identity at eval) -> Linear
    h = jnp.dot(msg, W1) + b1
    h = jax.nn.relu(h)
    msg_out = jnp.dot(h, W2) + b2
    # scatter-sum messages back to source nodes (dim_size = num nodes)
    out = jax.ops.segment_sum(msg_out, row, num_segments=x.shape[0])
    return out

if __name__ == "__main__":
    import jax
    _d = setup_inputs()
    print(jax.jit(kernel)(*tuple(_d.values())))

</pallas_src>

<mosaic_0001>
#map = affine_map<(d0, d1) -> (0, 0)>
#map1 = affine_map<(d0, d1) -> (0)>
#map2 = affine_map<(d0, d1) -> (0, 0, 0)>
module attributes {stable_mosaic.version = 14 : i64} {
  func.func @_sc_edge_kernel(%arg0: i32, %arg1: i32, %arg2: memref<10000x128xf32, #tpu.memory_space<hbm>>, %arg3: memref<10000x128xf32, #tpu.memory_space<hbm>>, %arg4: memref<320000x128xf32, #tpu.memory_space<hbm>>, %arg5: memref<320000xi32, #tpu.memory_space<hbm>>, %arg6: memref<320000xi32, #tpu.memory_space<hbm>>, %arg7: memref<128xf32, #tpu.memory_space<hbm>>, %arg8: memref<2x10240x128xf32, #tpu.memory_space<hbm>>, %arg9: memref<80xi32, #tpu.memory_space<vmem>>, %arg10: memref<80xi32, #tpu.memory_space<vmem>>, %arg11: memref<80xi32, #tpu.memory_space<vmem>>, %arg12: memref<80x128xf32, #tpu.memory_space<vmem>>, %arg13: memref<80x128xf32, #tpu.memory_space<vmem>>, %arg14: memref<80x128xf32, #tpu.memory_space<vmem>>, %arg15: memref<80x128xf32, #tpu.memory_space<vmem>>, %arg16: memref<128xf32, #tpu.memory_space<vmem>>, %arg17: memref<8x128xf32, #tpu.memory_space<vmem>>, %arg18: memref<10240x128xf32, #tpu.memory_space<vmem_shared>>, %arg19: memref<!tpu.dma_semaphore, #tpu.memory_space<semaphore_mem>>, %arg20: memref<!tpu.dma_semaphore, #tpu.memory_space<semaphore_mem>>, %arg21: memref<!tpu.dma_semaphore, #tpu.memory_space<semaphore_mem>>) attributes {dimension_semantics = [#tpu.dimension_semantics<core_parallel>, #tpu.dimension_semantics<subcore_parallel>], iteration_bounds = array<i64: 2, 16>, scalar_prefetch = 0 : i64, scratch_operands = 13 : i64, tpu.core_type = #tpu.core_type<sc_vector_subcore>, window_params = [{transform_indices = #map}, {transform_indices = #map}, {transform_indices = #map}, {transform_indices = #map1}, {transform_indices = #map1}, {transform_indices = #map1}, {transform_indices = #map2}]} {
    %mul3A = arith.constant 2 : i32
    %mul3A_0 = arith.muli %arg1, %mul3A : i32
    %add3A = arith.addi %mul3A_0, %arg0 : i32
    %broadcast_in_dim3A = arith.constant 0.000000e+00 : f32
    %broadcast_in_dim3A_1 = vector.broadcast %broadcast_in_dim3A : f32 to vector<16xf32>
    "tpu.region"() ({
      %run_scoped3A = tpu.sem_alloc : memref<!tpu.dma_semaphore, #tpu.memory_space<semaphore_mem>>
      tpu.enqueue_dma source(%arg7 : memref<128xf32, #tpu.memory_space<hbm>>) target(%arg16 : memref<128xf32, #tpu.memory_space<vmem>>) target_semaphore(%run_scoped3A : memref<!tpu.dma_semaphore, #tpu.memory_space<semaphore_mem>>)
      tpu.wait_dma2 semaphore(%run_scoped3A : memref<!tpu.dma_semaphore, #tpu.memory_space<semaphore_mem>>) src(%arg7 : memref<128xf32, #tpu.memory_space<hbm>>) dst(%arg16 : memref<128xf32, #tpu.memory_space<vmem>>)
      tpu.yield
    }) : () -> ()
    %get3A = arith.constant 0 : index
    %get3A_2 = tpu.vector_load %arg16[%get3A] {strides = array<i32>} : memref<128xf32, #tpu.memory_space<vmem>>, vector<16xf32>,
    %get3A_3 = vector.shape_cast %get3A_2 : vector<16xf32> to vector<16xf32>
    %get3A_4 = arith.constant 16 : index
    %get3A_5 = tpu.vector_load %arg16[%get3A_4] {strides = array<i32>} : memref<128xf32, #tpu.memory_space<vmem>>, vector<16xf32>,
    %get3A_6 = vector.shape_cast %get3A_5 : vector<16xf32> to vector<16xf32>
    %get3A_7 = arith.constant 32 : index
    %get3A_8 = tpu.vector_load %arg16[%get3A_7] {strides = array<i32>} : memref<128xf32, #tpu.memory_space<vmem>>, vector<16xf32>,
    %get3A_9 = vector.shape_cast %get3A_8 : vector<16xf32> to vector<16xf32>
    %get3A_10 = arith.constant 48 : index
    %get3A_11 = tpu.vector_load %arg16[%get3A_10] {strides = array<i32>} : memref<128xf32, #tpu.memory_space<vmem>>, vector<16xf32>,
    %get3A_12 = vector.shape_cast %get3A_11 : vector<16xf32> to vector<16xf32>
    %get3A_13 = arith.constant 64 : index
    %get3A_14 = tpu.vector_load %arg16[%get3A_13] {strides = array<i32>} : memref<128xf32, #tpu.memory_space<vmem>>, vector<16xf32>,
    %get3A_15 = vector.shape_cast %get3A_14 : vector<16xf32> to vector<16xf32>
    %get3A_16 = arith.constant 80 : index
    %get3A_17 = tpu.vector_load %arg16[%get3A_16] {strides = array<i32>} : memref<128xf32, #tpu.memory_space<vmem>>, vector<16xf32>,
    %get3A_18 = vector.shape_cast %get3A_17 : vector<16xf32> to vector<16xf32>
    %get3A_19 = arith.constant 96 : index
    %get3A_20 = tpu.vector_load %arg16[%get3A_19] {strides = array<i32>} : memref<128xf32, #tpu.memory_space<vmem>>, vector<16xf32>,
    %get3A_21 = vector.shape_cast %get3A_20 : vector<16xf32> to vector<16xf32>
    %get3A_22 = arith.constant 112 : index
    %get3A_23 = tpu.vector_load %arg16[%get3A_22] {strides = array<i32>} : memref<128xf32, #tpu.memory_space<vmem>>, vector<16xf32>,
    %get3A_24 = vector.shape_cast %get3A_23 : vector<16xf32> to vector<16xf32>
    %swap3A = arith.constant 0 : i32
    %swap3A_25 = arith.index_cast %swap3A : i32 to index
    %swap3A_26 = arith.constant 0 : index
    %swap3A_27 = tpu.vector_load %arg17[%swap3A_25, %swap3A_26] {strides = array<i32>} : memref<8x128xf32, #tpu.memory_space<vmem>>, vector<1x16xf32>,
    %swap3A_28 = vector.shape_cast %swap3A_27 : vector<1x16xf32> to vector<16xf32>
    %swap3A_29 = vector.shape_cast %broadcast_in_dim3A_1 : vector<16xf32> to vector<1x16xf32>
    tpu.vector_store %arg17[%swap3A_25, %swap3A_26], %swap3A_29 {strides = array<i32>} : memref<8x128xf32, #tpu.memory_space<vmem>>, vector<1x16xf32>,
    %swap3A_30 = arith.constant 0 : i32
    %swap3A_31 = arith.index_cast %swap3A_30 : i32 to index
    %swap3A_32 = arith.constant 16 : index
    %swap3A_33 = tpu.vector_load %arg17[%swap3A_31, %swap3A_32] {strides = array<i32>} : memref<8x128xf32, #tpu.memory_space<vmem>>, vector<1x16xf32>,
    %swap3A_34 = vector.shape_cast %swap3A_33 : vector<1x16xf32> to vector<16xf32>
    %swap3A_35 = vector.shape_cast %broadcast_in_dim3A_1 : vector<16xf32> to vector<1x16xf32>
    tpu.vector_store %arg17[%swap3A_31, %swap3A_32], %swap3A_35 {strides = array<i32>} : memref<8x128xf32, #tpu.memory_space<vmem>>, vector<1x16xf32>,
    %swap3A_36 = arith.constant 0 : i32
    %swap3A_37 = arith.index_cast %swap3A_36 : i32 to index
    %swap3A_38 = arith.constant 32 : index
    %swap3A_39 = tpu.vector_load %arg17[%swap3A_37, %swap3A_38] {strides = array<i32>} : memref<8x128xf32, #tpu.memory_space<vmem>>, vector<1x16xf32>,
    %swap3A_40 = vector.shape_cast %swap3A_39 : vector<1x16xf32> to vector<16xf32>
    %swap3A_41 = vector.shape_cast %broadcast_in_dim3A_1 : vector<16xf32> to vector<1x16xf32>
    tpu.vector_store %arg17[%swap3A_37, %swap3A_38], %swap3A_41 {strides = array<i32>} : memref<8x128xf32, #tpu.memory_space<vmem>>, vector<1x16xf32>,
    %swap3A_42 = arith.constant 0 : i32
    %swap3A_43 = arith.index_cast %swap3A_42 : i32 to index
    %swap3A_44 = arith.constant 48 : index
    %swap3A_45 = tpu.vector_load %arg17[%swap3A_43, %swap3A_44] {strides = array<i32>} : memref<8x128xf32, #tpu.memory_space<vmem>>, vector<1x16xf32>,
    %swap3A_46 = vector.shape_cast %swap3A_45 : vector<1x16xf32> to vector<16xf32>
    %swap3A_47 = vector.shape_cast %broadcast_in_dim3A_1 : vector<16xf32> to vector<1x16xf32>
    tpu.vector_store %arg17[%swap3A_43, %swap3A_44], %swap3A_47 {strides = array<i32>} : memref<8x128xf32, #tpu.memory_space<vmem>>, vector<1x16xf32>,
    %swap3A_48 = arith.constant 0 : i32
    %swap3A_49 = arith.index_cast %swap3A_48 : i32 to index
    %swap3A_50 = arith.constant 64 : index
    %swap3A_51 = tpu.vector_load %arg17[%swap3A_49, %swap3A_50] {strides = array<i32>} : memref<8x128xf32, #tpu.memory_space<vmem>>, vector<1x16xf32>,
    %swap3A_52 = vector.shape_cast %swap3A_51 : vector<1x16xf32> to vector<16xf32>
    %swap3A_53 = vector.shape_cast %broadcast_in_dim3A_1 : vector<16xf32> to vector<1x16xf32>
    tpu.vector_store %arg17[%swap3A_49, %swap3A_50], %swap3A_53 {strides = array<i32>} : memref<8x128xf32, #tpu.memory_space<vmem>>, vector<1x16xf32>,
    %swap3A_54 = arith.constant 0 : i32
    %swap3A_55 = arith.index_cast %swap3A_54 : i32 to index
    %swap3A_56 = arith.constant 80 : index
    %swap3A_57 = tpu.vector_load %arg17[%swap3A_55, %swap3A_56] {strides = array<i32>} : memref<8x128xf32, #tpu.memory_space<vmem>>, vector<1x16xf32>,
    %swap3A_58 = vector.shape_cast %swap3A_57 : vector<1x16xf32> to vector<16xf32>
    %swap3A_59 = vector.shape_cast %broadcast_in_dim3A_1 : vector<16xf32> to vector<1x16xf32>
    tpu.vector_store %arg17[%swap3A_55, %swap3A_56], %swap3A_59 {strides = array<i32>} : memref<8x128xf32, #tpu.memory_space<vmem>>, vector<1x16xf32>,
    %swap3A_60 = arith.constant 0 : i32
    %swap3A_61 = arith.index_cast %swap3A_60 : i32 to index
    %swap3A_62 = arith.constant 96 : index
    %swap3A_63 = tpu.vector_load %arg17[%swap3A_61, %swap3A_62] {strides = array<i32>} : memref<8x128xf32, #tpu.memory_space<vmem>>, vector<1x16xf32>,
    %swap3A_64 = vector.shape_cast %swap3A_63 : vector<1x16xf32> to vector<16xf32>
    %swap3A_65 = vector.shape_cast %broadcast_in_dim3A_1 : vector<16xf32> to vector<1x16xf32>
    tpu.vector_store %arg17[%swap3A_61, %swap3A_62], %swap3A_65 {strides = array<i32>} : memref<8x128xf32, #tpu.memory_space<vmem>>, vector<1x16xf32>,
    %swap3A_66 = arith.constant 0 : i32
    %swap3A_67 = arith.index_cast %swap3A_66 : i32 to index
    %swap3A_68 = arith.constant 112 : index
    %swap3A_69 = tpu.vector_load %arg17[%swap3A_67, %swap3A_68] {strides = array<i32>} : memref<8x128xf32, #tpu.memory_space<vmem>>, vector<1x16xf32>,
    %swap3A_70 = vector.shape_cast %swap3A_69 : vector<1x16xf32> to vector<16xf32>
    %swap3A_71 = vector.shape_cast %broadcast_in_dim3A_1 : vector<16xf32> to vector<1x16xf32>
    tpu.vector_store %arg17[%swap3A_67, %swap3A_68], %swap3A_71 {strides = array<i32>} : memref<8x128xf32, #tpu.memory_space<vmem>>, vector<1x16xf32>,
    %swap3A_72 = arith.constant 1 : i32
    %swap3A_73 = arith.index_cast %swap3A_72 : i32 to index
    %swap3A_74 = arith.constant 0 : index
    %swap3A_75 = tpu.vector_load %arg17[%swap3A_73, %swap3A_74] {strides = array<i32>} : memref<8x128xf32, #tpu.memory_space<vmem>>, vector<1x16xf32>,
    %swap3A_76 = vector.shape_cast %swap3A_75 : vector<1x16xf32> to vector<16xf32>
    %swap3A_77 = vector.shape_cast %broadcast_in_dim3A_1 : vector<16xf32> to vector<1x16xf32>
    tpu.vector_store %arg17[%swap3A_73, %swap3A_74], %swap3A_77 {strides = array<i32>} : memref<8x128xf32, #tpu.memory_space<vmem>>, vector<1x16xf32>,
    %swap3A_78 = arith.constant 1 : i32
    %swap3A_79 = arith.index_cast %swap3A_78 : i32 to index
    %swap3A_80 = arith.constant 16 : index
    %swap3A_81 = tpu.vector_load %arg17[%swap3A_79, %swap3A_80] {strides = array<i32>} : memref<8x128xf32, #tpu.memory_space<vmem>>, vector<1x16xf32>,
    %swap3A_82 = vector.shape_cast %swap3A_81 : vector<1x16xf32> to vector<16xf32>
    %swap3A_83 = vector.shape_cast %broadcast_in_dim3A_1 : vector<16xf32> to vector<1x16xf32>
    tpu.vector_store %arg17[%swap3A_79, %swap3A_80], %swap3A_83 {strides = array<i32>} : memref<8x128xf32, #tpu.memory_space<vmem>>, vector<1x16xf32>,
    %swap3A_84 = arith.constant 1 : i32
    %swap3A_85 = arith.index_cast %swap3A_84 : i32 to index
    %swap3A_86 = arith.constant 32 : index
    %swap3A_87 = tpu.vector_load %arg17[%swap3A_85, %swap3A_86] {strides = array<i32>} : memref<8x128xf32, #tpu.memory_space<vmem>>, vector<1x16xf32>,
    %swap3A_88 = vector.shape_cast %swap3A_87 : vector<1x16xf32> to vector<16xf32>
    %swap3A_89 = vector.shape_cast %broadcast_in_dim3A_1 : vector<16xf32> to vector<1x16xf32>
    tpu.vector_store %arg17[%swap3A_85, %swap3A_86], %swap3A_89 {strides = array<i32>} : memref<8x128xf32, #tpu.memory_space<vmem>>, vector<1x16xf32>,
    %swap3A_90 = arith.constant 1 : i32
    %swap3A_91 = arith.index_cast %swap3A_90 : i32 to index
    %swap3A_92 = arith.constant 48 : index
    %swap3A_93 = tpu.vector_load %arg17[%swap3A_91, %swap3A_92] {strides = array<i32>} : memref<8x128xf32, #tpu.memory_space<vmem>>, vector<1x16xf32>,
    %swap3A_94 = vector.shape_cast %swap3A_93 : vector<1x16xf32> to vector<16xf32>
    %swap3A_95 = vector.shape_cast %broadcast_in_dim3A_1 : vector<16xf32> to vector<1x16xf32>
    tpu.vector_store %arg17[%swap3A_91, %swap3A_92], %swap3A_95 {strides = array<i32>} : memref<8x128xf32, #tpu.memory_space<vmem>>, vector<1x16xf32>,
    %swap3A_96 = arith.constant 1 : i32
    %swap3A_97 = arith.index_cast %swap3A_96 : i32 to index
    %swap3A_98 = arith.constant 64 : index
    %swap3A_99 = tpu.vector_load %arg17[%swap3A_97, %swap3A_98] {strides = array<i32>} : memref<8x128xf32, #tpu.memory_space<vmem>>, vector<1x16xf32>,
    %swap3A_100 = vector.shape_cast %swap3A_99 : vector<1x16xf32> to vector<16xf32>
    %swap3A_101 = vector.shape_cast %broadcast_in_dim3A_1 : vector<16xf32> to vector<1x16xf32>
    tpu.vector_store %arg17[%swap3A_97, %swap3A_98], %swap3A_101 {strides = array<i32>} : memref<8x128xf32, #tpu.memory_space<vmem>>, vector<1x16xf32>,
    %swap3A_102 = arith.constant 1 : i32
    %swap3A_103 = arith.index_cast %swap3A_102 : i32 to index
    %swap3A_104 = arith.constant 80 : index
    %swap3A_105 = tpu.vector_load %arg17[%swap3A_103, %swap3A_104] {strides = array<i32>} : memref<8x128xf32, #tpu.memory_space<vmem>>, vector<1x16xf32>,
    %swap3A_106 = vector.shape_cast %swap3A_105 : vector<1x16xf32> to vector<16xf32>
    %swap3A_107 = vector.shape_cast %broadcast_in_dim3A_1 : vector<16xf32> to vector<1x16xf32>
    tpu.vector_store %arg17[%swap3A_103, %swap3A_104], %swap3A_107 {strides = array<i32>} : memref<8x128xf32, #tpu.memory_space<vmem>>, vector<1x16xf32>,
    %swap3A_108 = arith.constant 1 : i32
    %swap3A_109 = arith.index_cast %swap3A_108 : i32 to index
    %swap3A_110 = arith.constant 96 : index
    %swap3A_111 = tpu.vector_load %arg17[%swap3A_109, %swap3A_110] {strides = array<i32>} : memref<8x128xf32, #tpu.memory_space<vmem>>, vector<1x16xf32>,
    %swap3A_112 = vector.shape_cast %swap3A_111 : vector<1x16xf32> to vector<16xf32>
    %swap3A_113 = vector.shape_cast %broadcast_in_dim3A_1 : vector<16xf32> to vector<1x16xf32>
    tpu.vector_store %arg17[%swap3A_109, %swap3A_110], %swap3A_113 {strides = array<i32>} : memref<8x128xf32, #tpu.memory_space<vmem>>, vector<1x16xf32>,
    %swap3A_114 = arith.constant 1 : i32
    %swap3A_115 = arith.index_cast %swap3A_114 : i32 to index
    %swap3A_116 = arith.constant 112 : index
    %swap3A_117 = tpu.vector_load %arg17[%swap3A_115, %swap3A_116] {strides = array<i32>} : memref<8x128xf32, #tpu.memory_space<vmem>>, vector<1x16xf32>,
    %swap3A_118 = vector.shape_cast %swap3A_117 : vector<1x16xf32> to vector<16xf32>
    %swap3A_119 = vector.shape_cast %broadcast_in_dim3A_1 : vector<16xf32> to vector<1x16xf32>
    tpu.vector_store %arg17[%swap3A_115, %swap3A_116], %swap3A_119 {strides = array<i32>} : memref<8x128xf32, #tpu.memory_space<vmem>>, vector<1x16xf32>,
    %swap3A_120 = arith.constant 2 : i32
    %swap3A_121 = arith.index_cast %swap3A_120 : i32 to index
    %swap3A_122 = arith.constant 0 : index
    %swap3A_123 = tpu.vector_load %arg17[%swap3A_121, %swap3A_122] {strides = array<i32>} : memref<8x128xf32, #tpu.memory_space<vmem>>, vector<1x16xf32>,
    %swap3A_124 = vector.shape_cast %swap3A_123 : vector<1x16xf32> to vector<16xf32>
    %swap3A_125 = vector.shape_cast %broadcast_in_dim3A_1 : vector<16xf32> to vector<1x16xf32>
    tpu.vector_store %arg17[%swap3A_121, %swap3A_122], %swap3A_125 {strides = array<i32>} : memref<8x128xf32, #tpu.memory_space<vmem>>, vector<1x16xf32>,
    %swap3A_126 = arith.constant 2 : i32
    %swap3A_127 = arith.index_cast %swap3A_126 : i32 to index
    %swap3A_128 = arith.constant 16 : index
    %swap3A_129 = tpu.vector_load %arg17[%swap3A_127, %swap3A_128] {strides = array<i32>} : memref<8x128xf32, #tpu.memory_space<vmem>>, vector<1x16xf32>,
    %swap3A_130 = vector.shape_cast %swap3A_129 : vector<1x16xf32> to vector<16xf32>
    %swap3A_131 = vector.shape_cast %broadcast_in_dim3A_1 : vector<16xf32> to vector<1x16xf32>
    tpu.vector_store %arg17[%swap3A_127, %swap3A_128], %swap3A_131 {strides = array<i32>} : memref<8x128xf32, #tpu.memory_space<vmem>>, vector<1x16xf32>,
    %swap3A_132 = arith.constant 2 : i32
    %swap3A_133 = arith.index_cast %swap3A_132 : i32 to index
    %swap3A_134 = arith.constant 32 : index
    %swap3A_135 = tpu.vector_load %arg17[%swap3A_133, %swap3A_134] {strides = array<i32>} : memref<8x128xf32, #tpu.memory_space<vmem>>, vector<1x16xf32>,
    %swap3A_136 = vector.shape_cast %swap3A_135 : vector<1x16xf32> to vector<16xf32>
    %swap3A_137 = vector.shape_cast %broadcast_in_dim3A_1 : vector<16xf32> to vector<1x16xf32>
    tpu.vector_store %arg17[%swap3A_133, %swap3A_134], %swap3A_137 {strides = array<i32>} : memref<8x128xf32, #tpu.memory_space<vmem>>, vector<1x16xf32>,
    %swap3A_138 = arith.constant 2 : i32
    %swap3A_139 = arith.index_cast %swap3A_138 : i32 to index
    %swap3A_140 = arith.constant 48 : index
    %swap3A_141 = tpu.vector_load %arg17[%swap3A_139, %swap3A_140] {strides = array<i32>} : memref<8x128xf32, #tpu.memory_space<vmem>>, vector<1x16xf32>,
    %swap3A_142 = vector.shape_cast %swap3A_141 : vector<1x16xf32> to vector<16xf32>
    %swap3A_143 = vector.shape_cast %broadcast_in_dim3A_1 : vector<16xf32> to vector<1x16xf32>
    tpu.vector_store %arg17[%swap3A_139, %swap3A_140], %swap3A_143 {strides = array<i32>} : memref<8x128xf32, #tpu.memory_space<vmem>>, vector<1x16xf32>,
    %swap3A_144 = arith.constant 2 : i32
    %swap3A_145 = arith.index_cast %swap3A_144 : i32 to index
    %swap3A_146 = arith.constant 64 : index
    %swap3A_147 = tpu.vector_load %arg17[%swap3A_145, %swap3A_146] {strides = array<i32>} : memref<8x128xf32, #tpu.memory_space<vmem>>, vector<1x16xf32>,
    %swap3A_148 = vector.shape_cast %swap3A_147 : vector<1x16xf32> to vector<16xf32>
    %swap3A_149 = vector.shape_cast %broadcast_in_dim3A_1 : vector<16xf32> to vector<1x16xf32>
    tpu.vector_store %arg17[%swap3A_145, %swap3A_146], %swap3A_149 {strides = array<i32>} : memref<8x128xf32, #tpu.memory_space<vmem>>, vector<1x16xf32>,
    %swap3A_150 = arith.constant 2 : i32
    %swap3A_151 = arith.index_cast %swap3A_150 : i32 to index
    %swap3A_152 = arith.constant 80 : index
    %swap3A_153 = tpu.vector_load %arg17[%swap3A_151, %swap3A_152] {strides = array<i32>} : memref<8x128xf32, #tpu.memory_space<vmem>>, vector<1x16xf32>,
    %swap3A_154 = vector.shape_cast %swap3A_153 : vector<1x16xf32> to vector<16xf32>
    %swap3A_155 = vector.shape_cast %broadcast_in_dim3A_1 : vector<16xf32> to vector<1x16xf32>
    tpu.vector_store %arg17[%swap3A_151, %swap3A_152], %swap3A_155 {strides = array<i32>} : memref<8x128xf32, #tpu.memory_space<vmem>>, vector<1x16xf32>,
    %swap3A_156 = arith.constant 2 : i32
    %swap3A_157 = arith.index_cast %swap3A_156 : i32 to index
    %swap3A_158 = arith.constant 96 : index
    %swap3A_159 = tpu.vector_load %arg17[%swap3A_157, %swap3A_158] {strides = array<i32>} : memref<8x128xf32, #tpu.memory_space<vmem>>, vector<1x16xf32>,
    %swap3A_160 = vector.shape_cast %swap3A_159 : vector<1x16xf32> to vector<16xf32>
    %swap3A_161 = vector.shape_cast %broadcast_in_dim3A_1 : vector<16xf32> to vector<1x16xf32>
    tpu.vector_store %arg17[%swap3A_157, %swap3A_158], %swap3A_161 {strides = array<i32>} : memref<8x128xf32, #tpu.memory_space<vmem>>, vector<1x16xf32>,
    %swap3A_162 = arith.constant 2 : i32
    %swap3A_163 = arith.index_cast %swap3A_162 : i32 to index
    %swap3A_164 = arith.constant 112 : index
    %swap3A_165 = tpu.vector_load %arg17[%swap3A_163, %swap3A_164] {strides = array<i32>} : memref<8x128xf32, #tpu.memory_space<vmem>>, vector<1x16xf32>,
    %swap3A_166 = vector.shape_cast %swap3A_165 : vector<1x16xf32> to vector<16xf32>
    %swap3A_167 = vector.shape_cast %broadcast_in_dim3A_1 : vector<16xf32> to vector<1x16xf32>
    tpu.vector_store %arg17[%swap3A_163, %swap3A_164], %swap3A_167 {strides = array<i32>} : memref<8x128xf32, #tpu.memory_space<vmem>>, vector<1x16xf32>,
    %swap3A_168 = arith.constant 3 : i32
    %swap3A_169 = arith.index_cast %swap3A_168 : i32 to index
    %swap3A_170 = arith.constant 0 : index
    %swap3A_171 = tpu.vector_load %arg17[%swap3A_169, %swap3A_170] {strides = array<i32>} : memref<8x128xf32, #tpu.memory_space<vmem>>, vector<1x16xf32>,
    %swap3A_172 = vector.shape_cast %swap3A_171 : vector<1x16xf32> to vector<16xf32>
    %swap3A_173 = vector.shape_cast %broadcast_in_dim3A_1 : vector<16xf32> to vector<1x16xf32>
    tpu.vector_store %arg17[%swap3A_169, %swap3A_170], %swap3A_173 {strides = array<i32>} : memref<8x128xf32, #tpu.memory_space<vmem>>, vector<1x16xf32>,
    %swap3A_174 = arith.constant 3 : i32
    %swap3A_175 = arith.index_cast %swap3A_174 : i32 to index
    %swap3A_176 = arith.constant 16 : index
    %swap3A_177 = tpu.vector_load %arg17[%swap3A_175, %swap3A_176] {strides = array<i32>} : memref<8x128xf32, #tpu.memory_space<vmem>>, vector<1x16xf32>,
    %swap3A_178 = vector.shape_cast %swap3A_177 : vector<1x16xf32> to vector<16xf32>
    %swap3A_179 = vector.shape_cast %broadcast_in_dim3A_1 : vector<16xf32> to vector<1x16xf32>
    tpu.vector_store %arg17[%swap3A_175, %swap3A_176], %swap3A_179 {strides = array<i32>} : memref<8x128xf32, #tpu.memory_space<vmem>>, vector<1x16xf32>,
    %swap3A_180 = arith.constant 3 : i32
    %swap3A_181 = arith.index_cast %swap3A_180 : i32 to index
    %swap3A_182 = arith.constant 32 : index
    %swap3A_183 = tpu.vector_load %arg17[%swap3A_181, %swap3A_182] {strides = array<i32>} : memref<8x128xf32, #tpu.memory_space<vmem>>, vector<1x16xf32>,
    %swap3A_184 = vector.shape_cast %swap3A_183 : vector<1x16xf32> to vector<16xf32>
    %swap3A_185 = vector.shape_cast %broadcast_in_dim3A_1 : vector<16xf32> to vector<1x16xf32>
    tpu.vector_store %arg17[%swap3A_181, %swap3A_182], %swap3A_185 {strides = array<i32>} : memref<8x128xf32, #tpu.memory_space<vmem>>, vector<1x16xf32>,
    %swap3A_186 = arith.constant 3 : i32
    %swap3A_187 = arith.index_cast %swap3A_186 : i32 to index
    %swap3A_188 = arith.constant 48 : index
    %swap3A_189 = tpu.vector_load %arg17[%swap3A_187, %swap3A_188] {strides = array<i32>} : memref<8x128xf32, #tpu.memory_space<vmem>>, vector<1x16xf32>,
    %swap3A_190 = vector.shape_cast %swap3A_189 : vector<1x16xf32> to vector<16xf32>
    %swap3A_191 = vector.shape_cast %broadcast_in_dim3A_1 : vector<16xf32> to vector<1x16xf32>
    tpu.vector_store %arg17[%swap3A_187, %swap3A_188], %swap3A_191 {strides = array<i32>} : memref<8x128xf32, #tpu.memory_space<vmem>>, vector<1x16xf32>,
    %swap3A_192 = arith.constant 3 : i32
    %swap3A_193 = arith.index_cast %swap3A_192 : i32 to index
    %swap3A_194 = arith.constant 64 : index
    %swap3A_195 = tpu.vector_load %arg17[%swap3A_193, %swap3A_194] {strides = array<i32>} : memref<8x128xf32, #tpu.memory_space<vmem>>, vector<1x16xf32>,
    %swap3A_196 = vector.shape_cast %swap3A_195 : vector<1x16xf32> to vector<16xf32>
    %swap3A_197 = vector.shape_cast %broadcast_in_dim3A_1 : vector<16xf32> to vector<1x16xf32>
    tpu.vector_store %arg17[%swap3A_193, %swap3A_194], %swap3A_197 {strides = array<i32>} : memref<8x128xf32, #tpu.memory_space<vmem>>, vector<1x16xf32>,
    %swap3A_198 = arith.constant 3 : i32
    %swap3A_199 = arith.index_cast %swap3A_198 : i32 to index
    %swap3A_200 = arith.constant 80 : index
    %swap3A_201 = tpu.vector_load %arg17[%swap3A_199, %swap3A_200] {strides = array<i32>} : memref<8x128xf32, #tpu.memory_space<vmem>>, vector<1x16xf32>,
    %swap3A_202 = vector.shape_cast %swap3A_201 : vector<1x16xf32> to vector<16xf32>
    %swap3A_203 = vector.shape_cast %broadcast_in_dim3A_1 : vector<16xf32> to vector<1x16xf32>
    tpu.vector_store %arg17[%swap3A_199, %swap3A_200], %swap3A_203 {strides = array<i32>} : memref<8x128xf32, #tpu.memory_space<vmem>>, vector<1x16xf32>,
    %swap3A_204 = arith.constant 3 : i32
    %swap3A_205 = arith.index_cast %swap3A_204 : i32 to index
    %swap3A_206 = arith.constant 96 : index
    %swap3A_207 = tpu.vector_load %arg17[%swap3A_205, %swap3A_206] {strides = array<i32>} : memref<8x128xf32, #tpu.memory_space<vmem>>, vector<1x16xf32>,
    %swap3A_208 = vector.shape_cast %swap3A_207 : vector<1x16xf32> to vector<16xf32>
    %swap3A_209 = vector.shape_cast %broadcast_in_dim3A_1 : vector<16xf32> to vector<1x16xf32>
    tpu.vector_store %arg17[%swap3A_205, %swap3A_206], %swap3A_209 {strides = array<i32>} : memref<8x128xf32, #tpu.memory_space<vmem>>, vector<1x16xf32>,
    %swap3A_210 = arith.constant 3 : i32
    %swap3A_211 = arith.index_cast %swap3A_210 : i32 to index
    %swap3A_212 = arith.constant 112 : index
    %swap3A_213 = tpu.vector_load %arg17[%swap3A_211, %swap3A_212] {strides = array<i32>} : memref<8x128xf32, #tpu.memory_space<vmem>>, vector<1x16xf32>,
    %swap3A_214 = vector.shape_cast %swap3A_213 : vector<1x16xf32> to vector<16xf32>
    %swap3A_215 = vector.shape_cast %broadcast_in_dim3A_1 : vector<16xf32> to vector<1x16xf32>
    tpu.vector_store %arg17[%swap3A_211, %swap3A_212], %swap3A_215 {strides = array<i32>} : memref<8x128xf32, #tpu.memory_space<vmem>>, vector<1x16xf32>,
    %swap3A_216 = arith.constant 4 : i32
    %swap3A_217 = arith.index_cast %swap3A_216 : i32 to index
    %swap3A_218 = arith.constant 0 : index
    %swap3A_219 = tpu.vector_load %arg17[%swap3A_217, %swap3A_218] {strides = array<i32>} : memref<8x128xf32, #tpu.memory_space<vmem>>, vector<1x16xf32>,
    %swap3A_220 = vector.shape_cast %swap3A_219 : vector<1x16xf32> to vector<16xf32>
    %swap3A_221 = vector.shape_cast %broadcast_in_dim3A_1 : vector<16xf32> to vector<1x16xf32>
    tpu.vector_store %arg17[%swap3A_217, %swap3A_218], %swap3A_221 {strides = array<i32>} : memref<8x128xf32, #tpu.memory_space<vmem>>, vector<1x16xf32>,
    %swap3A_222 = arith.constant 4 : i32
    %swap3A_223 = arith.index_cast %swap3A_222 : i32 to index
    %swap3A_224 = arith.constant 16 : index
    %swap3A_225 = tpu.vector_load %arg17[%swap3A_223, %swap3A_224] {strides = array<i32>} : memref<8x128xf32, #tpu.memory_space<vmem>>, vector<1x16xf32>,
    %swap3A_226 = vector.shape_cast %swap3A_225 : vector<1x16xf32> to vector<16xf32>
    %swap3A_227 = vector.shape_cast %broadcast_in_dim3A_1 : vector<16xf32> to vector<1x16xf32>
    tpu.vector_store %arg17[%swap3A_223, %swap3A_224], %swap3A_227 {strides = array<i32>} : memref<8x128xf32, #tpu.memory_space<vmem>>, vector<1x16xf32>,
    %swap3A_228 = arith.constant 4 : i32
    %swap3A_229 = arith.index_cast %swap3A_228 : i32 to index
    %swap3A_230 = arith.constant 32 : index
    %swap3A_231 = tpu.vector_load %arg17[%swap3A_229, %swap3A_230] {strides = array<i32>} : memref<8x128xf32, #tpu.memory_space<vmem>>, vector<1x16xf32>,
    %swap3A_232 = vector.shape_cast %swap3A_231 : vector<1x16xf32> to vector<16xf32>
    %swap3A_233 = vector.shape_cast %broadcast_in_dim3A_1 : vector<16xf32> to vector<1x16xf32>
    tpu.vector_store %arg17[%swap3A_229, %swap3A_230], %swap3A_233 {strides = array<i32>} : memref<8x128xf32, #tpu.memory_space<vmem>>, vector<1x16xf32>,
    %swap3A_234 = arith.constant 4 : i32
    %swap3A_235 = arith.index_cast %swap3A_234 : i32 to index
    %swap3A_236 = arith.constant 48 : index
    %swap3A_237 = tpu.vector_load %arg17[%swap3A_235, %swap3A_236] {strides = array<i32>} : memref<8x128xf32, #tpu.memory_space<vmem>>, vector<1x16xf32>,
    %swap3A_238 = vector.shape_cast %swap3A_237 : vector<1x16xf32> to vector<16xf32>
    %swap3A_239 = vector.shape_cast %broadcast_in_dim3A_1 : vector<16xf32> to vector<1x16xf32>
    tpu.vector_store %arg17[%swap3A_235, %swap3A_236], %swap3A_239 {strides = array<i32>} : memref<8x128xf32, #tpu.memory_space<vmem>>, vector<1x16xf32>,
    %swap3A_240 = arith.constant 4 : i32
    %swap3A_241 = arith.index_cast %swap3A_240 : i32 to index
    %swap3A_242 = arith.constant 64 : index
    %swap3A_243 = tpu.vector_load %arg17[%swap3A_241, %swap3A_242] {strides = array<i32>} : memref<8x128xf32, #tpu.memory_space<vmem>>, vector<1x16xf32>,
    %swap3A_244 = vector.shape_cast %swap3A_243 : vector<1x16xf32> to vector<16xf32>
    %swap3A_245 = vector.shape_cast %broadcast_in_dim3A_1 : vector<16xf32> to vector<1x16xf32>
    tpu.vector_store %arg17[%swap3A_241, %swap3A_242], %swap3A_245 {strides = array<i32>} : memref<8x128xf32, #tpu.memory_space<vmem>>, vector<1x16xf32>,
    %swap3A_246 = arith.constant 4 : i32
    %swap3A_247 = arith.index_cast %swap3A_246 : i32 to index
    %swap3A_248 = arith.constant 80 : index
    %swap3A_249 = tpu.vector_load %arg17[%swap3A_247, %swap3A_248] {strides = array<i32>} : memref<8x128xf32, #tpu.memory_space<vmem>>, vector<1x16xf32>,
    %swap3A_250 = vector.shape_cast %swap3A_249 : vector<1x16xf32> to vector<16xf32>
    %swap3A_251 = vector.shape_cast %broadcast_in_dim3A_1 : vector<16xf32> to vector<1x16xf32>
    tpu.vector_store %arg17[%swap3A_247, %swap3A_248], %swap3A_251 {strides = array<i32>} : memref<8x128xf32, #tpu.memory_space<vmem>>, vector<1x16xf32>,
    %swap3A_252 = arith.constant 4 : i32
    %swap3A_253 = arith.index_cast %swap3A_252 : i32 to index
    %swap3A_254 = arith.constant 96 : index
    %swap3A_255 = tpu.vector_load %arg17[%swap3A_253, %swap3A_254] {strides = array<i32>} : memref<8x128xf32, #tpu.memory_space<vmem>>, vector<1x16xf32>,
    %swap3A_256 = vector.shape_cast %swap3A_255 : vector<1x16xf32> to vector<16xf32>
    %swap3A_257 = vector.shape_cast %broadcast_in_dim3A_1 : vector<16xf32> to vector<1x16xf32>
    tpu.vector_store %arg17[%swap3A_253, %swap3A_254], %swap3A_257 {strides = array<i32>} : memref<8x128xf32, #tpu.memory_space<vmem>>, vector<1x16xf32>,
    %swap3A_258 = arith.constant 4 : i32
    %swap3A_259 = arith.index_cast %swap3A_258 : i32 to index
    %swap3A_260 = arith.constant 112 : index
    %swap3A_261 = tpu.vector_load %arg17[%swap3A_259, %swap3A_260] {strides = array<i32>} : memref<8x128xf32, #tpu.memory_space<vmem>>, vector<1x16xf32>,
    %swap3A_262 = vector.shape_cast %swap3A_261 : vector<1x16xf32> to vector<16xf32>
    %swap3A_263 = vector.shape_cast %broadcast_in_dim3A_1 : vector<16xf32> to vector<1x16xf32>
    tpu.vector_store %arg17[%swap3A_259, %swap3A_260], %swap3A_263 {strides = array<i32>} : memref<8x128xf32, #tpu.memory_space<vmem>>, vector<1x16xf32>,
    %swap3A_264 = arith.constant 5 : i32
    %swap3A_265 = arith.index_cast %swap3A_264 : i32 to index
    %swap3A_266 = arith.constant 0 : index
    %swap3A_267 = tpu.vector_load %arg17[%swap3A_265, %swap3A_266] {strides = array<i32>} : memref<8x128xf32, #tpu.memory_space<vmem>>, vector<1x16xf32>,
    %swap3A_268 = vector.shape_cast %swap3A_267 : vector<1x16xf32> to vector<16xf32>
    %swap3A_269 = vector.shape_cast %broadcast_in_dim3A_1 : vector<16xf32> to vector<1x16xf32>
    tpu.vector_store %arg17[%swap3A_265, %swap3A_266], %swap3A_269 {strides = array<i32>} : memref<8x128xf32, #tpu.memory_space<vmem>>, vector<1x16xf32>,
    %swap3A_270 = arith.constant 5 : i32
    %swap3A_271 = arith.index_cast %swap3A_270 : i32 to index
    %swap3A_272 = arith.constant 16 : index
    %swap3A_273 = tpu.vector_load %arg17[%swap3A_271, %swap3A_272] {strides = array<i32>} : memref<8x128xf32, #tpu.memory_space<vmem>>, vector<1x16xf32>,
    %swap3A_274 = vector.shape_cast %swap3A_273 : vector<1x16xf32> to vector<16xf32>
    %swap3A_275 = vector.shape_cast %broadcast_in_dim3A_1 : vector<16xf32> to vector<1x16xf32>
    tpu.vector_store %arg17[%swap3A_271, %swap3A_272], %swap3A_275 {strides = array<i32>} : memref<8x128xf32, #tpu.memory_space<vmem>>, vector<1x16xf32>,
    %swap3A_276 = arith.constant 5 : i32
    %swap3A_277 = arith.index_cast %swap3A_276 : i32 to index
    %swap3A_278 = arith.constant 32 : index
    %swap3A_279 = tpu.vector_load %arg17[%swap3A_277, %swap3A_278] {strides = array<i32>} : memref<8x128xf32, #tpu.memory_space<vmem>>, vector<1x16xf32>,
    %swap3A_280 = vector.shape_cast %swap3A_279 : vector<1x16xf32> to vector<16xf32>
    %swap3A_281 = vector.shape_cast %broadcast_in_dim3A_1 : vector<16xf32> to vector<1x16xf32>
    tpu.vector_store %arg17[%swap3A_277, %swap3A_278], %swap3A_281 {strides = array<i32>} : memref<8x128xf32, #tpu.memory_space<vmem>>, vector<1x16xf32>,
    %swap3A_282 = arith.constant 5 : i32
    %swap3A_283 = arith.index_cast %swap3A_282 : i32 to index
    %swap3A_284 = arith.constant 48 : index
    %swap3A_285 = tpu.vector_load %arg17[%swap3A_283, %swap3A_284] {strides = array<i32>} : memref<8x128xf32, #tpu.memory_space<vmem>>, vector<1x16xf32>,
    %swap3A_286 = vector.shape_cast %swap3A_285 : vector<1x16xf32> to vector<16xf32>
    %swap3A_287 = vector.shape_cast %broadcast_in_dim3A_1 : vector<16xf32> to vector<1x16xf32>
    tpu.vector_store %arg17[%swap3A_283, %swap3A_284], %swap3A_287 {strides = array<i32>} : memref<8x128xf32, #tpu.memory_space<vmem>>, vector<1x16xf32>,
    %swap3A_288 = arith.constant 5 : i32
    %swap3A_289 = arith.index_cast %swap3A_288 : i32 to index
    %swap3A_290 = arith.constant 64 : index
    %swap3A_291 = tpu.vector_load %arg17[%swap3A_289, %swap3A_290] {strides = array<i32>} : memref<8x128xf32, #tpu.memory_space<vmem>>, vector<1x16xf32>,
    %swap3A_292 = vector.shape_cast %swap3A_291 : vector<1x16xf32> to vector<16xf32>
    %swap3A_293 = vector.shape_cast %broadcast_in_dim3A_1 : vector<16xf32> to vector<1x16xf32>
    tpu.vector_store %arg17[%swap3A_289, %swap3A_290], %swap3A_293 {strides = array<i32>} : memref<8x128xf32, #tpu.memory_space<vmem>>, vector<1x16xf32>,
    %swap3A_294 = arith.constant 5 : i32
    %swap3A_295 = arith.index_cast %swap3A_294 : i32 to index
    %swap3A_296 = arith.constant 80 : index
    %swap3A_297 = tpu.vector_load %arg17[%swap3A_295, %swap3A_296] {strides = array<i32>} : memref<8x128xf32, #tpu.memory_space<vmem>>, vector<1x16xf32>,
    %swap3A_298 = vector.shape_cast %swap3A_297 : vector<1x16xf32> to vector<16xf32>
    %swap3A_299 = vector.shape_cast %broadcast_in_dim3A_1 : vector<16xf32> to vector<1x16xf32>
    tpu.vector_store %arg17[%swap3A_295, %swap3A_296], %swap3A_299 {strides = array<i32>} : memref<8x128xf32, #tpu.memory_space<vmem>>, vector<1x16xf32>,
    %swap3A_300 = arith.constant 5 : i32
    %swap3A_301 = arith.index_cast %swap3A_300 : i32 to index
    %swap3A_302 = arith.constant 96 : index
    %swap3A_303 = tpu.vector_load %arg17[%swap3A_301, %swap3A_302] {strides = array<i32>} : memref<8x128xf32, #tpu.memory_space<vmem>>, vector<1x16xf32>,
    %swap3A_304 = vector.shape_cast %swap3A_303 : vector<1x16xf32> to vector<16xf32>
    %swap3A_305 = vector.shape_cast %broadcast_in_dim3A_1 : vector<16xf32> to vector<1x16xf32>
    tpu.vector_store %arg17[%swap3A_301, %swap3A_302], %swap3A_305 {strides = array<i32>} : memref<8x128xf32, #tpu.memory_space<vmem>>, vector<1x16xf32>,
    %swap3A_306 = arith.constant 5 : i32
    %swap3A_307 = arith.index_cast %swap3A_306 : i32 to index
    %swap3A_308 = arith.constant 112 : index
    %swap3A_309 = tpu.vector_load %arg17[%swap3A_307, %swap3A_308] {strides = array<i32>} : memref<8x128xf32, #tpu.memory_space<vmem>>, vector<1x16xf32>,
    %swap3A_310 = vector.shape_cast %swap3A_309 : vector<1x16xf32> to vector<16xf32>
    %swap3A_311 = vector.shape_cast %broadcast_in_dim3A_1 : vector<16xf32> to vector<1x16xf32>
    tpu.vector_store %arg17[%swap3A_307, %swap3A_308], %swap3A_311 {strides = array<i32>} : memref<8x128xf32, #tpu.memory_space<vmem>>, vector<1x16xf32>,
    %swap3A_312 = arith.constant 6 : i32
    %swap3A_313 = arith.index_cast %swap3A_312 : i32 to index
    %swap3A_314 = arith.constant 0 : index
    %swap3A_315 = tpu.vector_load %arg17[%swap3A_313, %swap3A_314] {strides = array<i32>} : memref<8x128xf32, #tpu.memory_space<vmem>>, vector<1x16xf32>,
    %swap3A_316 = vector.shape_cast %swap3A_315 : vector<1x16xf32> to vector<16xf32>
    %swap3A_317 = vector.shape_cast %broadcast_in_dim3A_1 : vector<16xf32> to vector<1x16xf32>
    tpu.vector_store %arg17[%swap3A_313, %swap3A_314], %swap3A_317 {strides = array<i32>} : memref<8x128xf32, #tpu.memory_space<vmem>>, vector<1x16xf32>,
    %swap3A_318 = arith.constant 6 : i32
    %swap3A_319 = arith.index_cast %swap3A_318 : i32 to index
    %swap3A_320 = arith.constant 16 : index
    %swap3A_321 = tpu.vector_load %arg17[%swap3A_319, %swap3A_320] {strides = array<i32>} : memref<8x128xf32, #tpu.memory_space<vmem>>, vector<1x16xf32>,
    %swap3A_322 = vector.shape_cast %swap3A_321 : vector<1x16xf32> to vector<16xf32>
    %swap3A_323 = vector.shape_cast %broadcast_in_dim3A_1 : vector<16xf32> to vector<1x16xf32>
    tpu.vector_store %arg17[%swap3A_319, %swap3A_320], %swap3A_323 {strides = array<i32>} : memref<8x128xf32, #tpu.memory_space<vmem>>, vector<1x16xf32>,
    %swap3A_324 = arith.constant 6 : i32
    %swap3A_325 = arith.index_cast %swap3A_324 : i32 to index
    %swap3A_326 = arith.constant 32 : index
    %swap3A_327 = tpu.vector_load %arg17[%swap3A_325, %swap3A_326] {strides = array<i32>} : memref<8x128xf32, #tpu.memory_space<vmem>>, vector<1x16xf32>,
    %swap3A_328 = vector.shape_cast %swap3A_327 : vector<1x16xf32> to vector<16xf32>
    %swap3A_329 = vector.shape_cast %broadcast_in_dim3A_1 : vector<16xf32> to vector<1x16xf32>
    tpu.vector_store %arg17[%swap3A_325, %swap3A_326], %swap3A_329 {strides = array<i32>} : memref<8x128xf32, #tpu.memory_space<vmem>>, vector<1x16xf32>,
    %swap3A_330 = arith.constant 6 : i32
    %swap3A_331 = arith.index_cast %swap3A_330 : i32 to index
    %swap3A_332 = arith.constant 48 : index
    %swap3A_333 = tpu.vector_load %arg17[%swap3A_331, %swap3A_332] {strides = array<i32>} : memref<8x128xf32, #tpu.memory_space<vmem>>, vector<1x16xf32>,
    %swap3A_334 = vector.shape_cast %swap3A_333 : vector<1x16xf32> to vector<16xf32>
    %swap3A_335 = vector.shape_cast %broadcast_in_dim3A_1 : vector<16xf32> to vector<1x16xf32>
    tpu.vector_store %arg17[%swap3A_331, %swap3A_332], %swap3A_335 {strides = array<i32>} : memref<8x128xf32, #tpu.memory_space<vmem>>, vector<1x16xf32>,
    %swap3A_336 = arith.constant 6 : i32
    %swap3A_337 = arith.index_cast %swap3A_336 : i32 to index
    %swap3A_338 = arith.constant 64 : index
    %swap3A_339 = tpu.vector_load %arg17[%swap3A_337, %swap3A_338] {strides = array<i32>} : memref<8x128xf32, #tpu.memory_space<vmem>>, vector<1x16xf32>,
    %swap3A_340 = vector.shape_cast %swap3A_339 : vector<1x16xf32> to vector<16xf32>
    %swap3A_341 = vector.shape_cast %broadcast_in_dim3A_1 : vector<16xf32> to vector<1x16xf32>
    tpu.vector_store %arg17[%swap3A_337, %swap3A_338], %swap3A_341 {strides = array<i32>} : memref<8x128xf32, #tpu.memory_space<vmem>>, vector<1x16xf32>,
    %swap3A_342 = arith.constant 6 : i32
    %swap3A_343 = arith.index_cast %swap3A_342 : i32 to index
    %swap3A_344 = arith.constant 80 : index
    %swap3A_345 = tpu.vector_load %arg17[%swap3A_343, %swap3A_344] {strides = array<i32>} : memref<8x128xf32, #tpu.memory_space<vmem>>, vector<1x16xf32>,
    %swap3A_346 = vector.shape_cast %swap3A_345 : vector<1x16xf32> to vector<16xf32>
    %swap3A_347 = vector.shape_cast %broadcast_in_dim3A_1 : vector<16xf32> to vector<1x16xf32>
    tpu.vector_store %arg17[%swap3A_343, %swap3A_344], %swap3A_347 {strides = array<i32>} : memref<8x128xf32, #tpu.memory_space<vmem>>, vector<1x16xf32>,
    %swap3A_348 = arith.constant 6 : i32
    %swap3A_349 = arith.index_cast %swap3A_348 : i32 to index
    %swap3A_350 = arith.constant 96 : index
    %swap3A_351 = tpu.vector_load %arg17[%swap3A_349, %swap3A_350] {strides = array<i32>} : memref<8x128xf32, #tpu.memory_space<vmem>>, vector<1x16xf32>,
    %swap3A_352 = vector.shape_cast %swap3A_351 : vector<1x16xf32> to vector<16xf32>
    %swap3A_353 = vector.shape_cast %broadcast_in_dim3A_1 : vector<16xf32> to vector<1x16xf32>
    tpu.vector_store %arg17[%swap3A_349, %swap3A_350], %swap3A_353 {strides = array<i32>} : memref<8x128xf32, #tpu.memory_space<vmem>>, vector<1x16xf32>,
    %swap3A_354 = arith.constant 6 : i32
    %swap3A_355 = arith.index_cast %swap3A_354 : i32 to index
    %swap3A_356 = arith.constant 112 : index
    %swap3A_357 = tpu.vector_load %arg17[%swap3A_355, %swap3A_356] {strides = array<i32>} : memref<8x128xf32, #tpu.memory_space<vmem>>, vector<1x16xf32>,
    %swap3A_358 = vector.shape_cast %swap3A_357 : vector<1x16xf32> to vector<16xf32>
    %swap3A_359 = vector.shape_cast %broadcast_in_dim3A_1 : vector<16xf32> to vector<1x16xf32>
    tpu.vector_store %arg17[%swap3A_355, %swap3A_356], %swap3A_359 {strides = array<i32>} : memref<8x128xf32, #tpu.memory_space<vmem>>, vector<1x16xf32>,
    %swap3A_360 = arith.constant 7 : i32
    %swap3A_361 = arith.index_cast %swap3A_360 : i32 to index
    %swap3A_362 = arith.constant 0 : index
    %swap3A_363 = tpu.vector_load %arg17[%swap3A_361, %swap3A_362] {strides = array<i32>} : memref<8x128xf32, #tpu.memory_space<vmem>>, vector<1x16xf32>,
    %swap3A_364 = vector.shape_cast %swap3A_363 : vector<1x16xf32> to vector<16xf32>
    %swap3A_365 = vector.shape_cast %broadcast_in_dim3A_1 : vector<16xf32> to vector<1x16xf32>
    tpu.vector_store %arg17[%swap3A_361, %swap3A_362], %swap3A_365 {strides = array<i32>} : memref<8x128xf32, #tpu.memory_space<vmem>>, vector<1x16xf32>,
    %swap3A_366 = arith.constant 7 : i32
    %swap3A_367 = arith.index_cast %swap3A_366 : i32 to index
    %swap3A_368 = arith.constant 16 : index
    %swap3A_369 = tpu.vector_load %arg17[%swap3A_367, %swap3A_368] {strides = array<i32>} : memref<8x128xf32, #tpu.memory_space<vmem>>, vector<1x16xf32>,
    %swap3A_370 = vector.shape_cast %swap3A_369 : vector<1x16xf32> to vector<16xf32>
    %swap3A_371 = vector.shape_cast %broadcast_in_dim3A_1 : vector<16xf32> to vector<1x16xf32>
    tpu.vector_store %arg17[%swap3A_367, %swap3A_368], %swap3A_371 {strides = array<i32>} : memref<8x128xf32, #tpu.memory_space<vmem>>, vector<1x16xf32>,
    %swap3A_372 = arith.constant 7 : i32
    %swap3A_373 = arith.index_cast %swap3A_372 : i32 to index
    %swap3A_374 = arith.constant 32 : index
    %swap3A_375 = tpu.vector_load %arg17[%swap3A_373, %swap3A_374] {strides = array<i32>} : memref<8x128xf32, #tpu.memory_space<vmem>>, vector<1x16xf32>,
    %swap3A_376 = vector.shape_cast %swap3A_375 : vector<1x16xf32> to vector<16xf32>
    %swap3A_377 = vector.shape_cast %broadcast_in_dim3A_1 : vector<16xf32> to vector<1x16xf32>
    tpu.vector_store %arg17[%swap3A_373, %swap3A_374], %swap3A_377 {strides = array<i32>} : memref<8x128xf32, #tpu.memory_space<vmem>>, vector<1x16xf32>,
    %swap3A_378 = arith.constant 7 : i32
    %swap3A_379 = arith.index_cast %swap3A_378 : i32 to index
    %swap3A_380 = arith.constant 48 : index
    %swap3A_381 = tpu.vector_load %arg17[%swap3A_379, %swap3A_380] {strides = array<i32>} : memref<8x128xf32, #tpu.memory_space<vmem>>, vector<1x16xf32>,
    %swap3A_382 = vector.shape_cast %swap3A_381 : vector<1x16xf32> to vector<16xf32>
    %swap3A_383 = vector.shape_cast %broadcast_in_dim3A_1 : vector<16xf32> to vector<1x16xf32>
    tpu.vector_store %arg17[%swap3A_379, %swap3A_380], %swap3A_383 {strides = array<i32>} : memref<8x128xf32, #tpu.memory_space<vmem>>, vector<1x16xf32>,
    %swap3A_384 = arith.constant 7 : i32
    %swap3A_385 = arith.index_cast %swap3A_384 : i32 to index
    %swap3A_386 = arith.constant 64 : index
    %swap3A_387 = tpu.vector_load %arg17[%swap3A_385, %swap3A_386] {strides = array<i32>} : memref<8x128xf32, #tpu.memory_space<vmem>>, vector<1x16xf32>,
    %swap3A_388 = vector.shape_cast %swap3A_387 : vector<1x16xf32> to vector<16xf32>
    %swap3A_389 = vector.shape_cast %broadcast_in_dim3A_1 : vector<16xf32> to vector<1x16xf32>
    tpu.vector_store %arg17[%swap3A_385, %swap3A_386], %swap3A_389 {strides = array<i32>} : memref<8x128xf32, #tpu.memory_space<vmem>>, vector<1x16xf32>,
    %swap3A_390 = arith.constant 7 : i32
    %swap3A_391 = arith.index_cast %swap3A_390 : i32 to index
    %swap3A_392 = arith.constant 80 : index
    %swap3A_393 = tpu.vector_load %arg17[%swap3A_391, %swap3A_392] {strides = array<i32>} : memref<8x128xf32, #tpu.memory_space<vmem>>, vector<1x16xf32>,
    %swap3A_394 = vector.shape_cast %swap3A_393 : vector<1x16xf32> to vector<16xf32>
    %swap3A_395 = vector.shape_cast %broadcast_in_dim3A_1 : vector<16xf32> to vector<1x16xf32>
    tpu.vector_store %arg17[%swap3A_391, %swap3A_392], %swap3A_395 {strides = array<i32>} : memref<8x128xf32, #tpu.memory_space<vmem>>, vector<1x16xf32>,
    %swap3A_396 = arith.constant 7 : i32
    %swap3A_397 = arith.index_cast %swap3A_396 : i32 to index
    %swap3A_398 = arith.constant 96 : index
    %swap3A_399 = tpu.vector_load %arg17[%swap3A_397, %swap3A_398] {strides = array<i32>} : memref<8x128xf32, #tpu.memory_space<vmem>>, vector<1x16xf32>,
    %swap3A_400 = vector.shape_cast %swap3A_399 : vector<1x16xf32> to vector<16xf32>
    %swap3A_401 = vector.shape_cast %broadcast_in_dim3A_1 : vector<16xf32> to vector<1x16xf32>
    tpu.vector_store %arg17[%swap3A_397, %swap3A_398], %swap3A_401 {strides = array<i32>} : memref<8x128xf32, #tpu.memory_space<vmem>>, vector<1x16xf32>,
    %swap3A_402 = arith.constant 7 : i32
    %swap3A_403 = arith.index_cast %swap3A_402 : i32 to index
    %swap3A_404 = arith.constant 112 : index
    %swap3A_405 = tpu.vector_load %arg17[%swap3A_403, %swap3A_404] {strides = array<i32>} : memref<8x128xf32, #tpu.memory_space<vmem>>, vector<1x16xf32>,
    %swap3A_406 = vector.shape_cast %swap3A_405 : vector<1x16xf32> to vector<16xf32>
    %swap3A_407 = vector.shape_cast %broadcast_in_dim3A_1 : vector<16xf32> to vector<1x16xf32>
    tpu.vector_store %arg17[%swap3A_403, %swap3A_404], %swap3A_407 {strides = array<i32>} : memref<8x128xf32, #tpu.memory_space<vmem>>, vector<1x16xf32>,
    %scan3A = arith.constant 0 : i32
    %scan3A_408 = arith.constant 0 : i32
    %scan3A_409 = arith.constant 80 : i32
    %scan3A_410 = arith.addi %scan3A_408, %scan3A_409 : i32
    %scan3A_411 = arith.constant 1 : i32
    %scan3A_412 = scf.for %scan3A_468 = %scan3A_408 to %scan3A_410 step %scan3A_411 iter_args(%scan3A_469 = %scan3A) -> (i32)  : i32 {
      %mul3A_470 = arith.constant 640 : i32
      %mul3A_471 = arith.muli %arg1, %mul3A_470 : i32
      %mul3A_472 = arith.constant 8 : i32
      %mul3A_473 = arith.muli %scan3A_468, %mul3A_472 : i32
      %add3A_474 = arith.addi %mul3A_471, %mul3A_473 : i32
      "tpu.region"() ({
        %run_scoped3A = tpu.sem_alloc : memref<!tpu.dma_semaphore, #tpu.memory_space<semaphore_mem>>
        %dma_start3A_476 = arith.constant 0 : i32
        %dma_start3A_477 = tpu.memref_slice %arg18[%add3A_474, %dma_start3A_476] : memref<10240x128xf32, #tpu.memory_space<vmem_shared>> -> memref<8x128xf32, #tpu.memory_space<vmem_shared>>
        %dma_start3A_478 = arith.constant 0 : i32
        %dma_start3A_479 = tpu.memref_slice %arg18[%add3A_474, %dma_start3A_478] : memref<10240x128xf32, #tpu.memory_space<vmem_shared>> -> memref<8x128xf32, #tpu.memory_space<vmem_shared>>
        tpu.enqueue_dma source(%arg17 : memref<8x128xf32, #tpu.memory_space<vmem>>) target(%dma_start3A_479 : memref<8x128xf32, #tpu.memory_space<vmem_shared>>) target_semaphore(%run_scoped3A : memref<!tpu.dma_semaphore, #tpu.memory_space<semaphore_mem>>)
        %dma_wait3A_480 = arith.constant 0 : i32
        %dma_wait3A_481 = tpu.memref_slice %arg18[%add3A_474, %dma_wait3A_480] : memref<10240x128xf32, #tpu.memory_space<vmem_shared>> -> memref<8x128xf32, #tpu.memory_space<vmem_shared>>
        %dma_wait3A_482 = arith.constant 0 : i32
        %dma_wait3A_483 = tpu.memref_slice %arg18[%add3A_474, %dma_wait3A_482] : memref<10240x128xf32, #tpu.memory_space<vmem_shared>> -> memref<8x128xf32, #tpu.memory_space<vmem_shared>>
        tpu.wait_dma2 semaphore(%run_scoped3A : memref<!tpu.dma_semaphore, #tpu.memory_space<semaphore_mem>>) src(%arg17 : memref<8x128xf32, #tpu.memory_space<vmem>>) dst(%dma_wait3A_483 : memref<8x128xf32, #tpu.memory_space<vmem_shared>>)
        tpu.yield
      }) : () -> ()
      %scan3A_475 = arith.constant 0 : i32
      scf.yield %scan3A_475 : i32
    }
    %scan3A_413 = arith.constant 80 : i32
    %barrier3A = arith.constant 0 : index
    tpu.barrier barrier_id(%barrier3A)
    %mul3A_414 = arith.constant 10000 : i32
    %mul3A_415 = arith.muli %add3A, %mul3A_414 : i32
    %add3A_416 = arith.constant 0 : i32
    %add3A_417 = arith.addi %mul3A_415, %add3A_416 : i32
    "tpu.region"() ({
      %run_scoped3A = tpu.sem_alloc : memref<!tpu.dma_semaphore, #tpu.memory_space<semaphore_mem>>
      %dma_start3A_468 = tpu.memref_slice %arg5[%add3A_417] : memref<320000xi32, #tpu.memory_space<hbm>> -> memref<80xi32, #tpu.memory_space<hbm>>
      %dma_start3A_469 = tpu.memref_slice %arg5[%add3A_417] : memref<320000xi32, #tpu.memory_space<hbm>> -> memref<80xi32, #tpu.memory_space<hbm>>
      tpu.enqueue_dma source(%dma_start3A_469 : memref<80xi32, #tpu.memory_space<hbm>>) target(%arg9 : memref<80xi32, #tpu.memory_space<vmem>>) target_semaphore(%run_scoped3A : memref<!tpu.dma_semaphore, #tpu.memory_space<semaphore_mem>>)
      %dma_wait3A_470 = tpu.memref_slice %arg5[%add3A_417] : memref<320000xi32, #tpu.memory_space<hbm>> -> memref<80xi32, #tpu.memory_space<hbm>>
      %dma_wait3A_471 = tpu.memref_slice %arg5[%add3A_417] : memref<320000xi32, #tpu.memory_space<hbm>> -> memref<80xi32, #tpu.memory_space<hbm>>
      tpu.wait_dma2 semaphore(%run_scoped3A : memref<!tpu.dma_semaphore, #tpu.memory_space<semaphore_mem>>) src(%dma_wait3A_471 : memref<80xi32, #tpu.memory_space<hbm>>) dst(%arg9 : memref<80xi32, #tpu.memory_space<vmem>>)
      tpu.yield
    }) : () -> ()
    "tpu.region"() ({
      %run_scoped3A = tpu.sem_alloc : memref<!tpu.dma_semaphore, #tpu.memory_space<semaphore_mem>>
      %dma_start3A_468 = tpu.memref_slice %arg6[%add3A_417] : memref<320000xi32, #tpu.memory_space<hbm>> -> memref<80xi32, #tpu.memory_space<hbm>>
      %dma_start3A_469 = tpu.memref_slice %arg6[%add3A_417] : memref<320000xi32, #tpu.memory_space<hbm>> -> memref<80xi32, #tpu.memory_space<hbm>>
      tpu.enqueue_dma source(%dma_start3A_469 : memref<80xi32, #tpu.memory_space<hbm>>) target(%arg11 : memref<80xi32, #tpu.memory_space<vmem>>) target_semaphore(%run_scoped3A : memref<!tpu.dma_semaphore, #tpu.memory_space<semaphore_mem>>)
      %dma_wait3A_470 = tpu.memref_slice %arg6[%add3A_417] : memref<320000xi32, #tpu.memory_space<hbm>> -> memref<80xi32, #tpu.memory_space<hbm>>
      %dma_wait3A_471 = tpu.memref_slice %arg6[%add3A_417] : memref<320000xi32, #tpu.memory_space<hbm>> -> memref<80xi32, #tpu.memory_space<hbm>>
      tpu.wait_dma2 semaphore(%run_scoped3A : memref<!tpu.dma_semaphore, #tpu.memory_space<semaphore_mem>>) src(%dma_wait3A_471 : memref<80xi32, #tpu.memory_space<hbm>>) dst(%arg11 : memref<80xi32, #tpu.memory_space<vmem>>)
      tpu.yield
    }) : () -> ()
    %dma_start3A = arith.constant 0 : i32
    %dma_start3A_418 = arith.constant 0 : i32
    %dma_start3A_419 = tpu.memref_slice %arg2[%dma_start3A, %dma_start3A_418] : memref<10000x128xf32, #tpu.memory_space<hbm>> -> memref<10000x128xf32, #tpu.memory_space<hbm>>
    tpu.enqueue_indirect_dma source(%dma_start3A_419 : memref<10000x128xf32, #tpu.memory_space<hbm>>) target(%arg12 : memref<80x128xf32, #tpu.memory_space<vmem>>) offsets(%arg9 : memref<80xi32, #tpu.memory_space<vmem>>) semaphore(%arg19 : memref<!tpu.dma_semaphore, #tpu.memory_space<semaphore_mem>>)
    %dma_start3A_420 = arith.constant 0 : i32
    %dma_start3A_421 = arith.constant 0 : i32
    %dma_start3A_422 = tpu.memref_slice %arg3[%dma_start3A_420, %dma_start3A_421] : memref<10000x128xf32, #tpu.memory_space<hbm>> -> memref<10000x128xf32, #tpu.memory_space<hbm>>
    tpu.enqueue_indirect_dma source(%dma_start3A_422 : memref<10000x128xf32, #tpu.memory_space<hbm>>) target(%arg13 : memref<80x128xf32, #tpu.memory_space<vmem>>) offsets(%arg11 : memref<80xi32, #tpu.memory_space<vmem>>) semaphore(%arg20 : memref<!tpu.dma_semaphore, #tpu.memory_space<semaphore_mem>>)
    %dma_start3A_423 = arith.constant 0 : i32
    %dma_start3A_424 = tpu.memref_slice %arg4[%add3A_417, %dma_start3A_423] : memref<320000x128xf32, #tpu.memory_space<hbm>> -> memref<80x128xf32, #tpu.memory_space<hbm>>
    %dma_start3A_425 = arith.constant 0 : i32
    %dma_start3A_426 = tpu.memref_slice %arg4[%add3A_417, %dma_start3A_425] : memref<320000x128xf32, #tpu.memory_space<hbm>> -> memref<80x128xf32, #tpu.memory_space<hbm>>
    tpu.enqueue_dma source(%dma_start3A_426 : memref<80x128xf32, #tpu.memory_space<hbm>>) target(%arg14 : memref<80x128xf32, #tpu.memory_space<vmem>>) target_semaphore(%arg21 : memref<!tpu.dma_semaphore, #tpu.memory_space<semaphore_mem>>)
    %scan3A_427 = arith.constant 0 : i32
    %scan3A_428 = arith.constant 0 : i32
    %scan3A_429 = arith.constant 62 : i32
    %scan3A_430 = arith.addi %scan3A_428, %scan3A_429 : i32
    %scan3A_431 = arith.constant 1 : i32
    %scan3A_432 = scf.for %scan3A_468 = %scan3A_428 to %scan3A_430 step %scan3A_431 iter_args(%scan3A_469 = %scan3A_427) -> (i32)  : i32 {
      %mul3A_470 = arith.constant 2 : i32
      %mul3A_471 = arith.muli %mul3A_470, %scan3A_468 : i32
      %dma_wait3A_472 = arith.constant 0 : i32
      %dma_wait3A_473 = arith.constant 0 : i32
      %dma_wait3A_474 = tpu.memref_slice %arg2[%dma_wait3A_472, %dma_wait3A_473] : memref<10000x128xf32, #tpu.memory_space<hbm>> -> memref<10000x128xf32, #tpu.memory_space<hbm>>
      tpu.wait_indirect_dma semaphore(%arg19 : memref<!tpu.dma_semaphore, #tpu.memory_space<semaphore_mem>>) src(%dma_wait3A_474 : memref<10000x128xf32, #tpu.memory_space<hbm>>) dst(%arg12 : memref<80x128xf32, #tpu.memory_space<vmem>>)
      %dma_wait3A_475 = arith.constant 0 : i32
      %dma_wait3A_476 = arith.constant 0 : i32
      %dma_wait3A_477 = tpu.memref_slice %arg3[%dma_wait3A_475, %dma_wait3A_476] : memref<10000x128xf32, #tpu.memory_space<hbm>> -> memref<10000x128xf32, #tpu.memory_space<hbm>>
      tpu.wait_indirect_dma semaphore(%arg20 : memref<!tpu.dma_semaphore, #tpu.memory_space<semaphore_mem>>) src(%dma_wait3A_477 : memref<10000x128xf32, #tpu.memory_space<hbm>>) dst(%arg13 : memref<80x128xf32, #tpu.memory_space<vmem>>)
      %dma_wait3A_478 = arith.constant 0 : i32
      %dma_wait3A_479 = arith.constant 0 : i32
      %dma_wait3A_480 = tpu.memref_slice %arg4[%dma_wait3A_478, %dma_wait3A_479] : memref<320000x128xf32, #tpu.memory_space<hbm>> -> memref<80x128xf32, #tpu.memory_space<hbm>>
      %dma_wait3A_481 = arith.constant 0 : i32
      %dma_wait3A_482 = arith.constant 0 : i32
      %dma_wait3A_483 = tpu.memref_slice %arg4[%dma_wait3A_481, %dma_wait3A_482] : memref<320000x128xf32, #tpu.memory_space<hbm>> -> memref<80x128xf32, #tpu.memory_space<hbm>>
      tpu.wait_dma2 semaphore(%arg21 : memref<!tpu.dma_semaphore, #tpu.memory_space<semaphore_mem>>) src(%dma_wait3A_483 : memref<80x128xf32, #tpu.memory_space<hbm>>) dst(%arg14 : memref<80x128xf32, #tpu.memory_space<vmem>>)
      %scan3A_484 = arith.constant 0 : i32
      %scan3A_485 = arith.constant 0 : i32
      %scan3A_486 = arith.constant 80 : i32
      %scan3A_487 = arith.addi %scan3A_485, %scan3A_486 : i32
      %scan3A_488 = arith.constant 1 : i32
      %scan3A_489 = scf.for %scan3A_557 = %scan3A_485 to %scan3A_487 step %scan3A_488 iter_args(%scan3A_558 = %scan3A_484) -> (i32)  : i32 {
        %get3A_559 = arith.index_cast %scan3A_557 : i32 to index
        %get3A_560 = arith.constant 0 : index
        %get3A_561 = tpu.vector_load %arg12[%get3A_559, %get3A_560] {strides = array<i32>} : memref<80x128xf32, #tpu.memory_space<vmem>>, vector<1x16xf32>,
        %get3A_562 = vector.shape_cast %get3A_561 : vector<1x16xf32> to vector<16xf32>
        %get3A_563 = arith.index_cast %scan3A_557 : i32 to index
        %get3A_564 = arith.constant 0 : index
        %get3A_565 = tpu.vector_load %arg13[%get3A_563, %get3A_564] {strides = array<i32>} : memref<80x128xf32, #tpu.memory_space<vmem>>, vector<1x16xf32>,
        %get3A_566 = vector.shape_cast %get3A_565 : vector<1x16xf32> to vector<16xf32>
        %add3A_567 = arith.addf %get3A_562, %get3A_566 : vector<16xf32>
        %get3A_568 = arith.index_cast %scan3A_557 : i32 to index
        %get3A_569 = arith.constant 0 : index
        %get3A_570 = tpu.vector_load %arg14[%get3A_568, %get3A_569] {strides = array<i32>} : memref<80x128xf32, #tpu.memory_space<vmem>>, vector<1x16xf32>,
        %get3A_571 = vector.shape_cast %get3A_570 : vector<1x16xf32> to vector<16xf32>
        %add3A_572 = arith.addf %add3A_567, %get3A_571 : vector<16xf32>
        %max3A = arith.constant 0.000000e+00 : f32
        %max3A_573 = vector.broadcast %max3A : f32 to vector<16xf32>
        %max3A_574 = arith.maximumf %add3A_572, %max3A_573 : vector<16xf32>
        %add3A_575 = arith.addf %max3A_574, %get3A_3 : vector<16xf32>
        %swap3A_576 = arith.index_cast %scan3A_557 : i32 to index
        %swap3A_577 = arith.constant 0 : index
        %swap3A_578 = tpu.vector_load %arg14[%swap3A_576, %swap3A_577] {strides = array<i32>} : memref<80x128xf32, #tpu.memory_space<vmem>>, vector<1x16xf32>,
        %swap3A_579 = vector.shape_cast %swap3A_578 : vector<1x16xf32> to vector<16xf32>
        %swap3A_580 = vector.shape_cast %add3A_575 : vector<16xf32> to vector<1x16xf32>
        tpu.vector_store %arg14[%swap3A_576, %swap3A_577], %swap3A_580 {strides = array<i32>} : memref<80x128xf32, #tpu.memory_space<vmem>>, vector<1x16xf32>,
        %get3A_581 = arith.index_cast %scan3A_557 : i32 to index
        %get3A_582 = arith.constant 16 : index
        %get3A_583 = tpu.vector_load %arg12[%get3A_581, %get3A_582] {strides = array<i32>} : memref<80x128xf32, #tpu.memory_space<vmem>>, vector<1x16xf32>,
        %get3A_584 = vector.shape_cast %get3A_583 : vector<1x16xf32> to vector<16xf32>
        %get3A_585 = arith.index_cast %scan3A_557 : i32 to index
        %get3A_586 = arith.constant 16 : index
        %get3A_587 = tpu.vector_load %arg13[%get3A_585, %get3A_586] {strides = array<i32>} : memref<80x128xf32, #tpu.memory_space<vmem>>, vector<1x16xf32>,
        %get3A_588 = vector.shape_cast %get3A_587 : vector<1x16xf32> to vector<16xf32>
        %add3A_589 = arith.addf %get3A_584, %get3A_588 : vector<16xf32>
        %get3A_590 = arith.index_cast %scan3A_557 : i32 to index
        %get3A_591 = arith.constant 16 : index
        %get3A_592 = tpu.vector_load %arg14[%get3A_590, %get3A_591] {strides = array<i32>} : memref<80x128xf32, #tpu.memory_space<vmem>>, vector<1x16xf32>,
        %get3A_593 = vector.shape_cast %get3A_592 : vector<1x16xf32> to vector<16xf32>
        %add3A_594 = arith.addf %add3A_589, %get3A_593 : vector<16xf32>
        %max3A_595 = arith.constant 0.000000e+00 : f32
        %max3A_596 = vector.broadcast %max3A_595 : f32 to vector<16xf32>
        %max3A_597 = arith.maximumf %add3A_594, %max3A_596 : vector<16xf32>
        %add3A_598 = arith.addf %max3A_597, %get3A_6 : vector<16xf32>
        %swap3A_599 = arith.index_cast %scan3A_557 : i32 to index
        %swap3A_600 = arith.constant 16 : index
        %swap3A_601 = tpu.vector_load %arg14[%swap3A_599, %swap3A_600] {strides = array<i32>} : memref<80x128xf32, #tpu.memory_space<vmem>>, vector<1x16xf32>,
        %swap3A_602 = vector.shape_cast %swap3A_601 : vector<1x16xf32> to vector<16xf32>
        %swap3A_603 = vector.shape_cast %add3A_598 : vector<16xf32> to vector<1x16xf32>
        tpu.vector_store %arg14[%swap3A_599, %swap3A_600], %swap3A_603 {strides = array<i32>} : memref<80x128xf32, #tpu.memory_space<vmem>>, vector<1x16xf32>,
        %get3A_604 = arith.index_cast %scan3A_557 : i32 to index
        %get3A_605 = arith.constant 32 : index
        %get3A_606 = tpu.vector_load %arg12[%get3A_604, %get3A_605] {strides = array<i32>} : memref<80x128xf32, #tpu.memory_space<vmem>>, vector<1x16xf32>,
        %get3A_607 = vector.shape_cast %get3A_606 : vector<1x16xf32> to vector<16xf32>
        %get3A_608 = arith.index_cast %scan3A_557 : i32 to index
        %get3A_609 = arith.constant 32 : index
        %get3A_610 = tpu.vector_load %arg13[%get3A_608, %get3A_609] {strides = array<i32>} : memref<80x128xf32, #tpu.memory_space<vmem>>, vector<1x16xf32>,
        %get3A_611 = vector.shape_cast %get3A_610 : vector<1x16xf32> to vector<16xf32>
        %add3A_612 = arith.addf %get3A_607, %get3A_611 : vector<16xf32>
        %get3A_613 = arith.index_cast %scan3A_557 : i32 to index
        %get3A_614 = arith.constant 32 : index
        %get3A_615 = tpu.vector_load %arg14[%get3A_613, %get3A_614] {strides = array<i32>} : memref<80x128xf32, #tpu.memory_space<vmem>>, vector<1x16xf32>,
        %get3A_616 = vector.shape_cast %get3A_615 : vector<1x16xf32> to vector<16xf32>
        %add3A_617 = arith.addf %add3A_612, %get3A_616 : vector<16xf32>
        %max3A_618 = arith.constant 0.000000e+00 : f32
        %max3A_619 = vector.broadcast %max3A_618 : f32 to vector<16xf32>
        %max3A_620 = arith.maximumf %add3A_617, %max3A_619 : vector<16xf32>
        %add3A_621 = arith.addf %max3A_620, %get3A_9 : vector<16xf32>
        %swap3A_622 = arith.index_cast %scan3A_557 : i32 to index
        %swap3A_623 = arith.constant 32 : index
        %swap3A_624 = tpu.vector_load %arg14[%swap3A_622, %swap3A_623] {strides = array<i32>} : memref<80x128xf32, #tpu.memory_space<vmem>>, vector<1x16xf32>,
        %swap3A_625 = vector.shape_cast %swap3A_624 : vector<1x16xf32> to vector<16xf32>
        %swap3A_626 = vector.shape_cast %add3A_621 : vector<16xf32> to vector<1x16xf32>
        tpu.vector_store %arg14[%swap3A_622, %swap3A_623], %swap3A_626 {strides = array<i32>} : memref<80x128xf32, #tpu.memory_space<vmem>>, vector<1x16xf32>,
        %get3A_627 = arith.index_cast %scan3A_557 : i32 to index
        %get3A_628 = arith.constant 48 : index
        %get3A_629 = tpu.vector_load %arg12[%get3A_627, %get3A_628] {strides = array<i32>} : memref<80x128xf32, #tpu.memory_space<vmem>>, vector<1x16xf32>,
        %get3A_630 = vector.shape_cast %get3A_629 : vector<1x16xf32> to vector<16xf32>
        %get3A_631 = arith.index_cast %scan3A_557 : i32 to index
        %get3A_632 = arith.constant 48 : index
        %get3A_633 = tpu.vector_load %arg13[%get3A_631, %get3A_632] {strides = array<i32>} : memref<80x128xf32, #tpu.memory_space<vmem>>, vector<1x16xf32>,
        %get3A_634 = vector.shape_cast %get3A_633 : vector<1x16xf32> to vector<16xf32>
        %add3A_635 = arith.addf %get3A_630, %get3A_634 : vector<16xf32>
        %get3A_636 = arith.index_cast %scan3A_557 : i32 to index
        %get3A_637 = arith.constant 48 : index
        %get3A_638 = tpu.vector_load %arg14[%get3A_636, %get3A_637] {strides = array<i32>} : memref<80x128xf32, #tpu.memory_space<vmem>>, vector<1x16xf32>,
        %get3A_639 = vector.shape_cast %get3A_638 : vector<1x16xf32> to vector<16xf32>
        %add3A_640 = arith.addf %add3A_635, %get3A_639 : vector<16xf32>
        %max3A_641 = arith.constant 0.000000e+00 : f32
        %max3A_642 = vector.broadcast %max3A_641 : f32 to vector<16xf32>
        %max3A_643 = arith.maximumf %add3A_640, %max3A_642 : vector<16xf32>
        %add3A_644 = arith.addf %max3A_643, %get3A_12 : vector<16xf32>
        %swap3A_645 = arith.index_cast %scan3A_557 : i32 to index
        %swap3A_646 = arith.constant 48 : index
        %swap3A_647 = tpu.vector_load %arg14[%swap3A_645, %swap3A_646] {strides = array<i32>} : memref<80x128xf32, #tpu.memory_space<vmem>>, vector<1x16xf32>,
        %swap3A_648 = vector.shape_cast %swap3A_647 : vector<1x16xf32> to vector<16xf32>
        %swap3A_649 = vector.shape_cast %add3A_644 : vector<16xf32> to vector<1x16xf32>
        tpu.vector_store %arg14[%swap3A_645, %swap3A_646], %swap3A_649 {strides = array<i32>} : memref<80x128xf32, #tpu.memory_space<vmem>>, vector<1x16xf32>,
        %get3A_650 = arith.index_cast %scan3A_557 : i32 to index
        %get3A_651 = arith.constant 64 : index
        %get3A_652 = tpu.vector_load %arg12[%get3A_650, %get3A_651] {strides = array<i32>} : memref<80x128xf32, #tpu.memory_space<vmem>>, vector<1x16xf32>,
        %get3A_653 = vector.shape_cast %get3A_652 : vector<1x16xf32> to vector<16xf32>
        %get3A_654 = arith.index_cast %scan3A_557 : i32 to index
        %get3A_655 = arith.constant 64 : index
        %get3A_656 = tpu.vector_load %arg13[%get3A_654, %get3A_655] {strides = array<i32>} : memref<80x128xf32, #tpu.memory_space<vmem>>, vector<1x16xf32>,
        %get3A_657 = vector.shape_cast %get3A_656 : vector<1x16xf32> to vector<16xf32>
        %add3A_658 = arith.addf %get3A_653, %get3A_657 : vector<16xf32>
        %get3A_659 = arith.index_cast %scan3A_557 : i32 to index
        %get3A_660 = arith.constant 64 : index
        %get3A_661 = tpu.vector_load %arg14[%get3A_659, %get3A_660] {strides = array<i32>} : memref<80x128xf32, #tpu.memory_space<vmem>>, vector<1x16xf32>,
        %get3A_662 = vector.shape_cast %get3A_661 : vector<1x16xf32> to vector<16xf32>
        %add3A_663 = arith.addf %add3A_658, %get3A_662 : vector<16xf32>
        %max3A_664 = arith.constant 0.000000e+00 : f32
        %max3A_665 = vector.broadcast %max3A_664 : f32 to vector<16xf32>
        %max3A_666 = arith.maximumf %add3A_663, %max3A_665 : vector<16xf32>
        %add3A_667 = arith.addf %max3A_666, %get3A_15 : vector<16xf32>
        %swap3A_668 = arith.index_cast %scan3A_557 : i32 to index
        %swap3A_669 = arith.constant 64 : index
        %swap3A_670 = tpu.vector_load %arg14[%swap3A_668, %swap3A_669] {strides = array<i32>} : memref<80x128xf32, #tpu.memory_space<vmem>>, vector<1x16xf32>,
        %swap3A_671 = vector.shape_cast %swap3A_670 : vector<1x16xf32> to vector<16xf32>
        %swap3A_672 = vector.shape_cast %add3A_667 : vector<16xf32> to vector<1x16xf32>
        tpu.vector_store %arg14[%swap3A_668, %swap3A_669], %swap3A_672 {strides = array<i32>} : memref<80x128xf32, #tpu.memory_space<vmem>>, vector<1x16xf32>,
        %get3A_673 = arith.index_cast %scan3A_557 : i32 to index
        %get3A_674 = arith.constant 80 : index
        %get3A_675 = tpu.vector_load %arg12[%get3A_673, %get3A_674] {strides = array<i32>} : memref<80x128xf32, #tpu.memory_space<vmem>>, vector<1x16xf32>,
        %get3A_676 = vector.shape_cast %get3A_675 : vector<1x16xf32> to vector<16xf32>
        %get3A_677 = arith.index_cast %scan3A_557 : i32 to index
        %get3A_678 = arith.constant 80 : index
        %get3A_679 = tpu.vector_load %arg13[%get3A_677, %get3A_678] {strides = array<i32>} : memref<80x128xf32, #tpu.memory_space<vmem>>, vector<1x16xf32>,
        %get3A_680 = vector.shape_cast %get3A_679 : vector<1x16xf32> to vector<16xf32>
        %add3A_681 = arith.addf %get3A_676, %get3A_680 : vector<16xf32>
        %get3A_682 = arith.index_cast %scan3A_557 : i32 to index
        %get3A_683 = arith.constant 80 : index
        %get3A_684 = tpu.vector_load %arg14[%get3A_682, %get3A_683] {strides = array<i32>} : memref<80x128xf32, #tpu.memory_space<vmem>>, vector<1x16xf32>,
        %get3A_685 = vector.shape_cast %get3A_684 : vector<1x16xf32> to vector<16xf32>
        %add3A_686 = arith.addf %add3A_681, %get3A_685 : vector<16xf32>
        %max3A_687 = arith.constant 0.000000e+00 : f32
        %max3A_688 = vector.broadcast %max3A_687 : f32 to vector<16xf32>
        %max3A_689 = arith.maximumf %add3A_686, %max3A_688 : vector<16xf32>
        %add3A_690 = arith.addf %max3A_689, %get3A_18 : vector<16xf32>
        %swap3A_691 = arith.index_cast %scan3A_557 : i32 to index
        %swap3A_692 = arith.constant 80 : index
        %swap3A_693 = tpu.vector_load %arg14[%swap3A_691, %swap3A_692] {strides = array<i32>} : memref<80x128xf32, #tpu.memory_space<vmem>>, vector<1x16xf32>,
        %swap3A_694 = vector.shape_cast %swap3A_693 : vector<1x16xf32> to vector<16xf32>
        %swap3A_695 = vector.shape_cast %add3A_690 : vector<16xf32> to vector<1x16xf32>
        tpu.vector_store %arg14[%swap3A_691, %swap3A_692], %swap3A_695 {strides = array<i32>} : memref<80x128xf32, #tpu.memory_space<vmem>>, vector<1x16xf32>,
        %get3A_696 = arith.index_cast %scan3A_557 : i32 to index
        %get3A_697 = arith.constant 96 : index
        %get3A_698 = tpu.vector_load %arg12[%get3A_696, %get3A_697] {strides = array<i32>} : memref<80x128xf32, #tpu.memory_space<vmem>>, vector<1x16xf32>,
        %get3A_699 = vector.shape_cast %get3A_698 : vector<1x16xf32> to vector<16xf32>
        %get3A_700 = arith.index_cast %scan3A_557 : i32 to index
        %get3A_701 = arith.constant 96 : index
        %get3A_702 = tpu.vector_load %arg13[%get3A_700, %get3A_701] {strides = array<i32>} : memref<80x128xf32, #tpu.memory_space<vmem>>, vector<1x16xf32>,
        %get3A_703 = vector.shape_cast %get3A_702 : vector<1x16xf32> to vector<16xf32>
        %add3A_704 = arith.addf %get3A_699, %get3A_703 : vector<16xf32>
        %get3A_705 = arith.index_cast %scan3A_557 : i32 to index
        %get3A_706 = arith.constant 96 : index
        %get3A_707 = tpu.vector_load %arg14[%get3A_705, %get3A_706] {strides = array<i32>} : memref<80x128xf32, #tpu.memory_space<vmem>>, vector<1x16xf32>,
        %get3A_708 = vector.shape_cast %get3A_707 : vector<1x16xf32> to vector<16xf32>
        %add3A_709 = arith.addf %add3A_704, %get3A_708 : vector<16xf32>
        %max3A_710 = arith.constant 0.000000e+00 : f32
        %max3A_711 = vector.broadcast %max3A_710 : f32 to vector<16xf32>
        %max3A_712 = arith.maximumf %add3A_709, %max3A_711 : vector<16xf32>
        %add3A_713 = arith.addf %max3A_712, %get3A_21 : vector<16xf32>
        %swap3A_714 = arith.index_cast %scan3A_557 : i32 to index
        %swap3A_715 = arith.constant 96 : index
        %swap3A_716 = tpu.vector_load %arg14[%swap3A_714, %swap3A_715] {strides = array<i32>} : memref<80x128xf32, #tpu.memory_space<vmem>>, vector<1x16xf32>,
        %swap3A_717 = vector.shape_cast %swap3A_716 : vector<1x16xf32> to vector<16xf32>
        %swap3A_718 = vector.shape_cast %add3A_713 : vector<16xf32> to vector<1x16xf32>
        tpu.vector_store %arg14[%swap3A_714, %swap3A_715], %swap3A_718 {strides = array<i32>} : memref<80x128xf32, #tpu.memory_space<vmem>>, vector<1x16xf32>,
        %get3A_719 = arith.index_cast %scan3A_557 : i32 to index
        %get3A_720 = arith.constant 112 : index
        %get3A_721 = tpu.vector_load %arg12[%get3A_719, %get3A_720] {strides = array<i32>} : memref<80x128xf32, #tpu.memory_space<vmem>>, vector<1x16xf32>,
        %get3A_722 = vector.shape_cast %get3A_721 : vector<1x16xf32> to vector<16xf32>
        %get3A_723 = arith.index_cast %scan3A_557 : i32 to index
        %get3A_724 = arith.constant 112 : index
        %get3A_725 = tpu.vector_load %arg13[%get3A_723, %get3A_724] {strides = array<i32>} : memref<80x128xf32, #tpu.memory_space<vmem>>, vector<1x16xf32>,
        %get3A_726 = vector.shape_cast %get3A_725 : vector<1x16xf32> to vector<16xf32>
        %add3A_727 = arith.addf %get3A_722, %get3A_726 : vector<16xf32>
        %get3A_728 = arith.index_cast %scan3A_557 : i32 to index
        %get3A_729 = arith.constant 112 : index
        %get3A_730 = tpu.vector_load %arg14[%get3A_728, %get3A_729] {strides = array<i32>} : memref<80x128xf32, #tpu.memory_space<vmem>>, vector<1x16xf32>,
        %get3A_731 = vector.shape_cast %get3A_730 : vector<1x16xf32> to vector<16xf32>
        %add3A_732 = arith.addf %add3A_727, %get3A_731 : vector<16xf32>
        %max3A_733 = arith.constant 0.000000e+00 : f32
        %max3A_734 = vector.broadcast %max3A_733 : f32 to vector<16xf32>
        %max3A_735 = arith.maximumf %add3A_732, %max3A_734 : vector<16xf32>
        %add3A_736 = arith.addf %max3A_735, %get3A_24 : vector<16xf32>
        %swap3A_737 = arith.index_cast %scan3A_557 : i32 to index
        %swap3A_738 = arith.constant 112 : index
        %swap3A_739 = tpu.vector_load %arg14[%swap3A_737, %swap3A_738] {strides = array<i32>} : memref<80x128xf32, #tpu.memory_space<vmem>>, vector<1x16xf32>,
        %swap3A_740 = vector.shape_cast %swap3A_739 : vector<1x16xf32> to vector<16xf32>
        %swap3A_741 = vector.shape_cast %add3A_736 : vector<16xf32> to vector<1x16xf32>
        tpu.vector_store %arg14[%swap3A_737, %swap3A_738], %swap3A_741 {strides = array<i32>} : memref<80x128xf32, #tpu.memory_space<vmem>>, vector<1x16xf32>,
        %scan3A_742 = arith.constant 0 : i32
        scf.yield %scan3A_742 : i32
      }
      %scan3A_490 = arith.constant 80 : i32
      %add3A_491 = arith.constant 1 : i32
      %add3A_492 = arith.addi %mul3A_471, %add3A_491 : i32
      %mul3A_493 = arith.constant 80 : i32
      %mul3A_494 = arith.muli %add3A_492, %mul3A_493 : i32
      %add3A_495 = arith.addi %mul3A_415, %mul3A_494 : i32
      "tpu.region"() ({
        %run_scoped3A = tpu.sem_alloc : memref<!tpu.dma_semaphore, #tpu.memory_space<semaphore_mem>>
        %dma_start3A_557 = tpu.memref_slice %arg5[%add3A_495] : memref<320000xi32, #tpu.memory_space<hbm>> -> memref<80xi32, #tpu.memory_space<hbm>>
        %dma_start3A_558 = tpu.memref_slice %arg5[%add3A_495] : memref<320000xi32, #tpu.memory_space<hbm>> -> memref<80xi32, #tpu.memory_space<hbm>>
        tpu.enqueue_dma source(%dma_start3A_558 : memref<80xi32, #tpu.memory_space<hbm>>) target(%arg10 : memref<80xi32, #tpu.memory_space<vmem>>) target_semaphore(%run_scoped3A : memref<!tpu.dma_semaphore, #tpu.memory_space<semaphore_mem>>)
        %dma_wait3A_559 = tpu.memref_slice %arg5[%add3A_495] : memref<320000xi32, #tpu.memory_space<hbm>> -> memref<80xi32, #tpu.memory_space<hbm>>
        %dma_wait3A_560 = tpu.memref_slice %arg5[%add3A_495] : memref<320000xi32, #tpu.memory_space<hbm>> -> memref<80xi32, #tpu.memory_space<hbm>>
        tpu.wait_dma2 semaphore(%run_scoped3A : memref<!tpu.dma_semaphore, #tpu.memory_space<semaphore_mem>>) src(%dma_wait3A_560 : memref<80xi32, #tpu.memory_space<hbm>>) dst(%arg10 : memref<80xi32, #tpu.memory_space<vmem>>)
        tpu.yield
      }) : () -> ()
      "tpu.region"() ({
        %run_scoped3A = tpu.sem_alloc : memref<!tpu.dma_semaphore, #tpu.memory_space<semaphore_mem>>
        %dma_start3A_557 = tpu.memref_slice %arg6[%add3A_495] : memref<320000xi32, #tpu.memory_space<hbm>> -> memref<80xi32, #tpu.memory_space<hbm>>
        %dma_start3A_558 = tpu.memref_slice %arg6[%add3A_495] : memref<320000xi32, #tpu.memory_space<hbm>> -> memref<80xi32, #tpu.memory_space<hbm>>
        tpu.enqueue_dma source(%dma_start3A_558 : memref<80xi32, #tpu.memory_space<hbm>>) target(%arg11 : memref<80xi32, #tpu.memory_space<vmem>>) target_semaphore(%run_scoped3A : memref<!tpu.dma_semaphore, #tpu.memory_space<semaphore_mem>>)
        %dma_wait3A_559 = tpu.memref_slice %arg6[%add3A_495] : memref<320000xi32, #tpu.memory_space<hbm>> -> memref<80xi32, #tpu.memory_space<hbm>>
        %dma_wait3A_560 = tpu.memref_slice %arg6[%add3A_495] : memref<320000xi32, #tpu.memory_space<hbm>> -> memref<80xi32, #tpu.memory_space<hbm>>
        tpu.wait_dma2 semaphore(%run_scoped3A : memref<!tpu.dma_semaphore, #tpu.memory_space<semaphore_mem>>) src(%dma_wait3A_560 : memref<80xi32, #tpu.memory_space<hbm>>) dst(%arg11 : memref<80xi32, #tpu.memory_space<vmem>>)
        tpu.yield
      }) : () -> ()
      %dma_start3A_496 = arith.constant 0 : i32
      %dma_start3A_497 = arith.constant 0 : i32
      %dma_start3A_498 = tpu.memref_slice %arg2[%dma_start3A_496, %dma_start3A_497] : memref<10000x128xf32, #tpu.memory_space<hbm>> -> memref<10000x128xf32, #tpu.memory_space<hbm>>
      tpu.enqueue_indirect_dma source(%dma_start3A_498 : memref<10000x128xf32, #tpu.memory_space<hbm>>) target(%arg12 : memref<80x128xf32, #tpu.memory_space<vmem>>) offsets(%arg10 : memref<80xi32, #tpu.memory_space<vmem>>) semaphore(%arg19 : memref<!tpu.dma_semaphore, #tpu.memory_space<semaphore_mem>>)
      %dma_start3A_499 = arith.constant 0 : i32
      %dma_start3A_500 = arith.constant 0 : i32
      %dma_start3A_501 = tpu.memref_slice %arg3[%dma_start3A_499, %dma_start3A_500] : memref<10000x128xf32, #tpu.memory_space<hbm>> -> memref<10000x128xf32, #tpu.memory_space<hbm>>
      tpu.enqueue_indirect_dma source(%dma_start3A_501 : memref<10000x128xf32, #tpu.memory_space<hbm>>) target(%arg13 : memref<80x128xf32, #tpu.memory_space<vmem>>) offsets(%arg11 : memref<80xi32, #tpu.memory_space<vmem>>) semaphore(%arg20 : memref<!tpu.dma_semaphore, #tpu.memory_space<semaphore_mem>>)
      %dma_start3A_502 = arith.constant 0 : i32
      %dma_start3A_503 = tpu.memref_slice %arg4[%add3A_495, %dma_start3A_502] : memref<320000x128xf32, #tpu.memory_space<hbm>> -> memref<80x128xf32, #tpu.memory_space<hbm>>
      %dma_start3A_504 = arith.constant 0 : i32
      %dma_start3A_505 = tpu.memref_slice %arg4[%add3A_495, %dma_start3A_504] : memref<320000x128xf32, #tpu.memory_space<hbm>> -> memref<80x128xf32, #tpu.memory_space<hbm>>
      tpu.enqueue_dma source(%dma_start3A_505 : memref<80x128xf32, #tpu.memory_space<hbm>>) target(%arg15 : memref<80x128xf32, #tpu.memory_space<vmem>>) target_semaphore(%arg21 : memref<!tpu.dma_semaphore, #tpu.memory_space<semaphore_mem>>)
      %barrier3A_506 = arith.constant 0 : index
      tpu.barrier barrier_id(%barrier3A_506)
      %scan3A_507 = arith.constant 0 : i32
      %scan3A_508 = arith.constant 0 : i32
      %scan3A_509 = arith.constant 16 : i32
      %scan3A_510 = arith.addi %scan3A_508, %scan3A_509 : i32
      %scan3A_511 = arith.constant 1 : i32
      %scan3A_512 = scf.for %scan3A_557 = %scan3A_508 to %scan3A_510 step %scan3A_511 iter_args(%scan3A_558 = %scan3A_507) -> (i32)  : i32 {
        %eq3A = arith.cmpi eq, %arg1, %scan3A_557 : i32
        %convert_element_type3A = arith.extui %eq3A : i1 to i32
        %cond3A = arith.constant 0 : i32
        %cond3A_559 = arith.cmpi ne, %convert_element_type3A, %cond3A : i32
        scf.if %cond3A_559 {
          "tpu.region"() ({
            %run_scoped3A = tpu.sem_alloc : memref<!tpu.dma_semaphore, #tpu.memory_space<semaphore_mem>>
            %dma_start3A_562 = arith.constant 0 : i32
            %dma_start3A_563 = arith.constant 0 : i32
            %dma_start3A_564 = tpu.memref_slice %arg18[%dma_start3A_562, %dma_start3A_563] : memref<10240x128xf32, #tpu.memory_space<vmem_shared>> -> memref<10240x128xf32, #tpu.memory_space<vmem_shared>>
            tpu.enqueue_indirect_dma source(%arg14 : memref<80x128xf32, #tpu.memory_space<vmem>>) target(%dma_start3A_564 : memref<10240x128xf32, #tpu.memory_space<vmem_shared>>) offsets(%arg9 : memref<80xi32, #tpu.memory_space<vmem>>) semaphore(%run_scoped3A : memref<!tpu.dma_semaphore, #tpu.memory_space<semaphore_mem>>) {add = true}
            %dma_wait3A_565 = arith.constant 0 : i32
            %dma_wait3A_566 = arith.constant 0 : i32
            %dma_wait3A_567 = tpu.memref_slice %arg18[%dma_wait3A_565, %dma_wait3A_566] : memref<10240x128xf32, #tpu.memory_space<vmem_shared>> -> memref<10240x128xf32, #tpu.memory_space<vmem_shared>>
            tpu.wait_indirect_dma semaphore(%run_scoped3A : memref<!tpu.dma_semaphore, #tpu.memory_space<semaphore_mem>>) src(%arg14 : memref<80x128xf32, #tpu.memory_space<vmem>>) dst(%dma_wait3A_567 : memref<10240x128xf32, #tpu.memory_space<vmem_shared>>)
            tpu.yield
          }) : () -> ()
        } else {
        }
        %barrier3A_560 = arith.constant 0 : index
        tpu.barrier barrier_id(%barrier3A_560)
        %scan3A_561 = arith.constant 0 : i32
        scf.yield %scan3A_561 : i32
      }
      %scan3A_513 = arith.constant 16 : i32
      %dma_wait3A_514 = arith.constant 0 : i32
      %dma_wait3A_515 = arith.constant 0 : i32
      %dma_wait3A_516 = tpu.memref_slice %arg2[%dma_wait3A_514, %dma_wait3A_515] : memref<10000x128xf32, #tpu.memory_space<hbm>> -> memref<10000x128xf32, #tpu.memory_space<hbm>>
      tpu.wait_indirect_dma semaphore(%arg19 : memref<!tpu.dma_semaphore, #tpu.memory_space<semaphore_mem>>) src(%dma_wait3A_516 : memref<10000x128xf32, #tpu.memory_space<hbm>>) dst(%arg12 : memref<80x128xf32, #tpu.memory_space<vmem>>)
      %dma_wait3A_517 = arith.constant 0 : i32
      %dma_wait3A_518 = arith.constant 0 : i32
      %dma_wait3A_519 = tpu.memref_slice %arg3[%dma_wait3A_517, %dma_wait3A_518] : memref<10000x128xf32, #tpu.memory_space<hbm>> -> memref<10000x128xf32, #tpu.memory_space<hbm>>
      tpu.wait_indirect_dma semaphore(%arg20 : memref<!tpu.dma_semaphore, #tpu.memory_space<semaphore_mem>>) src(%dma_wait3A_519 : memref<10000x128xf32, #tpu.memory_space<hbm>>) dst(%arg13 : memref<80x128xf32, #tpu.memory_space<vmem>>)
      %dma_wait3A_520 = arith.constant 0 : i32
      %dma_wait3A_521 = arith.constant 0 : i32
      %dma_wait3A_522 = tpu.memref_slice %arg4[%dma_wait3A_520, %dma_wait3A_521] : memref<320000x128xf32, #tpu.memory_space<hbm>> -> memref<80x128xf32, #tpu.memory_space<hbm>>
      %dma_wait3A_523 = arith.constant 0 : i32
      %dma_wait3A_524 = arith.constant 0 : i32
      %dma_wait3A_525 = tpu.memref_slice %arg4[%dma_wait3A_523, %dma_wait3A_524] : memref<320000x128xf32, #tpu.memory_space<hbm>> -> memref<80x128xf32, #tpu.memory_space<hbm>>
      tpu.wait_dma2 semaphore(%arg21 : memref<!tpu.dma_semaphore, #tpu.memory_space<semaphore_mem>>) src(%dma_wait3A_525 : memref<80x128xf32, #tpu.memory_space<hbm>>) dst(%arg15 : memref<80x128xf32, #tpu.memory_space<vmem>>)
      %scan3A_526 = arith.constant 0 : i32
      %scan3A_527 = arith.constant 0 : i32
      %scan3A_528 = arith.constant 80 : i32
      %scan3A_529 = arith.addi %scan3A_527, %scan3A_528 : i32
      %scan3A_530 = arith.constant 1 : i32
      %scan3A_531 = scf.for %scan3A_557 = %scan3A_527 to %scan3A_529 step %scan3A_530 iter_args(%scan3A_558 = %scan3A_526) -> (i32)  : i32 {
        %get3A_559 = arith.index_cast %scan3A_557 : i32 to index
        %get3A_560 = arith.constant 0 : index
        %get3A_561 = tpu.vector_load %arg12[%get3A_559, %get3A_560] {strides = array<i32>} : memref<80x128xf32, #tpu.memory_space<vmem>>, vector<1x16xf32>,
        %get3A_562 = vector.shape_cast %get3A_561 : vector<1x16xf32> to vector<16xf32>
        %get3A_563 = arith.index_cast %scan3A_557 : i32 to index
        %get3A_564 = arith.constant 0 : index
        %get3A_565 = tpu.vector_load %arg13[%get3A_563, %get3A_564] {strides = array<i32>} : memref<80x128xf32, #tpu.memory_space<vmem>>, vector<1x16xf32>,
        %get3A_566 = vector.shape_cast %get3A_565 : vector<1x16xf32> to vector<16xf32>
        %add3A_567 = arith.addf %get3A_562, %get3A_566 : vector<16xf32>
        %get3A_568 = arith.index_cast %scan3A_557 : i32 to index
        %get3A_569 = arith.constant 0 : index
        %get3A_570 = tpu.vector_load %arg15[%get3A_568, %get3A_569] {strides = array<i32>} : memref<80x128xf32, #tpu.memory_space<vmem>>, vector<1x16xf32>,
        %get3A_571 = vector.shape_cast %get3A_570 : vector<1x16xf32> to vector<16xf32>
        %add3A_572 = arith.addf %add3A_567, %get3A_571 : vector<16xf32>
        %max3A = arith.constant 0.000000e+00 : f32
        %max3A_573 = vector.broadcast %max3A : f32 to vector<16xf32>
        %max3A_574 = arith.maximumf %add3A_572, %max3A_573 : vector<16xf32>
        %add3A_575 = arith.addf %max3A_574, %get3A_3 : vector<16xf32>
        %swap3A_576 = arith.index_cast %scan3A_557 : i32 to index
        %swap3A_577 = arith.constant 0 : index
        %swap3A_578 = tpu.vector_load %arg15[%swap3A_576, %swap3A_577] {strides = array<i32>} : memref<80x128xf32, #tpu.memory_space<vmem>>, vector<1x16xf32>,
        %swap3A_579 = vector.shape_cast %swap3A_578 : vector<1x16xf32> to vector<16xf32>
        %swap3A_580 = vector.shape_cast %add3A_575 : vector<16xf32> to vector<1x16xf32>
        tpu.vector_store %arg15[%swap3A_576, %swap3A_577], %swap3A_580 {strides = array<i32>} : memref<80x128xf32, #tpu.memory_space<vmem>>, vector<1x16xf32>,
        %get3A_581 = arith.index_cast %scan3A_557 : i32 to index
        %get3A_582 = arith.constant 16 : index
        %get3A_583 = tpu.vector_load %arg12[%get3A_581, %get3A_582] {strides = array<i32>} : memref<80x128xf32, #tpu.memory_space<vmem>>, vector<1x16xf32>,
        %get3A_584 = vector.shape_cast %get3A_583 : vector<1x16xf32> to vector<16xf32>
        %get3A_585 = arith.index_cast %scan3A_557 : i32 to index
        %get3A_586 = arith.constant 16 : index
        %get3A_587 = tpu.vector_load %arg13[%get3A_585, %get3A_586] {strides = array<i32>} : memref<80x128xf32, #tpu.memory_space<vmem>>, vector<1x16xf32>,
        %get3A_588 = vector.shape_cast %get3A_587 : vector<1x16xf32> to vector<16xf32>
        %add3A_589 = arith.addf %get3A_584, %get3A_588 : vector<16xf32>
        %get3A_590 = arith.index_cast %scan3A_557 : i32 to index
        %get3A_591 = arith.constant 16 : index
        %get3A_592 = tpu.vector_load %arg15[%get3A_590, %get3A_591] {strides = array<i32>} : memref<80x128xf32, #tpu.memory_space<vmem>>, vector<1x16xf32>,
        %get3A_593 = vector.shape_cast %get3A_592 : vector<1x16xf32> to vector<16xf32>
        %add3A_594 = arith.addf %add3A_589, %get3A_593 : vector<16xf32>
        %max3A_595 = arith.constant 0.000000e+00 : f32
        %max3A_596 = vector.broadcast %max3A_595 : f32 to vector<16xf32>
        %max3A_597 = arith.maximumf %add3A_594, %max3A_596 : vector<16xf32>
        %add3A_598 = arith.addf %max3A_597, %get3A_6 : vector<16xf32>
        %swap3A_599 = arith.index_cast %scan3A_557 : i32 to index
        %swap3A_600 = arith.constant 16 : index
        %swap3A_601 = tpu.vector_load %arg15[%swap3A_599, %swap3A_600] {strides = array<i32>} : memref<80x128xf32, #tpu.memory_space<vmem>>, vector<1x16xf32>,
        %swap3A_602 = vector.shape_cast %swap3A_601 : vector<1x16xf32> to vector<16xf32>
        %swap3A_603 = vector.shape_cast %add3A_598 : vector<16xf32> to vector<1x16xf32>
        tpu.vector_store %arg15[%swap3A_599, %swap3A_600], %swap3A_603 {strides = array<i32>} : memref<80x128xf32, #tpu.memory_space<vmem>>, vector<1x16xf32>,
        %get3A_604 = arith.index_cast %scan3A_557 : i32 to index
        %get3A_605 = arith.constant 32 : index
        %get3A_606 = tpu.vector_load %arg12[%get3A_604, %get3A_605] {strides = array<i32>} : memref<80x128xf32, #tpu.memory_space<vmem>>, vector<1x16xf32>,
        %get3A_607 = vector.shape_cast %get3A_606 : vector<1x16xf32> to vector<16xf32>
        %get3A_608 = arith.index_cast %scan3A_557 : i32 to index
        %get3A_609 = arith.constant 32 : index
        %get3A_610 = tpu.vector_load %arg13[%get3A_608, %get3A_609] {strides = array<i32>} : memref<80x128xf32, #tpu.memory_space<vmem>>, vector<1x16xf32>,
        %get3A_611 = vector.shape_cast %get3A_610 : vector<1x16xf32> to vector<16xf32>
        %add3A_612 = arith.addf %get3A_607, %get3A_611 : vector<16xf32>
        %get3A_613 = arith.index_cast %scan3A_557 : i32 to index
        %get3A_614 = arith.constant 32 : index
        %get3A_615 = tpu.vector_load %arg15[%get3A_613, %get3A_614] {strides = array<i32>} : memref<80x128xf32, #tpu.memory_space<vmem>>, vector<1x16xf32>,
        %get3A_616 = vector.shape_cast %get3A_615 : vector<1x16xf32> to vector<16xf32>
        %add3A_617 = arith.addf %add3A_612, %get3A_616 : vector<16xf32>
        %max3A_618 = arith.constant 0.000000e+00 : f32
        %max3A_619 = vector.broadcast %max3A_618 : f32 to vector<16xf32>
        %max3A_620 = arith.maximumf %add3A_617, %max3A_619 : vector<16xf32>
        %add3A_621 = arith.addf %max3A_620, %get3A_9 : vector<16xf32>
        %swap3A_622 = arith.index_cast %scan3A_557 : i32 to index
        %swap3A_623 = arith.constant 32 : index
        %swap3A_624 = tpu.vector_load %arg15[%swap3A_622, %swap3A_623] {strides = array<i32>} : memref<80x128xf32, #tpu.memory_space<vmem>>, vector<1x16xf32>,
        %swap3A_625 = vector.shape_cast %swap3A_624 : vector<1x16xf32> to vector<16xf32>
        %swap3A_626 = vector.shape_cast %add3A_621 : vector<16xf32> to vector<1x16xf32>
        tpu.vector_store %arg15[%swap3A_622, %swap3A_623], %swap3A_626 {strides = array<i32>} : memref<80x128xf32, #tpu.memory_space<vmem>>, vector<1x16xf32>,
        %get3A_627 = arith.index_cast %scan3A_557 : i32 to index
        %get3A_628 = arith.constant 48 : index
        %get3A_629 = tpu.vector_load %arg12[%get3A_627, %get3A_628] {strides = array<i32>} : memref<80x128xf32, #tpu.memory_space<vmem>>, vector<1x16xf32>,
        %get3A_630 = vector.shape_cast %get3A_629 : vector<1x16xf32> to vector<16xf32>
        %get3A_631 = arith.index_cast %scan3A_557 : i32 to index
        %get3A_632 = arith.constant 48 : index
        %get3A_633 = tpu.vector_load %arg13[%get3A_631, %get3A_632] {strides = array<i32>} : memref<80x128xf32, #tpu.memory_space<vmem>>, vector<1x16xf32>,
        %get3A_634 = vector.shape_cast %get3A_633 : vector<1x16xf32> to vector<16xf32>
        %add3A_635 = arith.addf %get3A_630, %get3A_634 : vector<16xf32>
        %get3A_636 = arith.index_cast %scan3A_557 : i32 to index
        %get3A_637 = arith.constant 48 : index
        %get3A_638 = tpu.vector_load %arg15[%get3A_636, %get3A_637] {strides = array<i32>} : memref<80x128xf32, #tpu.memory_space<vmem>>, vector<1x16xf32>,
        %get3A_639 = vector.shape_cast %get3A_638 : vector<1x16xf32> to vector<16xf32>
        %add3A_640 = arith.addf %add3A_635, %get3A_639 : vector<16xf32>
        %max3A_641 = arith.constant 0.000000e+00 : f32
        %max3A_642 = vector.broadcast %max3A_641 : f32 to vector<16xf32>
        %max3A_643 = arith.maximumf %add3A_640, %max3A_642 : vector<16xf32>
        %add3A_644 = arith.addf %max3A_643, %get3A_12 : vector<16xf32>
        %swap3A_645 = arith.index_cast %scan3A_557 : i32 to index
        %swap3A_646 = arith.constant 48 : index
        %swap3A_647 = tpu.vector_load %arg15[%swap3A_645, %swap3A_646] {strides = array<i32>} : memref<80x128xf32, #tpu.memory_space<vmem>>, vector<1x16xf32>,
        %swap3A_648 = vector.shape_cast %swap3A_647 : vector<1x16xf32> to vector<16xf32>
        %swap3A_649 = vector.shape_cast %add3A_644 : vector<16xf32> to vector<1x16xf32>
        tpu.vector_store %arg15[%swap3A_645, %swap3A_646], %swap3A_649 {strides = array<i32>} : memref<80x128xf32, #tpu.memory_space<vmem>>, vector<1x16xf32>,
        %get3A_650 = arith.index_cast %scan3A_557 : i32 to index
        %get3A_651 = arith.constant 64 : index
        %get3A_652 = tpu.vector_load %arg12[%get3A_650, %get3A_651] {strides = array<i32>} : memref<80x128xf32, #tpu.memory_space<vmem>>, vector<1x16xf32>,
        %get3A_653 = vector.shape_cast %get3A_652 : vector<1x16xf32> to vector<16xf32>
        %get3A_654 = arith.index_cast %scan3A_557 : i32 to index
        %get3A_655 = arith.constant 64 : index
        %get3A_656 = tpu.vector_load %arg13[%get3A_654, %get3A_655] {strides = array<i32>} : memref<80x128xf32, #tpu.memory_space<vmem>>, vector<1x16xf32>,
        %get3A_657 = vector.shape_cast %get3A_656 : vector<1x16xf32> to vector<16xf32>
        %add3A_658 = arith.addf %get3A_653, %get3A_657 : vector<16xf32>
        %get3A_659 = arith.index_cast %scan3A_557 : i32 to index
        %get3A_660 = arith.constant 64 : index
        %get3A_661 = tpu.vector_load %arg15[%get3A_659, %get3A_660] {strides = array<i32>} : memref<80x128xf32, #tpu.memory_space<vmem>>, vector<1x16xf32>,
        %get3A_662 = vector.shape_cast %get3A_661 : vector<1x16xf32> to vector<16xf32>
        %add3A_663 = arith.addf %add3A_658, %get3A_662 : vector<16xf32>
        %max3A_664 = arith.constant 0.000000e+00 : f32
        %max3A_665 = vector.broadcast %max3A_664 : f32 to vector<16xf32>
        %max3A_666 = arith.maximumf %add3A_663, %max3A_665 : vector<16xf32>
        %add3A_667 = arith.addf %max3A_666, %get3A_15 : vector<16xf32>
        %swap3A_668 = arith.index_cast %scan3A_557 : i32 to index
        %swap3A_669 = arith.constant 64 : index
        %swap3A_670 = tpu.vector_load %arg15[%swap3A_668, %swap3A_669] {strides = array<i32>} : memref<80x128xf32, #tpu.memory_space<vmem>>, vector<1x16xf32>,
        %swap3A_671 = vector.shape_cast %swap3A_670 : vector<1x16xf32> to vector<16xf32>
        %swap3A_672 = vector.shape_cast %add3A_667 : vector<16xf32> to vector<1x16xf32>
        tpu.vector_store %arg15[%swap3A_668, %swap3A_669], %swap3A_672 {strides = array<i32>} : memref<80x128xf32, #tpu.memory_space<vmem>>, vector<1x16xf32>,
        %get3A_673 = arith.index_cast %scan3A_557 : i32 to index
        %get3A_674 = arith.constant 80 : index
        %get3A_675 = tpu.vector_load %arg12[%get3A_673, %get3A_674] {strides = array<i32>} : memref<80x128xf32, #tpu.memory_space<vmem>>, vector<1x16xf32>,
        %get3A_676 = vector.shape_cast %get3A_675 : vector<1x16xf32> to vector<16xf32>
        %get3A_677 = arith.index_cast %scan3A_557 : i32 to index
        %get3A_678 = arith.constant 80 : index
        %get3A_679 = tpu.vector_load %arg13[%get3A_677, %get3A_678] {strides = array<i32>} : memref<80x128xf32, #tpu.memory_space<vmem>>, vector<1x16xf32>,
        %get3A_680 = vector.shape_cast %get3A_679 : vector<1x16xf32> to vector<16xf32>
        %add3A_681 = arith.addf %get3A_676, %get3A_680 : vector<16xf32>
        %get3A_682 = arith.index_cast %scan3A_557 : i32 to index
        %get3A_683 = arith.constant 80 : index
        %get3A_684 = tpu.vector_load %arg15[%get3A_682, %get3A_683] {strides = array<i32>} : memref<80x128xf32, #tpu.memory_space<vmem>>, vector<1x16xf32>,
        %get3A_685 = vector.shape_cast %get3A_684 : vector<1x16xf32> to vector<16xf32>
        %add3A_686 = arith.addf %add3A_681, %get3A_685 : vector<16xf32>
        %max3A_687 = arith.constant 0.000000e+00 : f32
        %max3A_688 = vector.broadcast %max3A_687 : f32 to vector<16xf32>
        %max3A_689 = arith.maximumf %add3A_686, %max3A_688 : vector<16xf32>
        %add3A_690 = arith.addf %max3A_689, %get3A_18 : vector<16xf32>
        %swap3A_691 = arith.index_cast %scan3A_557 : i32 to index
        %swap3A_692 = arith.constant 80 : index
        %swap3A_693 = tpu.vector_load %arg15[%swap3A_691, %swap3A_692] {strides = array<i32>} : memref<80x128xf32, #tpu.memory_space<vmem>>, vector<1x16xf32>,
        %swap3A_694 = vector.shape_cast %swap3A_693 : vector<1x16xf32> to vector<16xf32>
        %swap3A_695 = vector.shape_cast %add3A_690 : vector<16xf32> to vector<1x16xf32>
        tpu.vector_store %arg15[%swap3A_691, %swap3A_692], %swap3A_695 {strides = array<i32>} : memref<80x128xf32, #tpu.memory_space<vmem>>, vector<1x16xf32>,
        %get3A_696 = arith.index_cast %scan3A_557 : i32 to index
        %get3A_697 = arith.constant 96 : index
        %get3A_698 = tpu.vector_load %arg12[%get3A_696, %get3A_697] {strides = array<i32>} : memref<80x128xf32, #tpu.memory_space<vmem>>, vector<1x16xf32>,
        %get3A_699 = vector.shape_cast %get3A_698 : vector<1x16xf32> to vector<16xf32>
        %get3A_700 = arith.index_cast %scan3A_557 : i32 to index
        %get3A_701 = arith.constant 96 : index
        %get3A_702 = tpu.vector_load %arg13[%get3A_700, %get3A_701] {strides = array<i32>} : memref<80x128xf32, #tpu.memory_space<vmem>>, vector<1x16xf32>,
        %get3A_703 = vector.shape_cast %get3A_702 : vector<1x16xf32> to vector<16xf32>
        %add3A_704 = arith.addf %get3A_699, %get3A_703 : vector<16xf32>
        %get3A_705 = arith.index_cast %scan3A_557 : i32 to index
        %get3A_706 = arith.constant 96 : index
        %get3A_707 = tpu.vector_load %arg15[%get3A_705, %get3A_706] {strides = array<i32>} : memref<80x128xf32, #tpu.memory_space<vmem>>, vector<1x16xf32>,
        %get3A_708 = vector.shape_cast %get3A_707 : vector<1x16xf32> to vector<16xf32>
        %add3A_709 = arith.addf %add3A_704, %get3A_708 : vector<16xf32>
        %max3A_710 = arith.constant 0.000000e+00 : f32
        %max3A_711 = vector.broadcast %max3A_710 : f32 to vector<16xf32>
        %max3A_712 = arith.maximumf %add3A_709, %max3A_711 : vector<16xf32>
        %add3A_713 = arith.addf %max3A_712, %get3A_21 : vector<16xf32>
        %swap3A_714 = arith.index_cast %scan3A_557 : i32 to index
        %swap3A_715 = arith.constant 96 : index
        %swap3A_716 = tpu.vector_load %arg15[%swap3A_714, %swap3A_715] {strides = array<i32>} : memref<80x128xf32, #tpu.memory_space<vmem>>, vector<1x16xf32>,
        %swap3A_717 = vector.shape_cast %swap3A_716 : vector<1x16xf32> to vector<16xf32>
        %swap3A_718 = vector.shape_cast %add3A_713 : vector<16xf32> to vector<1x16xf32>
        tpu.vector_store %arg15[%swap3A_714, %swap3A_715], %swap3A_718 {strides = array<i32>} : memref<80x128xf32, #tpu.memory_space<vmem>>, vector<1x16xf32>,
        %get3A_719 = arith.index_cast %scan3A_557 : i32 to index
        %get3A_720 = arith.constant 112 : index
        %get3A_721 = tpu.vector_load %arg12[%get3A_719, %get3A_720] {strides = array<i32>} : memref<80x128xf32, #tpu.memory_space<vmem>>, vector<1x16xf32>,
        %get3A_722 = vector.shape_cast %get3A_721 : vector<1x16xf32> to vector<16xf32>
        %get3A_723 = arith.index_cast %scan3A_557 : i32 to index
        %get3A_724 = arith.constant 112 : index
        %get3A_725 = tpu.vector_load %arg13[%get3A_723, %get3A_724] {strides = array<i32>} : memref<80x128xf32, #tpu.memory_space<vmem>>, vector<1x16xf32>,
        %get3A_726 = vector.shape_cast %get3A_725 : vector<1x16xf32> to vector<16xf32>
        %add3A_727 = arith.addf %get3A_722, %get3A_726 : vector<16xf32>
        %get3A_728 = arith.index_cast %scan3A_557 : i32 to index
        %get3A_729 = arith.constant 112 : index
        %get3A_730 = tpu.vector_load %arg15[%get3A_728, %get3A_729] {strides = array<i32>} : memref<80x128xf32, #tpu.memory_space<vmem>>, vector<1x16xf32>,
        %get3A_731 = vector.shape_cast %get3A_730 : vector<1x16xf32> to vector<16xf32>
        %add3A_732 = arith.addf %add3A_727, %get3A_731 : vector<16xf32>
        %max3A_733 = arith.constant 0.000000e+00 : f32
        %max3A_734 = vector.broadcast %max3A_733 : f32 to vector<16xf32>
        %max3A_735 = arith.maximumf %add3A_732, %max3A_734 : vector<16xf32>
        %add3A_736 = arith.addf %max3A_735, %get3A_24 : vector<16xf32>
        %swap3A_737 = arith.index_cast %scan3A_557 : i32 to index
        %swap3A_738 = arith.constant 112 : index
        %swap3A_739 = tpu.vector_load %arg15[%swap3A_737, %swap3A_738] {strides = array<i32>} : memref<80x128xf32, #tpu.memory_space<vmem>>, vector<1x16xf32>,
        %swap3A_740 = vector.shape_cast %swap3A_739 : vector<1x16xf32> to vector<16xf32>
        %swap3A_741 = vector.shape_cast %add3A_736 : vector<16xf32> to vector<1x16xf32>
        tpu.vector_store %arg15[%swap3A_737, %swap3A_738], %swap3A_741 {strides = array<i32>} : memref<80x128xf32, #tpu.memory_space<vmem>>, vector<1x16xf32>,
        %scan3A_742 = arith.constant 0 : i32
        scf.yield %scan3A_742 : i32
      }
      %scan3A_532 = arith.constant 80 : i32
      %add3A_533 = arith.constant 2 : i32
      %add3A_534 = arith.addi %mul3A_471, %add3A_533 : i32
      %mul3A_535 = arith.constant 80 : i32
      %mul3A_536 = arith.muli %add3A_534, %mul3A_535 : i32
      %add3A_537 = arith.addi %mul3A_415, %mul3A_536 : i32
      "tpu.region"() ({
        %run_scoped3A = tpu.sem_alloc : memref<!tpu.dma_semaphore, #tpu.memory_space<semaphore_mem>>
        %dma_start3A_557 = tpu.memref_slice %arg5[%add3A_537] : memref<320000xi32, #tpu.memory_space<hbm>> -> memref<80xi32, #tpu.memory_space<hbm>>
        %dma_start3A_558 = tpu.memref_slice %arg5[%add3A_537] : memref<320000xi32, #tpu.memory_space<hbm>> -> memref<80xi32, #tpu.memory_space<hbm>>
        tpu.enqueue_dma source(%dma_start3A_558 : memref<80xi32, #tpu.memory_space<hbm>>) target(%arg9 : memref<80xi32, #tpu.memory_space<vmem>>) target_semaphore(%run_scoped3A : memref<!tpu.dma_semaphore, #tpu.memory_space<semaphore_mem>>)
        %dma_wait3A_559 = tpu.memref_slice %arg5[%add3A_537] : memref<320000xi32, #tpu.memory_space<hbm>> -> memref<80xi32, #tpu.memory_space<hbm>>
        %dma_wait3A_560 = tpu.memref_slice %arg5[%add3A_537] : memref<320000xi32, #tpu.memory_space<hbm>> -> memref<80xi32, #tpu.memory_space<hbm>>
        tpu.wait_dma2 semaphore(%run_scoped3A : memref<!tpu.dma_semaphore, #tpu.memory_space<semaphore_mem>>) src(%dma_wait3A_560 : memref<80xi32, #tpu.memory_space<hbm>>) dst(%arg9 : memref<80xi32, #tpu.memory_space<vmem>>)
        tpu.yield
      }) : () -> ()
      "tpu.region"() ({
        %run_scoped3A = tpu.sem_alloc : memref<!tpu.dma_semaphore, #tpu.memory_space<semaphore_mem>>
        %dma_start3A_557 = tpu.memref_slice %arg6[%add3A_537] : memref<320000xi32, #tpu.memory_space<hbm>> -> memref<80xi32, #tpu.memory_space<hbm>>
        %dma_start3A_558 = tpu.memref_slice %arg6[%add3A_537] : memref<320000xi32, #tpu.memory_space<hbm>> -> memref<80xi32, #tpu.memory_space<hbm>>
        tpu.enqueue_dma source(%dma_start3A_558 : memref<80xi32, #tpu.memory_space<hbm>>) target(%arg11 : memref<80xi32, #tpu.memory_space<vmem>>) target_semaphore(%run_scoped3A : memref<!tpu.dma_semaphore, #tpu.memory_space<semaphore_mem>>)
        %dma_wait3A_559 = tpu.memref_slice %arg6[%add3A_537] : memref<320000xi32, #tpu.memory_space<hbm>> -> memref<80xi32, #tpu.memory_space<hbm>>
        %dma_wait3A_560 = tpu.memref_slice %arg6[%add3A_537] : memref<320000xi32, #tpu.memory_space<hbm>> -> memref<80xi32, #tpu.memory_space<hbm>>
        tpu.wait_dma2 semaphore(%run_scoped3A : memref<!tpu.dma_semaphore, #tpu.memory_space<semaphore_mem>>) src(%dma_wait3A_560 : memref<80xi32, #tpu.memory_space<hbm>>) dst(%arg11 : memref<80xi32, #tpu.memory_space<vmem>>)
        tpu.yield
      }) : () -> ()
      %dma_start3A_538 = arith.constant 0 : i32
      %dma_start3A_539 = arith.constant 0 : i32
      %dma_start3A_540 = tpu.memref_slice %arg2[%dma_start3A_538, %dma_start3A_539] : memref<10000x128xf32, #tpu.memory_space<hbm>> -> memref<10000x128xf32, #tpu.memory_space<hbm>>
      tpu.enqueue_indirect_dma source(%dma_start3A_540 : memref<10000x128xf32, #tpu.memory_space<hbm>>) target(%arg12 : memref<80x128xf32, #tpu.memory_space<vmem>>) offsets(%arg9 : memref<80xi32, #tpu.memory_space<vmem>>) semaphore(%arg19 : memref<!tpu.dma_semaphore, #tpu.memory_space<semaphore_mem>>)
      %dma_start3A_541 = arith.constant 0 : i32
      %dma_start3A_542 = arith.constant 0 : i32
      %dma_start3A_543 = tpu.memref_slice %arg3[%dma_start3A_541, %dma_start3A_542] : memref<10000x128xf32, #tpu.memory_space<hbm>> -> memref<10000x128xf32, #tpu.memory_space<hbm>>
      tpu.enqueue_indirect_dma source(%dma_start3A_543 : memref<10000x128xf32, #tpu.memory_space<hbm>>) target(%arg13 : memref<80x128xf32, #tpu.memory_space<vmem>>) offsets(%arg11 : memref<80xi32, #tpu.memory_space<vmem>>) semaphore(%arg20 : memref<!tpu.dma_semaphore, #tpu.memory_space<semaphore_mem>>)
      %dma_start3A_544 = arith.constant 0 : i32
      %dma_start3A_545 = tpu.memref_slice %arg4[%add3A_537, %dma_start3A_544] : memref<320000x128xf32, #tpu.memory_space<hbm>> -> memref<80x128xf32, #tpu.memory_space<hbm>>
      %dma_start3A_546 = arith.constant 0 : i32
      %dma_start3A_547 = tpu.memref_slice %arg4[%add3A_537, %dma_start3A_546] : memref<320000x128xf32, #tpu.memory_space<hbm>> -> memref<80x128xf32, #tpu.memory_space<hbm>>
      tpu.enqueue_dma source(%dma_start3A_547 : memref<80x128xf32, #tpu.memory_space<hbm>>) target(%arg14 : memref<80x128xf32, #tpu.memory_space<vmem>>) target_semaphore(%arg21 : memref<!tpu.dma_semaphore, #tpu.memory_space<semaphore_mem>>)
      %barrier3A_548 = arith.constant 0 : index
      tpu.barrier barrier_id(%barrier3A_548)
      %scan3A_549 = arith.constant 0 : i32
      %scan3A_550 = arith.constant 0 : i32
      %scan3A_551 = arith.constant 16 : i32
      %scan3A_552 = arith.addi %scan3A_550, %scan3A_551 : i32
      %scan3A_553 = arith.constant 1 : i32
      %scan3A_554 = scf.for %scan3A_557 = %scan3A_550 to %scan3A_552 step %scan3A_553 iter_args(%scan3A_558 = %scan3A_549) -> (i32)  : i32 {
        %eq3A = arith.cmpi eq, %arg1, %scan3A_557 : i32
        %convert_element_type3A = arith.extui %eq3A : i1 to i32
        %cond3A = arith.constant 0 : i32
        %cond3A_559 = arith.cmpi ne, %convert_element_type3A, %cond3A : i32
        scf.if %cond3A_559 {
          "tpu.region"() ({
            %run_scoped3A = tpu.sem_alloc : memref<!tpu.dma_semaphore, #tpu.memory_space<semaphore_mem>>
            %dma_start3A_562 = arith.constant 0 : i32
            %dma_start3A_563 = arith.constant 0 : i32
            %dma_start3A_564 = tpu.memref_slice %arg18[%dma_start3A_562, %dma_start3A_563] : memref<10240x128xf32, #tpu.memory_space<vmem_shared>> -> memref<10240x128xf32, #tpu.memory_space<vmem_shared>>
            tpu.enqueue_indirect_dma source(%arg15 : memref<80x128xf32, #tpu.memory_space<vmem>>) target(%dma_start3A_564 : memref<10240x128xf32, #tpu.memory_space<vmem_shared>>) offsets(%arg10 : memref<80xi32, #tpu.memory_space<vmem>>) semaphore(%run_scoped3A : memref<!tpu.dma_semaphore, #tpu.memory_space<semaphore_mem>>) {add = true}
            %dma_wait3A_565 = arith.constant 0 : i32
            %dma_wait3A_566 = arith.constant 0 : i32
            %dma_wait3A_567 = tpu.memref_slice %arg18[%dma_wait3A_565, %dma_wait3A_566] : memref<10240x128xf32, #tpu.memory_space<vmem_shared>> -> memref<10240x128xf32, #tpu.memory_space<vmem_shared>>
            tpu.wait_indirect_dma semaphore(%run_scoped3A : memref<!tpu.dma_semaphore, #tpu.memory_space<semaphore_mem>>) src(%arg15 : memref<80x128xf32, #tpu.memory_space<vmem>>) dst(%dma_wait3A_567 : memref<10240x128xf32, #tpu.memory_space<vmem_shared>>)
            tpu.yield
          }) : () -> ()
        } else {
        }
        %barrier3A_560 = arith.constant 0 : index
        tpu.barrier barrier_id(%barrier3A_560)
        %scan3A_561 = arith.constant 0 : i32
        scf.yield %scan3A_561 : i32
      }
      %scan3A_555 = arith.constant 16 : i32
      %scan3A_556 = arith.constant 0 : i32
      scf.yield %scan3A_556 : i32
    }
    %scan3A_433 = arith.constant 62 : i32
    %dma_wait3A = arith.constant 0 : i32
    %dma_wait3A_434 = arith.constant 0 : i32
    %dma_wait3A_435 = tpu.memref_slice %arg2[%dma_wait3A, %dma_wait3A_434] : memref<10000x128xf32, #tpu.memory_space<hbm>> -> memref<10000x128xf32, #tpu.memory_space<hbm>>
    tpu.wait_indirect_dma semaphore(%arg19 : memref<!tpu.dma_semaphore, #tpu.memory_space<semaphore_mem>>) src(%dma_wait3A_435 : memref<10000x128xf32, #tpu.memory_space<hbm>>) dst(%arg12 : memref<80x128xf32, #tpu.memory_space<vmem>>)
    %dma_wait3A_436 = arith.constant 0 : i32
    %dma_wait3A_437 = arith.constant 0 : i32
    %dma_wait3A_438 = tpu.memref_slice %arg3[%dma_wait3A_436, %dma_wait3A_437] : memref<10000x128xf32, #tpu.memory_space<hbm>> -> memref<10000x128xf32, #tpu.memory_space<hbm>>
    tpu.wait_indirect_dma semaphore(%arg20 : memref<!tpu.dma_semaphore, #tpu.memory_space<semaphore_mem>>) src(%dma_wait3A_438 : memref<10000x128xf32, #tpu.memory_space<hbm>>) dst(%arg13 : memref<80x128xf32, #tpu.memory_space<vmem>>)
    %dma_wait3A_439 = arith.constant 0 : i32
    %dma_wait3A_440 = arith.constant 0 : i32
    %dma_wait3A_441 = tpu.memref_slice %arg4[%dma_wait3A_439, %dma_wait3A_440] : memref<320000x128xf32, #tpu.memory_space<hbm>> -> memref<80x128xf32, #tpu.memory_space<hbm>>
    %dma_wait3A_442 = arith.constant 0 : i32
    %dma_wait3A_443 = arith.constant 0 : i32
    %dma_wait3A_444 = tpu.memref_slice %arg4[%dma_wait3A_442, %dma_wait3A_443] : memref<320000x128xf32, #tpu.memory_space<hbm>> -> memref<80x128xf32, #tpu.memory_space<hbm>>
    tpu.wait_dma2 semaphore(%arg21 : memref<!tpu.dma_semaphore, #tpu.memory_space<semaphore_mem>>) src(%dma_wait3A_444 : memref<80x128xf32, #tpu.memory_space<hbm>>) dst(%arg14 : memref<80x128xf32, #tpu.memory_space<vmem>>)
    %scan3A_445 = arith.constant 0 : i32
    %scan3A_446 = arith.constant 0 : i32
    %scan3A_447 = arith.constant 80 : i32
    %scan3A_448 = arith.addi %scan3A_446, %scan3A_447 : i32
    %scan3A_449 = arith.constant 1 : i32
    %scan3A_450 = scf.for %scan3A_468 = %scan3A_446 to %scan3A_448 step %scan3A_449 iter_args(%scan3A_469 = %scan3A_445) -> (i32)  : i32 {
      %get3A_470 = arith.index_cast %scan3A_468 : i32 to index
      %get3A_471 = arith.constant 0 : index
      %get3A_472 = tpu.vector_load %arg12[%get3A_470, %get3A_471] {strides = array<i32>} : memref<80x128xf32, #tpu.memory_space<vmem>>, vector<1x16xf32>,
      %get3A_473 = vector.shape_cast %get3A_472 : vector<1x16xf32> to vector<16xf32>
      %get3A_474 = arith.index_cast %scan3A_468 : i32 to index
      %get3A_475 = arith.constant 0 : index
      %get3A_476 = tpu.vector_load %arg13[%get3A_474, %get3A_475] {strides = array<i32>} : memref<80x128xf32, #tpu.memory_space<vmem>>, vector<1x16xf32>,
      %get3A_477 = vector.shape_cast %get3A_476 : vector<1x16xf32> to vector<16xf32>
      %add3A_478 = arith.addf %get3A_473, %get3A_477 : vector<16xf32>
      %get3A_479 = arith.index_cast %scan3A_468 : i32 to index
      %get3A_480 = arith.constant 0 : index
      %get3A_481 = tpu.vector_load %arg14[%get3A_479, %get3A_480] {strides = array<i32>} : memref<80x128xf32, #tpu.memory_space<vmem>>, vector<1x16xf32>,
      %get3A_482 = vector.shape_cast %get3A_481 : vector<1x16xf32> to vector<16xf32>
      %add3A_483 = arith.addf %add3A_478, %get3A_482 : vector<16xf32>
      %max3A = arith.constant 0.000000e+00 : f32
      %max3A_484 = vector.broadcast %max3A : f32 to vector<16xf32>
      %max3A_485 = arith.maximumf %add3A_483, %max3A_484 : vector<16xf32>
      %add3A_486 = arith.addf %max3A_485, %get3A_3 : vector<16xf32>
      %swap3A_487 = arith.index_cast %scan3A_468 : i32 to index
      %swap3A_488 = arith.constant 0 : index
      %swap3A_489 = tpu.vector_load %arg14[%swap3A_487, %swap3A_488] {strides = array<i32>} : memref<80x128xf32, #tpu.memory_space<vmem>>, vector<1x16xf32>,
      %swap3A_490 = vector.shape_cast %swap3A_489 : vector<1x16xf32> to vector<16xf32>
      %swap3A_491 = vector.shape_cast %add3A_486 : vector<16xf32> to vector<1x16xf32>
      tpu.vector_store %arg14[%swap3A_487, %swap3A_488], %swap3A_491 {strides = array<i32>} : memref<80x128xf32, #tpu.memory_space<vmem>>, vector<1x16xf32>,
      %get3A_492 = arith.index_cast %scan3A_468 : i32 to index
      %get3A_493 = arith.constant 16 : index
      %get3A_494 = tpu.vector_load %arg12[%get3A_492, %get3A_493] {strides = array<i32>} : memref<80x128xf32, #tpu.memory_space<vmem>>, vector<1x16xf32>,
      %get3A_495 = vector.shape_cast %get3A_494 : vector<1x16xf32> to vector<16xf32>
      %get3A_496 = arith.index_cast %scan3A_468 : i32 to index
      %get3A_497 = arith.constant 16 : index
      %get3A_498 = tpu.vector_load %arg13[%get3A_496, %get3A_497] {strides = array<i32>} : memref<80x128xf32, #tpu.memory_space<vmem>>, vector<1x16xf32>,
      %get3A_499 = vector.shape_cast %get3A_498 : vector<1x16xf32> to vector<16xf32>
      %add3A_500 = arith.addf %get3A_495, %get3A_499 : vector<16xf32>
      %get3A_501 = arith.index_cast %scan3A_468 : i32 to index
      %get3A_502 = arith.constant 16 : index
      %get3A_503 = tpu.vector_load %arg14[%get3A_501, %get3A_502] {strides = array<i32>} : memref<80x128xf32, #tpu.memory_space<vmem>>, vector<1x16xf32>,
      %get3A_504 = vector.shape_cast %get3A_503 : vector<1x16xf32> to vector<16xf32>
      %add3A_505 = arith.addf %add3A_500, %get3A_504 : vector<16xf32>
      %max3A_506 = arith.constant 0.000000e+00 : f32
      %max3A_507 = vector.broadcast %max3A_506 : f32 to vector<16xf32>
      %max3A_508 = arith.maximumf %add3A_505, %max3A_507 : vector<16xf32>
      %add3A_509 = arith.addf %max3A_508, %get3A_6 : vector<16xf32>
      %swap3A_510 = arith.index_cast %scan3A_468 : i32 to index
      %swap3A_511 = arith.constant 16 : index
      %swap3A_512 = tpu.vector_load %arg14[%swap3A_510, %swap3A_511] {strides = array<i32>} : memref<80x128xf32, #tpu.memory_space<vmem>>, vector<1x16xf32>,
      %swap3A_513 = vector.shape_cast %swap3A_512 : vector<1x16xf32> to vector<16xf32>
      %swap3A_514 = vector.shape_cast %add3A_509 : vector<16xf32> to vector<1x16xf32>
      tpu.vector_store %arg14[%swap3A_510, %swap3A_511], %swap3A_514 {strides = array<i32>} : memref<80x128xf32, #tpu.memory_space<vmem>>, vector<1x16xf32>,
      %get3A_515 = arith.index_cast %scan3A_468 : i32 to index
      %get3A_516 = arith.constant 32 : index
      %get3A_517 = tpu.vector_load %arg12[%get3A_515, %get3A_516] {strides = array<i32>} : memref<80x128xf32, #tpu.memory_space<vmem>>, vector<1x16xf32>,
      %get3A_518 = vector.shape_cast %get3A_517 : vector<1x16xf32> to vector<16xf32>
      %get3A_519 = arith.index_cast %scan3A_468 : i32 to index
      %get3A_520 = arith.constant 32 : index
      %get3A_521 = tpu.vector_load %arg13[%get3A_519, %get3A_520] {strides = array<i32>} : memref<80x128xf32, #tpu.memory_space<vmem>>, vector<1x16xf32>,
      %get3A_522 = vector.shape_cast %get3A_521 : vector<1x16xf32> to vector<16xf32>
      %add3A_523 = arith.addf %get3A_518, %get3A_522 : vector<16xf32>
      %get3A_524 = arith.index_cast %scan3A_468 : i32 to index
      %get3A_525 = arith.constant 32 : index
      %get3A_526 = tpu.vector_load %arg14[%get3A_524, %get3A_525] {strides = array<i32>} : memref<80x128xf32, #tpu.memory_space<vmem>>, vector<1x16xf32>,
      %get3A_527 = vector.shape_cast %get3A_526 : vector<1x16xf32> to vector<16xf32>
      %add3A_528 = arith.addf %add3A_523, %get3A_527 : vector<16xf32>
      %max3A_529 = arith.constant 0.000000e+00 : f32
      %max3A_530 = vector.broadcast %max3A_529 : f32 to vector<16xf32>
      %max3A_531 = arith.maximumf %add3A_528, %max3A_530 : vector<16xf32>
      %add3A_532 = arith.addf %max3A_531, %get3A_9 : vector<16xf32>
      %swap3A_533 = arith.index_cast %scan3A_468 : i32 to index
      %swap3A_534 = arith.constant 32 : index
      %swap3A_535 = tpu.vector_load %arg14[%swap3A_533, %swap3A_534] {strides = array<i32>} : memref<80x128xf32, #tpu.memory_space<vmem>>, vector<1x16xf32>,
      %swap3A_536 = vector.shape_cast %swap3A_535 : vector<1x16xf32> to vector<16xf32>
      %swap3A_537 = vector.shape_cast %add3A_532 : vector<16xf32> to vector<1x16xf32>
      tpu.vector_store %arg14[%swap3A_533, %swap3A_534], %swap3A_537 {strides = array<i32>} : memref<80x128xf32, #tpu.memory_space<vmem>>, vector<1x16xf32>,
      %get3A_538 = arith.index_cast %scan3A_468 : i32 to index
      %get3A_539 = arith.constant 48 : index
      %get3A_540 = tpu.vector_load %arg12[%get3A_538, %get3A_539] {strides = array<i32>} : memref<80x128xf32, #tpu.memory_space<vmem>>, vector<1x16xf32>,
      %get3A_541 = vector.shape_cast %get3A_540 : vector<1x16xf32> to vector<16xf32>
      %get3A_542 = arith.index_cast %scan3A_468 : i32 to index
      %get3A_543 = arith.constant 48 : index
      %get3A_544 = tpu.vector_load %arg13[%get3A_542, %get3A_543] {strides = array<i32>} : memref<80x128xf32, #tpu.memory_space<vmem>>, vector<1x16xf32>,
      %get3A_545 = vector.shape_cast %get3A_544 : vector<1x16xf32> to vector<16xf32>
      %add3A_546 = arith.addf %get3A_541, %get3A_545 : vector<16xf32>
      %get3A_547 = arith.index_cast %scan3A_468 : i32 to index
      %get3A_548 = arith.constant 48 : index
      %get3A_549 = tpu.vector_load %arg14[%get3A_547, %get3A_548] {strides = array<i32>} : memref<80x128xf32, #tpu.memory_space<vmem>>, vector<1x16xf32>,
      %get3A_550 = vector.shape_cast %get3A_549 : vector<1x16xf32> to vector<16xf32>
      %add3A_551 = arith.addf %add3A_546, %get3A_550 : vector<16xf32>
      %max3A_552 = arith.constant 0.000000e+00 : f32
      %max3A_553 = vector.broadcast %max3A_552 : f32 to vector<16xf32>
      %max3A_554 = arith.maximumf %add3A_551, %max3A_553 : vector<16xf32>
      %add3A_555 = arith.addf %max3A_554, %get3A_12 : vector<16xf32>
      %swap3A_556 = arith.index_cast %scan3A_468 : i32 to index
      %swap3A_557 = arith.constant 48 : index
      %swap3A_558 = tpu.vector_load %arg14[%swap3A_556, %swap3A_557] {strides = array<i32>} : memref<80x128xf32, #tpu.memory_space<vmem>>, vector<1x16xf32>,
      %swap3A_559 = vector.shape_cast %swap3A_558 : vector<1x16xf32> to vector<16xf32>
      %swap3A_560 = vector.shape_cast %add3A_555 : vector<16xf32> to vector<1x16xf32>
      tpu.vector_store %arg14[%swap3A_556, %swap3A_557], %swap3A_560 {strides = array<i32>} : memref<80x128xf32, #tpu.memory_space<vmem>>, vector<1x16xf32>,
      %get3A_561 = arith.index_cast %scan3A_468 : i32 to index
      %get3A_562 = arith.constant 64 : index
      %get3A_563 = tpu.vector_load %arg12[%get3A_561, %get3A_562] {strides = array<i32>} : memref<80x128xf32, #tpu.memory_space<vmem>>, vector<1x16xf32>,
      %get3A_564 = vector.shape_cast %get3A_563 : vector<1x16xf32> to vector<16xf32>
      %get3A_565 = arith.index_cast %scan3A_468 : i32 to index
      %get3A_566 = arith.constant 64 : index
      %get3A_567 = tpu.vector_load %arg13[%get3A_565, %get3A_566] {strides = array<i32>} : memref<80x128xf32, #tpu.memory_space<vmem>>, vector<1x16xf32>,
      %get3A_568 = vector.shape_cast %get3A_567 : vector<1x16xf32> to vector<16xf32>
      %add3A_569 = arith.addf %get3A_564, %get3A_568 : vector<16xf32>
      %get3A_570 = arith.index_cast %scan3A_468 : i32 to index
      %get3A_571 = arith.constant 64 : index
      %get3A_572 = tpu.vector_load %arg14[%get3A_570, %get3A_571] {strides = array<i32>} : memref<80x128xf32, #tpu.memory_space<vmem>>, vector<1x16xf32>,
      %get3A_573 = vector.shape_cast %get3A_572 : vector<1x16xf32> to vector<16xf32>
      %add3A_574 = arith.addf %add3A_569, %get3A_573 : vector<16xf32>
      %max3A_575 = arith.constant 0.000000e+00 : f32
      %max3A_576 = vector.broadcast %max3A_575 : f32 to vector<16xf32>
      %max3A_577 = arith.maximumf %add3A_574, %max3A_576 : vector<16xf32>
      %add3A_578 = arith.addf %max3A_577, %get3A_15 : vector<16xf32>
      %swap3A_579 = arith.index_cast %scan3A_468 : i32 to index
      %swap3A_580 = arith.constant 64 : index
      %swap3A_581 = tpu.vector_load %arg14[%swap3A_579, %swap3A_580] {strides = array<i32>} : memref<80x128xf32, #tpu.memory_space<vmem>>, vector<1x16xf32>,
      %swap3A_582 = vector.shape_cast %swap3A_581 : vector<1x16xf32> to vector<16xf32>
      %swap3A_583 = vector.shape_cast %add3A_578 : vector<16xf32> to vector<1x16xf32>
      tpu.vector_store %arg14[%swap3A_579, %swap3A_580], %swap3A_583 {strides = array<i32>} : memref<80x128xf32, #tpu.memory_space<vmem>>, vector<1x16xf32>,
      %get3A_584 = arith.index_cast %scan3A_468 : i32 to index
      %get3A_585 = arith.constant 80 : index
      %get3A_586 = tpu.vector_load %arg12[%get3A_584, %get3A_585] {strides = array<i32>} : memref<80x128xf32, #tpu.memory_space<vmem>>, vector<1x16xf32>,
      %get3A_587 = vector.shape_cast %get3A_586 : vector<1x16xf32> to vector<16xf32>
      %get3A_588 = arith.index_cast %scan3A_468 : i32 to index
      %get3A_589 = arith.constant 80 : index
      %get3A_590 = tpu.vector_load %arg13[%get3A_588, %get3A_589] {strides = array<i32>} : memref<80x128xf32, #tpu.memory_space<vmem>>, vector<1x16xf32>,
      %get3A_591 = vector.shape_cast %get3A_590 : vector<1x16xf32> to vector<16xf32>
      %add3A_592 = arith.addf %get3A_587, %get3A_591 : vector<16xf32>
      %get3A_593 = arith.index_cast %scan3A_468 : i32 to index
      %get3A_594 = arith.constant 80 : index
      %get3A_595 = tpu.vector_load %arg14[%get3A_593, %get3A_594] {strides = array<i32>} : memref<80x128xf32, #tpu.memory_space<vmem>>, vector<1x16xf32>,
      %get3A_596 = vector.shape_cast %get3A_595 : vector<1x16xf32> to vector<16xf32>
      %add3A_597 = arith.addf %add3A_592, %get3A_596 : vector<16xf32>
      %max3A_598 = arith.constant 0.000000e+00 : f32
      %max3A_599 = vector.broadcast %max3A_598 : f32 to vector<16xf32>
      %max3A_600 = arith.maximumf %add3A_597, %max3A_599 : vector<16xf32>
      %add3A_601 = arith.addf %max3A_600, %get3A_18 : vector<16xf32>
      %swap3A_602 = arith.index_cast %scan3A_468 : i32 to index
      %swap3A_603 = arith.constant 80 : index
      %swap3A_604 = tpu.vector_load %arg14[%swap3A_602, %swap3A_603] {strides = array<i32>} : memref<80x128xf32, #tpu.memory_space<vmem>>, vector<1x16xf32>,
      %swap3A_605 = vector.shape_cast %swap3A_604 : vector<1x16xf32> to vector<16xf32>
      %swap3A_606 = vector.shape_cast %add3A_601 : vector<16xf32> to vector<1x16xf32>
      tpu.vector_store %arg14[%swap3A_602, %swap3A_603], %swap3A_606 {strides = array<i32>} : memref<80x128xf32, #tpu.memory_space<vmem>>, vector<1x16xf32>,
      %get3A_607 = arith.index_cast %scan3A_468 : i32 to index
      %get3A_608 = arith.constant 96 : index
      %get3A_609 = tpu.vector_load %arg12[%get3A_607, %get3A_608] {strides = array<i32>} : memref<80x128xf32, #tpu.memory_space<vmem>>, vector<1x16xf32>,
      %get3A_610 = vector.shape_cast %get3A_609 : vector<1x16xf32> to vector<16xf32>
      %get3A_611 = arith.index_cast %scan3A_468 : i32 to index
      %get3A_612 = arith.constant 96 : index
      %get3A_613 = tpu.vector_load %arg13[%get3A_611, %get3A_612] {strides = array<i32>} : memref<80x128xf32, #tpu.memory_space<vmem>>, vector<1x16xf32>,
      %get3A_614 = vector.shape_cast %get3A_613 : vector<1x16xf32> to vector<16xf32>
      %add3A_615 = arith.addf %get3A_610, %get3A_614 : vector<16xf32>
      %get3A_616 = arith.index_cast %scan3A_468 : i32 to index
      %get3A_617 = arith.constant 96 : index
      %get3A_618 = tpu.vector_load %arg14[%get3A_616, %get3A_617] {strides = array<i32>} : memref<80x128xf32, #tpu.memory_space<vmem>>, vector<1x16xf32>,
      %get3A_619 = vector.shape_cast %get3A_618 : vector<1x16xf32> to vector<16xf32>
      %add3A_620 = arith.addf %add3A_615, %get3A_619 : vector<16xf32>
      %max3A_621 = arith.constant 0.000000e+00 : f32
      %max3A_622 = vector.broadcast %max3A_621 : f32 to vector<16xf32>
      %max3A_623 = arith.maximumf %add3A_620, %max3A_622 : vector<16xf32>
      %add3A_624 = arith.addf %max3A_623, %get3A_21 : vector<16xf32>
      %swap3A_625 = arith.index_cast %scan3A_468 : i32 to index
      %swap3A_626 = arith.constant 96 : index
      %swap3A_627 = tpu.vector_load %arg14[%swap3A_625, %swap3A_626] {strides = array<i32>} : memref<80x128xf32, #tpu.memory_space<vmem>>, vector<1x16xf32>,
      %swap3A_628 = vector.shape_cast %swap3A_627 : vector<1x16xf32> to vector<16xf32>
      %swap3A_629 = vector.shape_cast %add3A_624 : vector<16xf32> to vector<1x16xf32>
      tpu.vector_store %arg14[%swap3A_625, %swap3A_626], %swap3A_629 {strides = array<i32>} : memref<80x128xf32, #tpu.memory_space<vmem>>, vector<1x16xf32>,
      %get3A_630 = arith.index_cast %scan3A_468 : i32 to index
      %get3A_631 = arith.constant 112 : index
      %get3A_632 = tpu.vector_load %arg12[%get3A_630, %get3A_631] {strides = array<i32>} : memref<80x128xf32, #tpu.memory_space<vmem>>, vector<1x16xf32>,
      %get3A_633 = vector.shape_cast %get3A_632 : vector<1x16xf32> to vector<16xf32>
      %get3A_634 = arith.index_cast %scan3A_468 : i32 to index
      %get3A_635 = arith.constant 112 : index
      %get3A_636 = tpu.vector_load %arg13[%get3A_634, %get3A_635] {strides = array<i32>} : memref<80x128xf32, #tpu.memory_space<vmem>>, vector<1x16xf32>,
      %get3A_637 = vector.shape_cast %get3A_636 : vector<1x16xf32> to vector<16xf32>
      %add3A_638 = arith.addf %get3A_633, %get3A_637 : vector<16xf32>
      %get3A_639 = arith.index_cast %scan3A_468 : i32 to index
      %get3A_640 = arith.constant 112 : index
      %get3A_641 = tpu.vector_load %arg14[%get3A_639, %get3A_640] {strides = array<i32>} : memref<80x128xf32, #tpu.memory_space<vmem>>, vector<1x16xf32>,
      %get3A_642 = vector.shape_cast %get3A_641 : vector<1x16xf32> to vector<16xf32>
      %add3A_643 = arith.addf %add3A_638, %get3A_642 : vector<16xf32>
      %max3A_644 = arith.constant 0.000000e+00 : f32
      %max3A_645 = vector.broadcast %max3A_644 : f32 to vector<16xf32>
      %max3A_646 = arith.maximumf %add3A_643, %max3A_645 : vector<16xf32>
      %add3A_647 = arith.addf %max3A_646, %get3A_24 : vector<16xf32>
      %swap3A_648 = arith.index_cast %scan3A_468 : i32 to index
      %swap3A_649 = arith.constant 112 : index
      %swap3A_650 = tpu.vector_load %arg14[%swap3A_648, %swap3A_649] {strides = array<i32>} : memref<80x128xf32, #tpu.memory_space<vmem>>, vector<1x16xf32>,
      %swap3A_651 = vector.shape_cast %swap3A_650 : vector<1x16xf32> to vector<16xf32>
      %swap3A_652 = vector.shape_cast %add3A_647 : vector<16xf32> to vector<1x16xf32>
      tpu.vector_store %arg14[%swap3A_648, %swap3A_649], %swap3A_652 {strides = array<i32>} : memref<80x128xf32, #tpu.memory_space<vmem>>, vector<1x16xf32>,
      %scan3A_653 = arith.constant 0 : i32
      scf.yield %scan3A_653 : i32
    }
    %scan3A_451 = arith.constant 80 : i32
    %barrier3A_452 = arith.constant 0 : index
    tpu.barrier barrier_id(%barrier3A_452)
    %scan3A_453 = arith.constant 0 : i32
    %scan3A_454 = arith.constant 0 : i32
    %scan3A_455 = arith.constant 16 : i32
    %scan3A_456 = arith.addi %scan3A_454, %scan3A_455 : i32
    %scan3A_457 = arith.constant 1 : i32
    %scan3A_458 = scf.for %scan3A_468 = %scan3A_454 to %scan3A_456 step %scan3A_457 iter_args(%scan3A_469 = %scan3A_453) -> (i32)  : i32 {
      %eq3A = arith.cmpi eq, %arg1, %scan3A_468 : i32
      %convert_element_type3A = arith.extui %eq3A : i1 to i32
      %cond3A = arith.constant 0 : i32
      %cond3A_470 = arith.cmpi ne, %convert_element_type3A, %cond3A : i32
      scf.if %cond3A_470 {
        "tpu.region"() ({
          %run_scoped3A = tpu.sem_alloc : memref<!tpu.dma_semaphore, #tpu.memory_space<semaphore_mem>>
          %dma_start3A_473 = arith.constant 0 : i32
          %dma_start3A_474 = arith.constant 0 : i32
          %dma_start3A_475 = tpu.memref_slice %arg18[%dma_start3A_473, %dma_start3A_474] : memref<10240x128xf32, #tpu.memory_space<vmem_shared>> -> memref<10240x128xf32, #tpu.memory_space<vmem_shared>>
          tpu.enqueue_indirect_dma source(%arg14 : memref<80x128xf32, #tpu.memory_space<vmem>>) target(%dma_start3A_475 : memref<10240x128xf32, #tpu.memory_space<vmem_shared>>) offsets(%arg9 : memref<80xi32, #tpu.memory_space<vmem>>) semaphore(%run_scoped3A : memref<!tpu.dma_semaphore, #tpu.memory_space<semaphore_mem>>) {add = true}
          %dma_wait3A_476 = arith.constant 0 : i32
          %dma_wait3A_477 = arith.constant 0 : i32
          %dma_wait3A_478 = tpu.memref_slice %arg18[%dma_wait3A_476, %dma_wait3A_477] : memref<10240x128xf32, #tpu.memory_space<vmem_shared>> -> memref<10240x128xf32, #tpu.memory_space<vmem_shared>>
          tpu.wait_indirect_dma semaphore(%run_scoped3A : memref<!tpu.dma_semaphore, #tpu.memory_space<semaphore_mem>>) src(%arg14 : memref<80x128xf32, #tpu.memory_space<vmem>>) dst(%dma_wait3A_478 : memref<10240x128xf32, #tpu.memory_space<vmem_shared>>)
          tpu.yield
        }) : () -> ()
      } else {
      }
      %barrier3A_471 = arith.constant 0 : index
      tpu.barrier barrier_id(%barrier3A_471)
      %scan3A_472 = arith.constant 0 : i32
      scf.yield %scan3A_472 : i32
    }
    %scan3A_459 = arith.constant 16 : i32
    %barrier3A_460 = arith.constant 0 : index
    tpu.barrier barrier_id(%barrier3A_460)
    %scan3A_461 = arith.constant 0 : i32
    %scan3A_462 = arith.constant 0 : i32
    %scan3A_463 = arith.constant 8 : i32
    %scan3A_464 = arith.addi %scan3A_462, %scan3A_463 : i32
    %scan3A_465 = arith.constant 1 : i32
    %scan3A_466 = scf.for %scan3A_468 = %scan3A_462 to %scan3A_464 step %scan3A_465 iter_args(%scan3A_469 = %scan3A_461) -> (i32)  : i32 {
      %mul3A_470 = arith.constant 640 : i32
      %mul3A_471 = arith.muli %arg1, %mul3A_470 : i32
      %mul3A_472 = arith.constant 80 : i32
      %mul3A_473 = arith.muli %scan3A_468, %mul3A_472 : i32
      %add3A_474 = arith.addi %mul3A_471, %mul3A_473 : i32
      "tpu.region"() ({
        %run_scoped3A = tpu.sem_alloc : memref<!tpu.dma_semaphore, #tpu.memory_space<semaphore_mem>>
        %dma_start3A_476 = arith.constant 0 : i32
        %dma_start3A_477 = tpu.memref_slice %arg18[%add3A_474, %dma_start3A_476] : memref<10240x128xf32, #tpu.memory_space<vmem_shared>> -> memref<80x128xf32, #tpu.memory_space<vmem_shared>>
        %dma_start3A_478 = arith.constant 0 : i32
        %dma_start3A_479 = tpu.memref_slice %arg18[%add3A_474, %dma_start3A_478] : memref<10240x128xf32, #tpu.memory_space<vmem_shared>> -> memref<80x128xf32, #tpu.memory_space<vmem_shared>>
        tpu.enqueue_dma source(%dma_start3A_479 : memref<80x128xf32, #tpu.memory_space<vmem_shared>>) target(%arg12 : memref<80x128xf32, #tpu.memory_space<vmem>>) target_semaphore(%run_scoped3A : memref<!tpu.dma_semaphore, #tpu.memory_space<semaphore_mem>>)
        %dma_wait3A_480 = arith.constant 0 : i32
        %dma_wait3A_481 = tpu.memref_slice %arg18[%add3A_474, %dma_wait3A_480] : memref<10240x128xf32, #tpu.memory_space<vmem_shared>> -> memref<80x128xf32, #tpu.memory_space<vmem_shared>>
        %dma_wait3A_482 = arith.constant 0 : i32
        %dma_wait3A_483 = tpu.memref_slice %arg18[%add3A_474, %dma_wait3A_482] : memref<10240x128xf32, #tpu.memory_space<vmem_shared>> -> memref<80x128xf32, #tpu.memory_space<vmem_shared>>
        tpu.wait_dma2 semaphore(%run_scoped3A : memref<!tpu.dma_semaphore, #tpu.memory_space<semaphore_mem>>) src(%dma_wait3A_483 : memref<80x128xf32, #tpu.memory_space<vmem_shared>>) dst(%arg12 : memref<80x128xf32, #tpu.memory_space<vmem>>)
        tpu.yield
      }) : () -> ()
      "tpu.region"() ({
        %run_scoped3A = tpu.sem_alloc : memref<!tpu.dma_semaphore, #tpu.memory_space<semaphore_mem>>
        %dma_start3A_476 = arith.constant 0 : i32
        %dma_start3A_477 = tpu.memref_slice %arg8[%arg0, %add3A_474, %dma_start3A_476] : memref<2x10240x128xf32, #tpu.memory_space<hbm>> -> memref<1x80x128xf32, #tpu.memory_space<hbm>>
        %dma_start3A_478 = tpu.memref_squeeze %dma_start3A_477 : memref<1x80x128xf32, #tpu.memory_space<hbm>> -> memref<80x128xf32, #tpu.memory_space<hbm>>
        %dma_start3A_479 = arith.constant 0 : i32
        %dma_start3A_480 = tpu.memref_slice %arg8[%arg0, %add3A_474, %dma_start3A_479] : memref<2x10240x128xf32, #tpu.memory_space<hbm>> -> memref<1x80x128xf32, #tpu.memory_space<hbm>>
        %dma_start3A_481 = tpu.memref_squeeze %dma_start3A_480 : memref<1x80x128xf32, #tpu.memory_space<hbm>> -> memref<80x128xf32, #tpu.memory_space<hbm>>
        tpu.enqueue_dma source(%arg12 : memref<80x128xf32, #tpu.memory_space<vmem>>) target(%dma_start3A_481 : memref<80x128xf32, #tpu.memory_space<hbm>>) target_semaphore(%run_scoped3A : memref<!tpu.dma_semaphore, #tpu.memory_space<semaphore_mem>>)
        %dma_wait3A_482 = arith.constant 0 : i32
        %dma_wait3A_483 = tpu.memref_slice %arg8[%arg0, %add3A_474, %dma_wait3A_482] : memref<2x10240x128xf32, #tpu.memory_space<hbm>> -> memref<1x80x128xf32, #tpu.memory_space<hbm>>
        %dma_wait3A_484 = tpu.memref_squeeze %dma_wait3A_483 : memref<1x80x128xf32, #tpu.memory_space<hbm>> -> memref<80x128xf32, #tpu.memory_space<hbm>>
        %dma_wait3A_485 = arith.constant 0 : i32
        %dma_wait3A_486 = tpu.memref_slice %arg8[%arg0, %add3A_474, %dma_wait3A_485] : memref<2x10240x128xf32, #tpu.memory_space<hbm>> -> memref<1x80x128xf32, #tpu.memory_space<hbm>>
        %dma_wait3A_487 = tpu.memref_squeeze %dma_wait3A_486 : memref<1x80x128xf32, #tpu.memory_space<hbm>> -> memref<80x128xf32, #tpu.memory_space<hbm>>
        tpu.wait_dma2 semaphore(%run_scoped3A : memref<!tpu.dma_semaphore, #tpu.memory_space<semaphore_mem>>) src(%arg12 : memref<80x128xf32, #tpu.memory_space<vmem>>) dst(%dma_wait3A_487 : memref<80x128xf32, #tpu.memory_space<hbm>>)
        tpu.yield
      }) : () -> ()
      %scan3A_475 = arith.constant 0 : i32
      scf.yield %scan3A_475 : i32
    }
    %scan3A_467 = arith.constant 8 : i32
    return
  }
}

module attributes {stable_mosaic.version = 14 : i64} {
  func.func @body(%arg0: i32, %arg1: memref<2000x128xf32, #tpu.memory_space<vmem>>, %arg2: memref<128x128xf32, #tpu.memory_space<vmem>>, %arg3: memref<128x128xf32, #tpu.memory_space<vmem>>, %arg4: memref<2000x128xf32, #tpu.memory_space<vmem>>, %arg5: memref<2000x128xf32, #tpu.memory_space<vmem>>) attributes {dimension_semantics = [#tpu.dimension_semantics<arbitrary>], iteration_bounds = array<i64: 5>, scalar_prefetch = 0 : i64, scratch_operands = 0 : i64, tpu.core_type = #tpu.core_type<tc>, window_params = [{transform_indices = @transform_0, window_bounds = array<i64: 2000, 128>}, {pipeline_mode = #tpu.pipeline_mode<synchronous>, transform_indices = @transform_1, window_bounds = array<i64: 128, 128>}, {pipeline_mode = #tpu.pipeline_mode<synchronous>, transform_indices = @transform_2, window_bounds = array<i64: 128, 128>}, {transform_indices = @transform_3, window_bounds = array<i64: 2000, 128>}, {transform_indices = @transform_4, window_bounds = array<i64: 2000, 128>}]} {
    %get3A = arith.constant 0 : index
    %get3A_0 = arith.constant 0 : index
    %get3A_1 = vector.load %arg1[%get3A, %get3A_0] : memref<2000x128xf32, #tpu.memory_space<vmem>>, vector<2000x128xf32>
    %get3A_2 = arith.constant 0 : index
    %get3A_3 = arith.constant 0 : index
    %get3A_4 = vector.load %arg2[%get3A_2, %get3A_3] : memref<128x128xf32, #tpu.memory_space<vmem>>, vector<128x128xf32>
    %dot_general3A = arith.constant dense<0.000000e+00> : vector<2000x128xf32>
    %dot_general3A_5 = tpu.matmul %get3A_1, %get3A_4, %dot_general3A {dimension_numbers = #tpu.dot_dimension_numbers<[1], [0], [0], [1], [0, 0, 1, 1], [], []>, transpose_lhs_hint = false} : vector<2000x128xf32>, vector<128x128xf32>, vector<2000x128xf32> -> vector<2000x128xf32>
    %swap3A = arith.constant 0 : index
    %swap3A_6 = arith.constant 0 : index
    %swap3A_7 = vector.load %arg4[%swap3A, %swap3A_6] : memref<2000x128xf32, #tpu.memory_space<vmem>>, vector<2000x128xf32>
    tpu.vector_store %arg4[%swap3A, %swap3A_6], %dot_general3A_5 {strides = array<i32>} : memref<2000x128xf32, #tpu.memory_space<vmem>>, vector<2000x128xf32>,
    %get3A_8 = arith.constant 0 : index
    %get3A_9 = arith.constant 0 : index
    %get3A_10 = vector.load %arg3[%get3A_8, %get3A_9] : memref<128x128xf32, #tpu.memory_space<vmem>>, vector<128x128xf32>
    %dot_general3A_11 = arith.constant dense<0.000000e+00> : vector<2000x128xf32>
    %dot_general3A_12 = tpu.matmul %get3A_1, %get3A_10, %dot_general3A_11 {dimension_numbers = #tpu.dot_dimension_numbers<[1], [0], [0], [1], [0, 0, 1, 1], [], []>, transpose_lhs_hint = false} : vector<2000x128xf32>, vector<128x128xf32>, vector<2000x128xf32> -> vector<2000x128xf32>
    %swap3A_13 = arith.constant 0 : index
    %swap3A_14 = arith.constant 0 : index
    %swap3A_15 = vector.load %arg5[%swap3A_13, %swap3A_14] : memref<2000x128xf32, #tpu.memory_space<vmem>>, vector<2000x128xf32>
    tpu.vector_store %arg5[%swap3A_13, %swap3A_14], %dot_general3A_12 {strides = array<i32>} : memref<2000x128xf32, #tpu.memory_space<vmem>>, vector<2000x128xf32>,
    return
  }
  func.func @transform_0(%arg0: i32) -> (i32, i32) {
    %c0_i32 = arith.constant 0 : i32
    %c0_i32_0 = arith.constant 0 : i32
    return %arg0, %c0_i32 : i32, i32
  }
  func.func @transform_1(%arg0: i32) -> (i32, i32) {
    %c0_i32 = arith.constant 0 : i32
    %c0_i32_0 = arith.constant 0 : i32
    %c0_i32_1 = arith.constant 0 : i32
    return %c0_i32, %c0_i32_0 : i32, i32
  }
  func.func @transform_2(%arg0: i32) -> (i32, i32) {
    %c0_i32 = arith.constant 0 : i32
    %c0_i32_0 = arith.constant 0 : i32
    %c0_i32_1 = arith.constant 0 : i32
    return %c0_i32, %c0_i32_0 : i32, i32
  }
  func.func @transform_3(%arg0: i32) -> (i32, i32) {
    %c0_i32 = arith.constant 0 : i32
    %c0_i32_0 = arith.constant 0 : i32
    return %arg0, %c0_i32 : i32, i32
  }
  func.func @transform_4(%arg0: i32) -> (i32, i32) {
    %c0_i32 = arith.constant 0 : i32
    %c0_i32_0 = arith.constant 0 : i32
    return %arg0, %c0_i32 : i32, i32
  }
}

module attributes {stable_mosaic.version = 14 : i64} {
  func.func @body(%arg0: i32, %arg1: memref<8000x16xf32, #tpu.memory_space<vmem>>, %arg2: memref<16x128xf32, #tpu.memory_space<vmem>>, %arg3: memref<1x128xf32, #tpu.memory_space<vmem>>, %arg4: memref<8000x128xf32, #tpu.memory_space<vmem>>) attributes {dimension_semantics = [#tpu.dimension_semantics<arbitrary>], iteration_bounds = array<i64: 40>, scalar_prefetch = 0 : i64, scratch_operands = 0 : i64, tpu.core_type = #tpu.core_type<tc>, window_params = [{transform_indices = @transform_0, window_bounds = array<i64: 8000, 16>}, {pipeline_mode = #tpu.pipeline_mode<synchronous>, transform_indices = @transform_1, window_bounds = array<i64: 16, 128>}, {pipeline_mode = #tpu.pipeline_mode<synchronous>, transform_indices = @transform_2, window_bounds = array<i64: 1, 128>}, {transform_indices = @transform_3, window_bounds = array<i64: 8000, 128>}]} {
    %get3A = arith.constant 0 : index
    %get3A_0 = arith.constant 0 : index
    %get3A_1 = vector.load %arg1[%get3A, %get3A_0] : memref<8000x16xf32, #tpu.memory_space<vmem>>, vector<8000x16xf32>
    %get3A_2 = arith.constant 0 : index
    %get3A_3 = arith.constant 0 : index
    %get3A_4 = vector.load %arg2[%get3A_2, %get3A_3] : memref<16x128xf32, #tpu.memory_space<vmem>>, vector<16x128xf32>
    %dot_general3A = arith.constant dense<0.000000e+00> : vector<8000x128xf32>
    %dot_general3A_5 = tpu.matmul %get3A_1, %get3A_4, %dot_general3A {dimension_numbers = #tpu.dot_dimension_numbers<[1], [0], [0], [1], [0, 0, 1, 1], [], []>, transpose_lhs_hint = false} : vector<8000x16xf32>, vector<16x128xf32>, vector<8000x128xf32> -> vector<8000x128xf32>
    %get3A_6 = arith.constant 0 : index
    %get3A_7 = arith.constant 0 : index
    %get3A_8 = vector.load %arg3[%get3A_6, %get3A_7] : memref<1x128xf32, #tpu.memory_space<vmem>>, vector<1x128xf32>
    %add3A = vector.broadcast %get3A_8 : vector<1x128xf32> to vector<8000x128xf32>
    %add3A_9 = arith.addf %dot_general3A_5, %add3A : vector<8000x128xf32>
    %swap3A = arith.constant 0 : index
    %swap3A_10 = arith.constant 0 : index
    %swap3A_11 = vector.load %arg4[%swap3A, %swap3A_10] : memref<8000x128xf32, #tpu.memory_space<vmem>>, vector<8000x128xf32>
    tpu.vector_store %arg4[%swap3A, %swap3A_10], %add3A_9 {strides = array<i32>} : memref<8000x128xf32, #tpu.memory_space<vmem>>, vector<8000x128xf32>,
    return
  }
  func.func @transform_0(%arg0: i32) -> (i32, i32) {
    %c0_i32 = arith.constant 0 : i32
    %c0_i32_0 = arith.constant 0 : i32
    return %arg0, %c0_i32 : i32, i32
  }
  func.func @transform_1(%arg0: i32) -> (i32, i32) {
    %c0_i32 = arith.constant 0 : i32
    %c0_i32_0 = arith.constant 0 : i32
    %c0_i32_1 = arith.constant 0 : i32
    return %c0_i32, %c0_i32_0 : i32, i32
  }
  func.func @transform_2(%arg0: i32) -> (i32, i32) {
    %c0_i32 = arith.constant 0 : i32
    %c0_i32_0 = arith.constant 0 : i32
    %c0_i32_1 = arith.constant 0 : i32
    return %c0_i32, %c0_i32_0 : i32, i32
  }
  func.func @transform_3(%arg0: i32) -> (i32, i32) {
    %c0_i32 = arith.constant 0 : i32
    %c0_i32_0 = arith.constant 0 : i32
    return %arg0, %c0_i32 : i32, i32
  }
}

module attributes {stable_mosaic.version = 14 : i64} {
  func.func @body(%arg0: i32, %arg1: memref<2x2048x128xf32, #tpu.memory_space<vmem>>, %arg2: memref<128x128xf32, #tpu.memory_space<vmem>>, %arg3: memref<2048x128xf32, #tpu.memory_space<vmem>>) attributes {dimension_semantics = [#tpu.dimension_semantics<arbitrary>], iteration_bounds = array<i64: 5>, scalar_prefetch = 0 : i64, scratch_operands = 0 : i64, tpu.core_type = #tpu.core_type<tc>, window_params = [{transform_indices = @transform_0, window_bounds = array<i64: 2, 2048, 128>}, {pipeline_mode = #tpu.pipeline_mode<synchronous>, transform_indices = @transform_1, window_bounds = array<i64: 128, 128>}, {transform_indices = @transform_2, window_bounds = array<i64: 2048, 128>}]} {
    %get3A = arith.constant 0 : index
    %get3A_0 = arith.constant 0 : index
    %get3A_1 = arith.constant 0 : index
    %get3A_2 = vector.load %arg1[%get3A, %get3A_0, %get3A_1] : memref<2x2048x128xf32, #tpu.memory_space<vmem>>, vector<1x2048x128xf32>
    %get3A_3 = vector.shape_cast %get3A_2 : vector<1x2048x128xf32> to vector<2048x128xf32>
    %get3A_4 = arith.constant 1 : index
    %get3A_5 = arith.constant 0 : index
    %get3A_6 = arith.constant 0 : index
    %get3A_7 = vector.load %arg1[%get3A_4, %get3A_5, %get3A_6] : memref<2x2048x128xf32, #tpu.memory_space<vmem>>, vector<1x2048x128xf32>
    %get3A_8 = vector.shape_cast %get3A_7 : vector<1x2048x128xf32> to vector<2048x128xf32>
    %add3A = arith.addf %get3A_3, %get3A_8 : vector<2048x128xf32>
    %get3A_9 = arith.constant 0 : index
    %get3A_10 = arith.constant 0 : index
    %get3A_11 = vector.load %arg2[%get3A_9, %get3A_10] : memref<128x128xf32, #tpu.memory_space<vmem>>, vector<128x128xf32>
    %dot_general3A = arith.constant dense<0.000000e+00> : vector<2048x128xf32>
    %dot_general3A_12 = tpu.matmul %add3A, %get3A_11, %dot_general3A {dimension_numbers = #tpu.dot_dimension_numbers<[1], [0], [0], [1], [0, 0, 1, 1], [], []>, transpose_lhs_hint = false} : vector<2048x128xf32>, vector<128x128xf32>, vector<2048x128xf32> -> vector<2048x128xf32>
    %swap3A = arith.constant 0 : index
    %swap3A_13 = arith.constant 0 : index
    %swap3A_14 = vector.load %arg3[%swap3A, %swap3A_13] : memref<2048x128xf32, #tpu.memory_space<vmem>>, vector<2048x128xf32>
    tpu.vector_store %arg3[%swap3A, %swap3A_13], %dot_general3A_12 {strides = array<i32>} : memref<2048x128xf32, #tpu.memory_space<vmem>>, vector<2048x128xf32>,
    return
  }
  func.func @transform_0(%arg0: i32) -> (i32, i32, i32) {
    %c0_i32 = arith.constant 0 : i32
    %c0_i32_0 = arith.constant 0 : i32
    %c0_i32_1 = arith.constant 0 : i32
    return %c0_i32, %arg0, %c0_i32_0 : i32, i32, i32
  }
  func.func @transform_1(%arg0: i32) -> (i32, i32) {
    %c0_i32 = arith.constant 0 : i32
    %c0_i32_0 = arith.constant 0 : i32
    %c0_i32_1 = arith.constant 0 : i32
    return %c0_i32, %c0_i32_0 : i32, i32
  }
  func.func @transform_2(%arg0: i32) -> (i32, i32) {
    %c0_i32 = arith.constant 0 : i32
    %c0_i32_0 = arith.constant 0 : i32
    return %arg0, %c0_i32 : i32, i32
  }
}

</mosaic_0001>

<sc_bundles>
// kernel: kernel.6.cloned.1.call-start
scs
__scs_entry_jumppad:
0x0: {  	(pc) =	sbr.rel $0x88, $3  }
0x1: {  	(tag) =	ssettag $0x0;
	lr =	simm.s32 $0x1  }
0x2: {  	[smem:$0x3F9A] =	sst lr;
	_ =	strace $0xD0000000  }
0x3: {  	_ = 	snop  }
0x4: {  	_ = 	snop  }
0x5: {  	_ = 	snop  }
0x6: {  	_ = 	snop  }
0x7: {  	_ = 	snop  }
__scs_overlays_trampoline_lowered:
0x8: {  	[smem:$0x3FA9] =	sst s0  }
0x9: {  	[smem:$0x3FAA] =	sst s1  }
0xa: {  	[smem:$0x3FAB] =	sst s2  }
0xb: {  	[smem:$0x3FAC] =	sst s3  }
0xc: {  	[smem:$0x3FAD] =	sst s4  }
0xd: {  	[smem:$0x3FAE] =	sst s5  }
0xe: {  	[smem:$0x3FAF] =	sst s6  }
0xf: {  	[smem:$0x3FB0] =	sst s7  }
0x10: {  	[smem:$0x3FB1] =	sst s8  }
0x11: {  	[smem:$0x3FB2] =	sst s9;
	s0 =	simm.s32 @!p0 $0x0  }
0x12: {  	s1 =	sld [smem:$0x3F98];
	s0 =	simm.s32 @p0 $0x1  }
0x13: {  	[smem:$0x3FB3] =	sst s0;
	s0 =	simm.s32 @!p1 $0x0  }
0x14: {  	s2 =	sld [smem:$0x3F97];
	s0 =	simm.s32 @p1 $0x1  }
0x15: {  	[smem:$0x3FB4] =	sst s0;
	s0 =	simm.s32 @!p2 $0x0  }
0x16: {  	s3 =	sld [smem:$0x3FDB];
	s0 =	simm.s32 @p2 $0x1  }
0x17: {  	s4 =	simm.s32 $0x1BF5;
	[smem:$0x3FB6] =	sst s0  }
0x18: {  	s0 =	sld [smem:$0x3F99];
	_ =	swait.ge [sflag:s4], $0x0  }
0x19: {  	s7 =	sld [smem:$0x3F9A]  }
0x1a: {  	s8 =	sadd.s32 $0xFFFFE003, lr  }
0x1b: {  	s9 =	sadd.s32 $0xFFFFFEF7, lr;
	s5 =	simm.s32 $0xFFFFFFFF;
	p2 =	slt.u32 s8, $0xFFFFF086  }
0x1c: {  	p1 =	slt.u32 s9, $0xF7A;
	s5 =	simm.s32 @!p2 $0x0  }
0x1d: {  	s5 =	simm.s32 @p1 $0x1;
	p0 =	seq.s32 s7, s2  }
0x1e: {  	s7 =	smul.u32 @!p0 $0xF7A, s2;
	p2 =	seq.s32 @!p0 s5, $0x0  }
0x1f: {  	s9 =	smul.u32 $0xF7A, s1;
	s8 =	simm.s32 @!p0 $0x1BF5;
	p2 =	por !p2, p0  }
0x20: {  	[sflag:s8] =	ssyncset.s32 @!p0 $0xFFFFF086;
	s6 =	sadd.s32 @!p0 s3, s7;
	s7 =	simm.s32 @!p0 $0x108  }
0x21: {  	s3 =	sadd.s32 s3, s9;
	s6 =	sadd.s32 @!p0 $0x88, s6;
	s7 =	simm.s32 @p2 $0x1082  }
0x22: {  	[simem:s7], [sflag:s8] =	dma.local @!p0 [hbm:s6], $0xF7A  }
0x23: {  	s9 =	sor.u32 $0xD0000000, s2;
	s6 =	simm.s32 $0x108;
	_ =	swait.ge @!p0 [sflag:s8], $0x0  }
0x24: {  	s3 =	sadd.s32 $0x88, s3;
	s6 =	simm.s32 @!p1 $0x1082;
	[sflag:s4] =	ssyncset.s32 $0xFFFFF086  }
0x25: {  	[simem:s6], [sflag:s4] =	dma.local [hbm:s3], $0xF7A  }
0x26: {  	[smem:$0x3F9A] =	sst s1;
	(tag) =	ssettag s2;
	_ =	strace s9  }
0x27: {  	s1 =	sld [smem:$0x3FAA]  }
0x28: {  	s2 =	sld [smem:$0x3FAB]  }
0x29: {  	s4 =	sld [smem:$0x3FAD]  }
0x2a: {  	p0 =	seq.s32 s5, $0x0;
	s5 =	sld [smem:$0x3FAE]  }
0x2b: {  	s6 =	sld [smem:$0x3FAF]  }
0x2c: {  	s7 =	sld [smem:$0x3FB0]  }
0x2d: {  	s3 =	simm.s32 $0x108;
	s8 =	sld [smem:$0x3FB1]  }
0x2e: {  	s3 =	simm.s32 @!p0 $0x1082;
	s9 =	sld [smem:$0x3FB2]  }
0x2f: {  	lr =	sadd.s32 s0, s3;
	s0 =	sld [smem:$0x3FA9]  }
0x30: {  	s3 =	sld [smem:$0x3FAC]  }
0x31: {  	[smem:$0x3FB5] =	sst s10  }
0x32: {  	s10 =	sld [smem:$0x3FB3];
	_ =	sdelay $0x3  }
0x33: {  	p0 =	seq.s32 s10, $0x1;
	s10 =	sld [smem:$0x3FB5];
	_ =	sdelay $0x3  }
0x34: {  	[smem:$0x3FB5] =	sst s10  }
0x35: {  	s10 =	sld [smem:$0x3FB4];
	_ =	sdelay $0x3  }
0x36: {  	p1 =	seq.s32 s10, $0x1;
	s10 =	sld [smem:$0x3FB5];
	_ =	sdelay $0x3  }
0x37: {  	[smem:$0x3FB5] =	sst s10  }
0x38: {  	s10 =	sld [smem:$0x3FB6]  }
0x39: {  	_ = 	snop;
	(pc) =	sbr.ind lr, $3  }
0x3a: {  	_ = 	snop  }
0x3b: {  	_ = 	snop  }
0x3c: {  	p2 =	seq.s32 s10, $0x1;
	s10 =	sld [smem:$0x3FB5]  }
0x3d: {  	_ =	shalt  }
0x3e: {  	_ =	shalt  }
0x3f: {  	_ =	shalt  }
0x40: {  	_ =	shalt  }
0x41: {  	_ =	shalt  }
0x42: {  	_ =	shalt  }
0x43: {  	_ =	shalt  }
0x44: {  	_ =	shalt  }
0x45: {  	_ =	shalt  }
0x46: {  	_ =	shalt  }
0x47: {  	_ =	shalt  }
0x48: {  	_ =	shalt  }
0x49: {  	_ =	shalt  }
0x4a: {  	_ =	shalt  }
0x4b: {  	_ =	shalt  }
0x4c: {  	_ =	shalt  }
0x4d: {  	_ =	shalt  }
0x4e: {  	_ =	shalt  }
0x4f: {  	_ =	shalt  }
0x50: {  	_ =	shalt  }
0x51: {  	_ =	shalt  }
0x52: {  	_ =	shalt  }
0x53: {  	_ =	shalt  }
0x54: {  	_ =	shalt  }
0x55: {  	_ =	shalt  }
0x56: {  	_ =	shalt  }
0x57: {  	_ =	shalt  }
0x58: {  	_ =	shalt  }
0x59: {  	_ =	shalt  }
0x5a: {  	_ =	shalt  }
0x5b: {  	_ =	shalt  }
0x5c: {  	_ =	shalt  }
0x5d: {  	_ =	shalt  }
0x5e: {  	_ =	shalt  }
0x5f: {  	_ =	shalt  }
0x60: {  	_ =	shalt  }
0x61: {  	_ =	shalt  }
0x62: {  	_ =	shalt  }
0x63: {  	_ =	shalt  }
0x64: {  	_ =	shalt  }
0x65: {  	_ =	shalt  }
0x66: {  	_ =	shalt  }
0x67: {  	_ =	shalt  }
0x68: {  	_ =	shalt  }
0x69: {  	_ =	shalt  }
0x6a: {  	_ =	shalt  }
0x6b: {  	_ =	shalt  }
0x6c: {  	_ =	shalt  }
0x6d: {  	_ =	shalt  }
0x6e: {  	_ =	shalt  }
0x6f: {  	_ =	shalt  }
0x70: {  	_ =	shalt  }
0x71: {  	_ =	shalt  }
0x72: {  	_ =	shalt  }
0x73: {  	_ =	shalt  }
0x74: {  	_ =	shalt  }
0x75: {  	_ =	shalt  }
0x76: {  	_ =	shalt  }
0x77: {  	_ =	shalt  }
0x78: {  	_ =	shalt  }
0x79: {  	_ =	shalt  }
0x7a: {  	_ =	shalt  }
0x7b: {  	_ =	shalt  }
0x7c: {  	_ =	shalt  }
0x7d: {  	_ =	shalt  }
0x7e: {  	_ =	shalt  }
0x7f: {  	_ =	shalt  }
0x80: {  	_ =	shalt  }
0x81: {  	_ =	shalt  }
0x82: {  	_ =	shalt  }
0x83: {  	_ =	shalt  }
0x84: {  	_ =	shalt  }
0x85: {  	_ =	shalt  }
0x86: {  	_ =	shalt  }
0x87: {  	_ =	shalt  }
.Lfunc_end0:
.L_simem_size_0:
called_computation_lowered:
.L_overlay_start_0:
0x88: {  	s2 =	sld [smem:$0x3FD9]  }
0x89: {  	s3 =	sld [smem:$0x3FFE];
	_ =	sdelay $0x1  }
0x8a: {  	s1 =	srdreg.scid  }
0x8b: {  	s0 =	sand.u32 $0x1, s1  }
0x8c: {  	s17 =	sshll.u32 s0, $0xA;
	s2 =	sadd.s32 s3, s2  }
0x8d: {  	s2 =	sadd.s32 s2, s17  }
0x8e: {  	[smem:$0x3FC1] =	sst s2  }
0x8f: {  	_ = 	snop  }
0x90: {  	s2 =	sld [smem:$0x3FD0];
	(tm) =	ssettm $0x1  }
0x91: {  	s18 =	sld [smem:$0x3FFB];
	_ =	sdelay $0x3  }
0x92: {  	_ =	strace s18  }
0x93: {  	s3 =	sld [smem:$0x3FFC];
	_ =	sdelay $0x3  }
0x94: {  	_ =	strace s3  }
0x95: {  	s3 =	sld [smem:$0x3FFD];
	_ =	sdelay $0x3  }
0x96: {  	_ =	strace s3  }
0x97: {  	_ =	strace $0x8FFFFFFF  }
0x98: {  	s19 =	sld [smem:$0x3FDB];
	_ =	sdelay $0x1  }
0x99: {  	s4 =	simm.s32 $_scs_section_size  }
0x9a: {  	s5 =	simm.s32 $_size__tile_overlayer_lowered;
	s6 =	simm.s32 $_tile_overlayer_lowered  }
0x9b: {  	s22 =	simm.s32 $0x1BFF;
	s21 =	sshll.u32 s6, $0x1;
	s3 =	sadd.s32 s4, s19  }
0x9c: {  	s7 =	simm.s32 $0x0;
	s20 =	sshll.u32 s5, $0x1;
	s5 =	sadd.s32 s21, s3  }
0x9d: {  	[timem:s7], [sflag:s22] =	dma.local [hbm:s5], s20  }
0x9e: {  	_ =	swait.ge [sflag:s22], s20  }
0x9f: {  	s4 =	ssub.s32 $0x0, s20;
	[sflag:s22] =	ssyncset.done $0x0  }
0xa0: {  	[sflag:s22] =	ssyncadd.s32 s4;
	_ =	sdelay $0x1  }
0xa1: {  	s23 =	simm.s32 $0x1B8B  }
0xa2: {  	_ =	swait.ge [sflag:s23], $0x1  }
0xa3: {  	[sflag:s23] =	ssyncset.done $0x0  }
0xa4: {  	s25 =	simm.s32 $0x1B8E;
	s24 =	sld [smem:$0x3FFE];
	[sflag:s23] =	ssyncadd.s32 $0xFFFFFFFF  }
0xa5: {  	s26 =	simm.s32 $execute0_lowered;
	[smem:$0x3FD2] =	sst s25  }
0xa6: {  	s5 =	sshll.u32 s26, $0x1;
	_ =	strace $0x80000046;
	[dreg:$0x1] =	wrdreg $0xFFFFFFFF  }
0xa7: {  	s28 =	simm.s32 $_size_execute0_lowered;
	s3 =	sadd.s32 s3, s5;
	[dreg:$0x0] =	wrdreg $0x0  }
0xa8: {  	s5 =	sshll.u32 s28, $0x1;
	[dreg:$0x2] =	wrdreg s3  }
0xa9: {  	[dreg:$0x3] =	wrdreg s5  }
0xaa: {  	[dreg:$0x4] =	wrdreg $0xC0  }
0xab: {  	_ =	task [dreg:s7], $0x5FFFF  }
0xac: {  	[dreg:$0x1] =	wrdreg $0xFFFFFFFF  }
0xad: {  	[dreg:$0x0] =	wrdreg $0x60  }
0xae: {  	[dreg:$0x2] =	wrdreg s2  }
0xaf: {  	[dreg:$0x3] =	wrdreg s24  }
0xb0: {  	[dreg:$0x4] =	wrdreg $0xA6000  }
0xb1: {  	[dreg:$0x5] =	wrdreg $0x9  }
0xb2: {  	_ =	task.clear_ibuf [dreg:s7], $0x6FFFF;
	_ =	strace $0x90000046  }
0xb3: {  	s29 =	simm.s32 $0x9;
	_ =	strace $0x80000048  }
0xb4: {  	_ =	swait.ge [sflag:s29], $0x1  }
0xb5: {  	[sflag:s29] =	ssyncadd.s32 $0xFFFFFFFF  }
0xb6: {  	_ =	strace $0x90000048  }
0xb7: {  	_ =	sfence  }
0xb8: {  	s30 =	sld [smem:$0x0];
	_ =	sdelay $0x2  }
0xb9: {  	s31 =	sshll.u32 s1, $0xD;
	s1 =	sshrl.u32 s1, $0x2  }
0xba: {  	s3 =	sand.u32 $0x4000, s31;
	s1 =	sadd.s32 s1, s30  }
0xbb: {  	s0 =	sor.u32 s3, s0;
	s1 =	sshll.u32 s1, $0x11  }
0xbc: {  	s0 =	sor.u32 s1, s0  }
0xbd: {  	s0 =	sadd.s32 $0x8F2B, s0  }
0xbe: {  	[sflag:s0] =	ssyncadd.remote.s32 $0x1  }
0xbf: {  	_ =	sfence.sel $0xFFFF  }
0xc0: {  	[dreg:$0x0] =	wrdreg $0xFFFFFFFF;
	(pc) =	sbr.abs _section_cstart, $3  }
0xc1: {  	[dreg:$0x1] =	wrdreg $0xFFFFFFFF  }
0xc2: {  	_ =	task.clear_ibuf [dreg:s7], $0x2FFFF;
	_ =	strace $0x9FFFFFFF  }
0xc3: {  	(tm) =	ssettm $0x7FFFFFFF  }
tec
execute0_lowered:
.L_overlay_start_1:
0x0: {  	(tag) =	ssettag $0x1  }
0x1: {  	s1 =	rddreg [dreg:$0x0]  }
0x2: {  	s0 =	rddreg [dreg:$0x1]  }
0x3: {  	s2 =	rddreg [dreg:$0x2];
	s3 =	simm.s32 $0x0;
	s5 =	srdreg.scid  }
0x4: {  	s4 =	stileid.u32;
	[smem:$0x7FF] =	sst s3;
	s6 =	sand.u32 $0x1, s5  }
0x5: {  	s5 =	sadd.s32 $0x4F7A00, s0;
	s8 =	smul.u32 $0x14000, s4;
	s9 =	sadd.s32 $0x1C00, s0  }
0x6: {  	s18 =	sshll.u32 s4, $0x1;
	s14 =	smul.u32 $0x50000, s4;
	p0 =	sne.s32 s4, $0x0  }
0x7: {  	_ =	strace $0x80000047;
	s7 =	ssub.s32 $0x2, s6;
	s11 =	smul.u32 $0x140000, s6  }
0x8: {  	s6 =	sor.u32 s6, s18;
	s10 =	sshrl.u32 s7, $0x1;
	s12 =	sor.u32 $0x2800, s8  }
0x9: {  	s17 =	sadd.s32 $0x7800, s8;
	s29 =	smul.u32 $0x2710, s6;
	s30 =	sshrl.u32 s14, $0x2  }
0xa: {  	s6 =	smul.u32 $0x27100, s6;
	s14 =	sadd.s32 $0x51EC00, s0;
	s7 =	ssub.s32 s7, s10  }
0xb: {  	s19 =	sadd.s32 s11, s8;
	s13 =	sadd.s32 s11, s12;
	s15 =	sadd.s32 s11, s17  }
0xc: {  	s18 =	sadd.s32 s30, s2;
	s10 =	sshrl.u32 s19, $0x3;
	s13 =	sshrl.u32 s13, $0x3  }
0xd: {  	s19 =	sadd.s32 $0xA000, s8;
	s22 =	sshrl.u32 s15, $0x3;
	s10 =	sadd.s32 s9, s10  }
0xe: {  	s20 =	sadd.s32 s9, s13;
	[dreg:$0x4] =	wrdreg s10;
	s10 =	sadd.s32 $0x5000, s8  }
0xf: {  	s16 =	sadd.s32 s11, s19;
	[dreg:$0x5] =	wrdreg s20;
	s21 =	sadd.s32 s11, s10  }
0x10: {  	s23 =	sshrl.u32 s16, $0x3;
	s20 =	sadd.s32 $0xF000, s8;
	s13 =	sshrl.u32 s21, $0x3  }
0x11: {  	s16 =	sadd.s32 $0x4E3C00, s0;
	s24 =	sadd.s32 s9, s23;
	s13 =	sadd.s32 s9, s13  }
0x12: {  	s26 =	sadd.s32 s11, s20;
	[dreg:$0x6] =	wrdreg s13;
	s13 =	sadd.s32 s9, s22  }
0x13: {  	s23 =	sadd.s32 s14, s6;
	[dreg:$0x7] =	wrdreg s13;
	s13 =	sadd.s32 $0xC800, s8  }
0x14: {  	s31 =	sadd.s32 s20, s2;
	s20 =	simm.s32 $0x80;
	s25 =	sadd.s32 s11, s13  }
0x15: {  	[dreg:$0x8] =	wrdreg s24;
	s28 =	sshrl.u32 s26, $0x3;
	s15 =	sshrl.u32 s25, $0x3  }
0x16: {  	s21 =	sshrl.u32 s29, $0x3;
	[dreg:$0xf] =	wrdreg s23;
	s15 =	sadd.s32 s9, s15  }
0x17: {  	s23 =	sadd.s32 $0xA0, s29;
	[dreg:$0x9] =	wrdreg s15;
	s15 =	sadd.s32 s9, s28  }
0x18: {  	[dreg:$0xa] =	wrdreg s15;
	s15 =	sadd.s32 $0x4EDA00, s0;
	s0 =	sadd.s32 $0x4F7800, s0  }
0x19: {  	s24 =	smax.u32 s7, $0x1;
	[dreg:$0xc] =	wrdreg s0;
	s0 =	simm.s32 @!p0 $0x0  }
0x1a: {  	s26 =	sadd.s32 s10, s2;
	s0 =	simm.s32 @p0 $0x1;
	p0 =	sne.s32 s4, $0x1  }
0x1b: {  	s7 =	simm.s32 $0xA200;
	[dreg:$0x10] =	wrdreg s24;
	s6 =	simm.s32 @!p0 $0x0  }
0x1c: {  	[dreg:$0x12] =	wrdreg s26;
	s6 =	simm.s32 @p0 $0x1;
	p0 =	sne.s32 s4, $0x2  }
0x1d: {  	s10 =	simm.s32 $0x180;
	[smem:$0x7EF] =	sst s6;
	s6 =	simm.s32 @!p0 $0x0  }
0x1e: {  	s24 =	simm.s32 $0x0;
	s6 =	simm.s32 @p0 $0x1;
	p0 =	sne.s32 s4, $0x3  }
0x1f: {  	s22 =	sadd.s32 s16, s21;
	[smem:$0x7F0] =	sst s6;
	s6 =	simm.s32 @!p0 $0x0  }
0x20: {  	[dreg:$0xe] =	wrdreg s22;
	s6 =	simm.s32 @p0 $0x1;
	p0 =	sne.s32 s4, $0x4  }
0x21: {  	s8 =	sadd.s32 $0x11800, s8;
	[smem:$0x7F1] =	sst s6;
	s6 =	simm.s32 @!p0 $0x0  }
0x22: {  	s22 =	sadd.s32 $0x50, s29;
	s6 =	simm.s32 @p0 $0x1;
	p0 =	sne.s32 s4, $0x5  }
0x23: {  	s29 =	sadd.s32 s19, s2;
	[smem:$0x7F2] =	sst s6;
	s6 =	simm.s32 @!p0 $0x0  }
0x24: {  	s19 =	simm.s32 $0x3;
	s6 =	simm.s32 @p0 $0x1;
	p0 =	sne.s32 s4, $0x6  }
0x25: {  	s11 =	sadd.s32 s11, s8;
	[smem:$0x7F3] =	sst s6;
	s6 =	simm.s32 @!p0 $0x0  }
0x26: {  	[dreg:$0x14] =	wrdreg s29;
	s6 =	simm.s32 @p0 $0x1;
	p0 =	sne.s32 s4, $0x7  }
0x27: {  	s30 =	sadd.s32 s13, s2;
	[smem:$0x7F4] =	sst s6;
	s6 =	simm.s32 @!p0 $0x0  }
0x28: {  	s13 =	simm.s32 $0x1;
	s6 =	simm.s32 @p0 $0x1;
	p0 =	sne.s32 s4, $0x8  }
0x29: {  	s11 =	sshrl.u32 s11, $0x3;
	[smem:$0x7F5] =	sst s6;
	s6 =	simm.s32 @!p0 $0x0  }
0x2a: {  	[dreg:$0x15] =	wrdreg s30;
	s6 =	simm.s32 @p0 $0x1;
	p0 =	sne.s32 s4, $0x9  }
0x2b: {  	s25 =	sadd.s32 s12, s2;
	[smem:$0x7F6] =	sst s6;
	s6 =	simm.s32 @!p0 $0x0  }
0x2c: {  	[dreg:$0x11] =	wrdreg s25;
	s6 =	simm.s32 @p0 $0x1;
	p0 =	sne.s32 s4, $0xA  }
0x2d: {  	s12 =	simm.s32 $0x5180;
	[smem:$0x7F7] =	sst s6;
	s6 =	simm.s32 @!p0 $0x0  }
0x2e: {  	s9 =	sadd.s32 s9, s11;
	s6 =	simm.s32 @p0 $0x1;
	p0 =	sne.s32 s4, $0xB  }
0x2f: {  	s28 =	sadd.s32 s17, s2;
	[smem:$0x7F8] =	sst s6;
	s6 =	simm.s32 @!p0 $0x0  }
0x30: {  	[dreg:$0xb] =	wrdreg s9;
	s6 =	simm.s32 @p0 $0x1;
	p0 =	sne.s32 s4, $0xC  }
0x31: {  	s17 =	simm.s32 $0x2;
	[smem:$0x7F9] =	sst s6;
	s6 =	simm.s32 @!p0 $0x0  }
0x32: {  	[dreg:$0x13] =	wrdreg s28;
	s6 =	simm.s32 @p0 $0x1;
	p0 =	sne.s32 s4, $0xD  }
0x33: {  	s9 =	simm.s32 $0x50;
	[smem:$0x7FA] =	sst s6;
	s6 =	simm.s32 @!p0 $0x0  }
0x34: {  	s11 =	sadd.s32 s15, s21;
	s6 =	simm.s32 @p0 $0x1;
	p0 =	sne.s32 s4, $0xE  }
0x35: {  	s21 =	simm.s32 $0x7980;
	[smem:$0x7FB] =	sst s6;
	s6 =	simm.s32 @!p0 $0x0  }
0x36: {  	[dreg:$0xd] =	wrdreg s11;
	s6 =	simm.s32 @p0 $0x1;
	p0 =	sne.s32 s4, $0xF  }
0x37: {  	s11 =	simm.s32 $0x2980;
	[smem:$0x7FC] =	sst s6;
	s6 =	simm.s32 @!p0 $0x0  }
0x38: {  	[smem:$0x7EE] =	sst s0;
	s0 =	sadd.s32 s8, s2;
	s6 =	simm.s32 @p0 $0x1  }
0x39: {  	v0 =	vimm.f32 $0.0e+00;
	s8 =	simm.s32 $0x100;
	[smem:$0x7FD] =	sst s6;
	s6 =	simm.s32 $0x4  }
.LBB2_1:
0x3a: {  	s25 =	rddreg [dreg:$0xc];
	s26 =	simm.s32 $0xA180  }
0x3b: {  	[tilespmem:s26], [sflag:$0x4] =	stream.linear.gather [hbm4b:s25+s3], $0x80, $0x38;
	[tilespmem:$0x1E600] =	vst v63  }
0x3c: {  	_ =	swait.ge [sflag:s6], $0x80  }
0x3d: {  	[sflag:s6] =	ssyncset.done $0x0  }
0x3e: {  	[sflag:s6] =	ssyncadd.s32 $0xFFFFFF80  }
0x3f: {  	[tilespmem:$0xA200] =	vst v0  }
0x40: {  	[tilespmem:$0xA210] =	vst v0  }
0x41: {  	[tilespmem:$0xA220] =	vst v0  }
0x42: {  	[tilespmem:$0xA230] =	vst v0  }
0x43: {  	[tilespmem:$0xA240] =	vst v0  }
0x44: {  	[tilespmem:$0xA250] =	vst v0  }
0x45: {  	[tilespmem:$0xA260] =	vst v0  }
0x46: {  	[tilespmem:$0xA270] =	vst v0  }
0x47: {  	[tilespmem:$0xA280] =	vst v0  }
0x48: {  	[tilespmem:$0xA290] =	vst v0  }
0x49: {  	[tilespmem:$0xA2A0] =	vst v0  }
0x4a: {  	[tilespmem:$0xA2B0] =	vst v0  }
0x4b: {  	[tilespmem:$0xA2C0] =	vst v0  }
0x4c: {  	[tilespmem:$0xA2D0] =	vst v0  }
0x4d: {  	[tilespmem:$0xA2E0] =	vst v0  }
0x4e: {  	[tilespmem:$0xA2F0] =	vst v0  }
0x4f: {  	[tilespmem:$0xA300] =	vst v0  }
0x50: {  	[tilespmem:$0xA310] =	vst v0  }
0x51: {  	[tilespmem:$0xA320] =	vst v0  }
0x52: {  	[tilespmem:$0xA330] =	vst v0  }
0x53: {  	[tilespmem:$0xA340] =	vst v0  }
0x54: {  	[tilespmem:$0xA350] =	vst v0  }
0x55: {  	[tilespmem:$0xA360] =	vst v0  }
0x56: {  	[tilespmem:$0xA370] =	vst v0  }
0x57: {  	[tilespmem:$0xA380] =	vst v0  }
0x58: {  	[tilespmem:$0xA390] =	vst v0  }
0x59: {  	[tilespmem:$0xA3A0] =	vst v0  }
0x5a: {  	[tilespmem:$0xA3B0] =	vst v0  }
0x5b: {  	[tilespmem:$0xA3C0] =	vst v0  }
0x5c: {  	[tilespmem:$0xA3D0] =	vst v0  }
0x5d: {  	[tilespmem:$0xA3E0] =	vst v0  }
0x5e: {  	[tilespmem:$0xA3F0] =	vst v0  }
0x5f: {  	[tilespmem:$0xA400] =	vst v0  }
0x60: {  	[tilespmem:$0xA410] =	vst v0  }
0x61: {  	[tilespmem:$0xA420] =	vst v0  }
0x62: {  	[tilespmem:$0xA430] =	vst v0  }
0x63: {  	[tilespmem:$0xA440] =	vst v0  }
0x64: {  	[tilespmem:$0xA450] =	vst v0  }
0x65: {  	[tilespmem:$0xA460] =	vst v0  }
0x66: {  	[tilespmem:$0xA470] =	vst v0  }
0x67: {  	[tilespmem:$0xA480] =	vst v0  }
0x68: {  	[tilespmem:$0xA490] =	vst v0  }
0x69: {  	[tilespmem:$0xA4A0] =	vst v0  }
0x6a: {  	[tilespmem:$0xA4B0] =	vst v0  }
0x6b: {  	[tilespmem:$0xA4C0] =	vst v0  }
0x6c: {  	[tilespmem:$0xA4D0] =	vst v0  }
0x6d: {  	[tilespmem:$0xA4E0] =	vst v0  }
0x6e: {  	[tilespmem:$0xA4F0] =	vst v0  }
0x6f: {  	[tilespmem:$0xA500] =	vst v0  }
0x70: {  	[tilespmem:$0xA510] =	vst v0  }
0x71: {  	[tilespmem:$0xA520] =	vst v0  }
0x72: {  	[tilespmem:$0xA530] =	vst v0  }
0x73: {  	[tilespmem:$0xA540] =	vst v0  }
0x74: {  	[tilespmem:$0xA550] =	vst v0  }
0x75: {  	[tilespmem:$0xA560] =	vst v0  }
0x76: {  	[tilespmem:$0xA570] =	vst v0  }
0x77: {  	[tilespmem:$0xA580] =	vst v0  }
0x78: {  	v8 =	vld [tilespmem:$0xA180];
	[tilespmem:$0xA590] =	vst v0  }
0x79: {  	v7 =	vld [tilespmem:$0xA190];
	[tilespmem:$0xA5A0] =	vst v0  }
0x7a: {  	v6 =	vld [tilespmem:$0xA1A0];
	[tilespmem:$0xA5B0] =	vst v0  }
0x7b: {  	v5 =	vld [tilespmem:$0xA1B0];
	[tilespmem:$0xA5C0] =	vst v0  }
0x7c: {  	v4 =	vld [tilespmem:$0xA1C0];
	[tilespmem:$0xA5D0] =	vst v0  }
0x7d: {  	v3 =	vld [tilespmem:$0xA1D0];
	[tilespmem:$0xA5E0] =	vst v0  }
0x7e: {  	s30 =	sadd.s32 $0x0, s18;
	v2 =	vld [tilespmem:$0xA1E0];
	[tilespmem:$0xA5F0] =	vst v0  }
0x7f: {  	v1 =	vld [tilespmem:$0xA1F0];
	[spmem:s30] =	stream.linear.scatter [tilespmem:s7], [sflag:$0x4], $0x400, $0x38  }
0x80: {  	s25 =	simm.s32 $0x1000;
	_ =	swait.ge [sflag:s6], $0x400  }
.LBB2_2:
0x81: {  	s26 =	sshra.s32 s25, $0x2;
	[sflag:s6] =	ssyncset.done $0x0;
	p0 =	sne.s32 s25, $0x4F000  }
.Ltmp0:
0x82: {  	s26 =	sadd.s32 s26, s18;
	[sflag:s6] =	ssyncadd.s32 $0xFFFFFC00;
	(pc) =	sbr.rel @p0 .LBB2_2-.Ltmp0, $3  }
0x83: {  	[spmem:s26] =	stream.linear.scatter [tilespmem:s7], [sflag:$0x4], $0x400, $0x38;
	[tilespmem:$0x1E600] =	vst v63  }
0x84: {  	s25 =	sadd.s32 $0x1000, s25;
	_ =	sdelay $0x1  }
0x85: {  	_ =	swait.ge [sflag:s6], $0x400  }
0x86: {  	[sflag:s6] =	ssyncset.done $0x0  }
0x87: {  	[sflag:s6] =	ssyncadd.s32 $0xFFFFFC00  }
0x88: {  	[bflag:$0x0] =	sbarrier.arrive $0xFFFF  }
0x89: {  	s25 =	simm.s32 $0x0;
	s26 =	rddreg [dreg:$0xd]  }
0x8a: {  	[tilespmem:s25], [sflag:$0x4] =	stream.linear.gather [hbm4b:s26+s25], $0x50, $0x38;
	[tilespmem:$0x1E600] =	vst v63  }
0x8b: {  	_ =	swait.ge [sflag:s6], $0x50  }
0x8c: {  	[sflag:s6] =	ssyncset.done $0x0  }
0x8d: {  	s29 =	rddreg [dreg:$0xe];
	[sflag:s6] =	ssyncadd.s32 $0xFFFFFFB0  }
0x8e: {  	[tilespmem:s8], [sflag:$0x4] =	stream.linear.gather [hbm4b:s29+s25], $0x50, $0x38;
	[tilespmem:$0x1E600] =	vst v63  }
0x8f: {  	_ =	swait.ge [sflag:s6], $0x50  }
0x90: {  	[sflag:s6] =	ssyncset.done $0x0  }
0x91: {  	[sflag:s6] =	ssyncadd.s32 $0xFFFFFFB0  }
0x92: {  	[tilespmem:s10], [sflag:$0x1] =	stream.indirect.gather [hbm4b:s1+s9], $0x80, s25, s9, $0xb8;
	[tilespmem:$0x1E600] =	vst v63  }
0x93: {  	_ = 	snop  }
0x94: {  	[tilespmem:s11], [sflag:$0x2] =	stream.indirect.gather [hbm4b:s5+s9], $0x80, s8, s9, $0xb8;
	[tilespmem:$0x1E600] =	vst v63  }
0x95: {  	s30 =	rddreg [dreg:$0xf]  }
0x96: {  	[tilespmem:s12], [sflag:$0x3] =	stream.linear.gather [hbm4b:s30+s25], $0x2800, $0x38;
	[tilespmem:$0x1E600] =	vst v63  }
.LBB2_4:
0x97: {  	_ =	swait.ge [sflag:s13], $0x2800  }
0x98: {  	[sflag:s13] =	ssyncset.done $0x0  }
0x99: {  	[sflag:s13] =	ssyncadd.s32 $0xFFFFD800  }
0x9a: {  	_ =	swait.ge [sflag:s17], $0x2800  }
0x9b: {  	[sflag:s17] =	ssyncset.done $0x0  }
0x9c: {  	[sflag:s17] =	ssyncadd.s32 $0xFFFFD800  }
0x9d: {  	_ =	swait.ge [sflag:s19], $0x2800  }
0x9e: {  	[sflag:s19] =	ssyncset.done $0x0  }
0x9f: {  	s28 =	simm.s32 $0x0;
	[sflag:s19] =	ssyncadd.s32 $0xFFFFD800  }
0xa0: {  	v15 =	vld [tilespmem:s28+$0x180]  }
0xa1: {  	v16 =	vld [tilespmem:s28+$0x2980]  }
0xa2: {  	v17 =	vld [tilespmem:s28+$0x190]  }
0xa3: {  	v18 =	vld [tilespmem:s28+$0x2990]  }
0xa4: {  	v21 =	vld [tilespmem:s28+$0x1A0]  }
0xa5: {  	v25 =	vld [tilespmem:s28+$0x29A0]  }
0xa6: {  	v26 =	vld [tilespmem:s28+$0x1B0]  }
0xa7: {  	v27 =	vld [tilespmem:s28+$0x29B0]  }
0xa8: {  	v28 =	vld [tilespmem:s28+$0x1C0]  }
0xa9: {  	v29 =	vld [tilespmem:s28+$0x29C0]  }
0xaa: {  	v12 =	vld [tilespmem:s28+$0x1D0]  }
0xab: {  	v14 =	vld [tilespmem:s28+$0x29D0]  }
0xac: {  	v11 =	vld [tilespmem:s28+$0x1E0]  }
0xad: {  	v13 =	vld [tilespmem:s28+$0x29E0]  }
0xae: {  	v9 =	vld [tilespmem:s28+$0x1F0]  }
0xaf: {  	v10 =	vld [tilespmem:s28+$0x29F0]  }
0xb0: {  	v22 =	vld [tilespmem:s28+$0x5180]  }
0xb1: {  	v20 =	vld [tilespmem:s28+$0x5190]  }
0xb2: {  	v19 =	vld [tilespmem:s28+$0x51A0];
	v24 =	vadd.f32 v16, v15  }
0xb3: {  	v23 =	vadd.f32 v18, v17;
	v21 =	vadd.f32 v25, v21;
	v17 =	vld [tilespmem:s28+$0x51B0]  }
0xb4: {  	s26 =	simm.s32 $0x200;
	v18 =	vadd.f32 v27, v26;
	v15 =	vadd.f32 v29, v28;
	v16 =	vld [tilespmem:s28+$0x51C0]  }
.LBB2_5:
0xb5: {  	p0 =	sne.s32 s26, $0x9E00;
	v22 =	vadd.f32 v22, v24;
	v12 =	vadd.f32 v14, v12;
	v14 =	vld [tilespmem:s28+$0x51D0]  }
0xb6: {  	v11 =	vadd.f32 v13, v11;
	v20 =	vadd.f32 v20, v23;
	v13 =	vld [tilespmem:s28+$0x51E0]  }
0xb7: {  	s29 =	sshra.s32 s26, $0x2;
	v9 =	vadd.f32 v10, v9;
	v22 =	vmax.f32 v22, $0.0e+00;
	v19 =	vadd.f32 v19, v21;
	v10 =	vld [tilespmem:s28+$0x51F0]  }
0xb8: {  	v21 =	vld [tilespmem:s29+$0x180];
	v22 =	vadd.f32 v22, v8;
	v20 =	vmax.f32 v20, $0.0e+00;
	v17 =	vadd.f32 v17, v18  }
0xb9: {  	v18 =	vld [tilespmem:s29+$0x2980];
	v20 =	vadd.f32 v20, v7;
	v19 =	vmax.f32 v19, $0.0e+00;
	v15 =	vadd.f32 v16, v15  }
0xba: {  	v16 =	vld [tilespmem:s29+$0x190];
	[tilespmem:s28+$0x5180] =	vst v22;
	v19 =	vadd.f32 v19, v6;
	v17 =	vmax.f32 v17, $0.0e+00;
	v12 =	vadd.f32 v14, v12  }
0xbb: {  	v23 =	vld [tilespmem:s29+$0x2990];
	[tilespmem:s28+$0x5190] =	vst v20;
	v14 =	vadd.f32 v17, v5;
	v15 =	vmax.f32 v15, $0.0e+00;
	v11 =	vadd.f32 v13, v11  }
0xbc: {  	v17 =	vld [tilespmem:s29+$0x1A0];
	[tilespmem:s28+$0x51A0] =	vst v19;
	v13 =	vadd.f32 v15, v4;
	v12 =	vmax.f32 v12, $0.0e+00;
	v9 =	vadd.f32 v10, v9  }
0xbd: {  	v15 =	vld [tilespmem:s29+$0x29A0];
	[tilespmem:s28+$0x51B0] =	vst v14;
	v10 =	vadd.f32 v12, v3;
	v11 =	vmax.f32 v11, $0.0e+00  }
0xbe: {  	v25 =	vld [tilespmem:s29+$0x1B0];
	[tilespmem:s28+$0x51C0] =	vst v13;
	v11 =	vadd.f32 v11, v2;
	v9 =	vmax.f32 v9, $0.0e+00  }
0xbf: {  	v26 =	vld [tilespmem:s29+$0x29B0];
	[tilespmem:s28+$0x51D0] =	vst v10;
	v9 =	vadd.f32 v9, v1  }
0xc0: {  	v27 =	vld [tilespmem:s29+$0x1C0];
	[tilespmem:s28+$0x51E0] =	vst v11  }
0xc1: {  	v28 =	vld [tilespmem:s29+$0x29C0];
	[tilespmem:s28+$0x51F0] =	vst v9;
	s28 =	smov.u32 s29  }
0xc2: {  	v12 =	vld [tilespmem:s28+$0x1D0]  }
0xc3: {  	v14 =	vld [tilespmem:s28+$0x29D0]  }
0xc4: {  	v11 =	vld [tilespmem:s28+$0x1E0]  }
0xc5: {  	v13 =	vld [tilespmem:s28+$0x29E0]  }
0xc6: {  	v9 =	vld [tilespmem:s28+$0x1F0]  }
0xc7: {  	v10 =	vld [tilespmem:s28+$0x29F0]  }
.Ltmp1:
0xc8: {  	v22 =	vld [tilespmem:s28+$0x5180];
	(pc) =	sbr.rel @p0 .LBB2_5-.Ltmp1, $4  }
0xc9: {  	v20 =	vld [tilespmem:s28+$0x5190]  }
0xca: {  	v24 =	vadd.f32 v18, v21;
	v19 =	vld [tilespmem:s28+$0x51A0]  }
0xcb: {  	v23 =	vadd.f32 v23, v16;
	v21 =	vadd.f32 v15, v17;
	v17 =	vld [tilespmem:s28+$0x51B0]  }
0xcc: {  	s26 =	sadd.s32 $0x200, s26;
	v18 =	vadd.f32 v26, v25;
	v15 =	vadd.f32 v28, v27;
	v16 =	vld [tilespmem:s28+$0x51C0]  }
0xcd: {  	v22 =	vadd.f32 v22, v24;
	v12 =	vadd.f32 v14, v12;
	v57 =	vld [tilespmem:s28+$0x51D0]  }
0xce: {  	v11 =	vadd.f32 v13, v11;
	v58 =	vld [tilespmem:s28+$0x51E0];
	v20 =	vadd.f32 v20, v23  }
0xcf: {  	v9 =	vadd.f32 v10, v9;
	v10 =	vld [tilespmem:s28+$0x51F0];
	v22 =	vmax.f32 v22, $0.0e+00;
	v19 =	vadd.f32 v19, v21  }
0xd0: {  	v59 =	vadd.f32 v22, v8;
	v20 =	vmax.f32 v20, $0.0e+00;
	v17 =	vadd.f32 v17, v18  }
0xd1: {  	v60 =	vadd.f32 v20, v7;
	v19 =	vmax.f32 v19, $0.0e+00;
	v15 =	vadd.f32 v16, v15  }
0xd2: {  	[tilespmem:s28+$0x5180] =	vst v59;
	v61 =	vadd.f32 v19, v6;
	v17 =	vmax.f32 v17, $0.0e+00;
	v12 =	vadd.f32 v57, v12  }
0xd3: {  	v11 =	vadd.f32 v58, v11;
	[tilespmem:s28+$0x5190] =	vst v60;
	v62 =	vadd.f32 v17, v5;
	v15 =	vmax.f32 v15, $0.0e+00  }
0xd4: {  	v9 =	vadd.f32 v10, v9;
	[tilespmem:s28+$0x51A0] =	vst v61;
	v63 =	vadd.f32 v15, v4;
	v12 =	vmax.f32 v12, $0.0e+00  }
0xd5: {  	s26 =	smul.u32 $0xA0, s25;
	v11 =	vmax.f32 v11, $0.0e+00;
	[tilespmem:s28+$0x51B0] =	vst v62;
	v10 =	vadd.f32 v12, v3  }
0xd6: {  	v9 =	vmax.f32 v9, $0.0e+00;
	v11 =	vadd.f32 v11, v2;
	[tilespmem:s28+$0x51C0] =	vst v63  }
0xd7: {  	s29 =	sadd.s32 s26, s22;
	v9 =	vadd.f32 v9, v1;
	[tilespmem:s28+$0x51D0] =	vst v10  }
0xd8: {  	s30 =	sshrl.u32 s29, $0x3;
	[tilespmem:s28+$0x51E0] =	vst v11  }
0xd9: {  	[tilespmem:s28+$0x51F0] =	vst v9;
	s28 =	sadd.s32 s15, s30  }
0xda: {  	[tilespmem:s20], [sflag:$0x4] =	stream.linear.gather [hbm4b:s28+s3], $0x50, $0x38;
	[tilespmem:$0x1E600] =	vst v63  }
0xdb: {  	_ =	swait.ge [sflag:s6], $0x50  }
0xdc: {  	[sflag:s6] =	ssyncset.done $0x0  }
0xdd: {  	s30 =	sadd.s32 s16, s30;
	[sflag:s6] =	ssyncadd.s32 $0xFFFFFFB0  }
0xde: {  	[tilespmem:s8], [sflag:$0x4] =	stream.linear.gather [hbm4b:s30+s3], $0x50, $0x38;
	[tilespmem:$0x1E600] =	vst v63  }
0xdf: {  	_ =	swait.ge [sflag:s6], $0x50  }
0xe0: {  	[sflag:s6] =	ssyncset.done $0x0  }
0xe1: {  	[sflag:s6] =	ssyncadd.s32 $0xFFFFFFB0  }
0xe2: {  	[tilespmem:s10], [sflag:$0x1] =	stream.indirect.gather [hbm4b:s1+s9], $0x80, s20, s9, $0xb8;
	[tilespmem:$0x1E600] =	vst v63  }
0xe3: {  	s29 =	sshll.u32 s29, $0x4  }
0xe4: {  	[tilespmem:s11], [sflag:$0x2] =	stream.indirect.gather [hbm4b:s5+s9], $0x80, s8, s9, $0xb8;
	[tilespmem:$0x1E600] =	vst v63  }
0xe5: {  	s28 =	sadd.s32 s14, s29  }
0xe6: {  	[tilespmem:s21], [sflag:$0x3] =	stream.linear.gather [hbm4b:s28+s3], $0x2800, $0x38;
	[tilespmem:$0x1E600] =	vst v63  }
0xe7: {  	[bflag:$0x0] =	sbarrier.arrive $0xFFFF  }
0xe8: {  	s30 =	sld [smem:$0x7EE];
	_ =	sdelay $0x2  }
0xe9: {  	p0 =	seq.s32 s30, $0x1  }
.Ltmp2:
0xea: {  	_ = 	snop;
	(pc) =	sbr.rel @!p0 .LBB2_7-.Ltmp2, $1  }
0xeb: {  	_ =	sdelay $0x3  }
0xec: {  	[bflag:$0x0] =	sbarrier.arrive $0xFFFF  }
0xed: {  	s28 =	sld [smem:$0x7EF];
	_ =	sdelay $0x2  }
0xee: {  	p0 =	seq.s32 s28, $0x1  }
.Ltmp3:
0xef: {  	_ = 	snop;
	(pc) =	sbr.rel @p0 .LBB2_11-.Ltmp3, $1  }
0xf0: {  	_ =	sdelay $0x3  }
.Ltmp4:
0xf1: {  	(pc) =	sbr.rel .LBB2_10-.Ltmp4, $4  }
0xf2: {  	[spmem:s2] =	stream.indirect.scatter.add.f32 [tilespmem:s12], [sflag:$0x4], $0x80, s3, s9, $0xb8;
	[tilespmem:$0x1E600] =	vst v63  }
0xf3: {  	_ =	swait.ge [sflag:s6], $0x2800  }
0xf4: {  	[sflag:s6] =	ssyncset.done $0x0  }
0xf5: {  	[sflag:s6] =	ssyncadd.s32 $0xFFFFD800  }
.LBB2_7:
0xf6: {  	[spmem:s2] =	stream.indirect.scatter.add.f32 [tilespmem:s12], [sflag:$0x4], $0x80, s3, s9, $0xb8;
	[tilespmem:$0x1E600] =	vst v63  }
0xf7: {  	_ =	swait.ge [sflag:s6], $0x2800  }
0xf8: {  	[sflag:s6] =	ssyncset.done $0x0  }
0xf9: {  	[sflag:s6] =	ssyncadd.s32 $0xFFFFD800  }
0xfa: {  	[bflag:$0x0] =	sbarrier.arrive $0xFFFF  }
.LBB2_10:
0xfb: {  	[bflag:$0x0] =	sbarrier.arrive $0xFFFF  }
0xfc: {  	s28 =	sld [smem:$0x7EE];
	_ =	sdelay $0x2  }
0xfd: {  	p0 =	por $0x0, $0x0;
	p2 =	seq.s32 s28, $0x1  }
.LBB2_13:
0xfe: {  	s28 =	simm.s32 @!p0 $0x0  }
0xff: {  	s28 =	simm.s32 @p0 $0x1  }
0x100: {  	[smem:$0x7ED] =	sst s28  }
0x101: {  	p0 =	por $0x0, $0x0;
	[bflag:$0x0] =	sbarrier.arrive $0xFFFF  }
.LBB2_16:
0x102: {  	[bflag:$0x0] =	sbarrier.arrive $0xFFFF;
	p1 =	por $0x0, $0x0  }
.LBB2_19:
0x103: {  	s28 =	simm.s32 @!p1 $0x0  }
0x104: {  	s28 =	simm.s32 @p1 $0x1  }
0x105: {  	[smem:$0x7EC] =	sst s28  }
0x106: {  	p6 =	por $0x0, $0x0;
	[bflag:$0x0] =	sbarrier.arrive $0xFFFF  }
.LBB2_22:
0x107: {  	s28 =	simm.s32 @!p0 $0x0  }
0x108: {  	s28 =	simm.s32 @p0 $0x1  }
0x109: {  	[smem:$0x7EB] =	sst s28  }
0x10a: {  	p1 =	por $0x0, $0x0;
	[bflag:$0x0] =	sbarrier.arrive $0xFFFF  }
.LBB2_25:
0x10b: {  	s28 =	simm.s32 @!p2 $0x0  }
0x10c: {  	s28 =	simm.s32 @p2 $0x1  }
0x10d: {  	[smem:$0x7EA] =	sst s28  }
0x10e: {  	p0 =	por $0x0, $0x0;
	[bflag:$0x0] =	sbarrier.arrive $0xFFFF  }
.LBB2_28:
0x10f: {  	s28 =	simm.s32 @!p1 $0x0  }
0x110: {  	s28 =	simm.s32 @p1 $0x1  }
0x111: {  	[smem:$0x7E9] =	sst s28  }
0x112: {  	p2 =	por $0x0, $0x0;
	[bflag:$0x0] =	sbarrier.arrive $0xFFFF  }
.LBB2_31:
0x113: {  	[bflag:$0x0] =	sbarrier.arrive $0xFFFF;
	p1 =	por $0x0, $0x0  }
.LBB2_34:
0x114: {  	[bflag:$0x0] =	sbarrier.arrive $0xFFFF;
	p3 =	por $0x0, $0x0  }
.LBB2_37:
0x115: {  	[bflag:$0x0] =	sbarrier.arrive $0xFFFF;
	p4 =	por $0x0, $0x0  }
.LBB2_40:
0x116: {  	s28 =	simm.s32 @!p3 $0x0  }
0x117: {  	s28 =	simm.s32 @p3 $0x1  }
0x118: {  	[smem:$0x7E8] =	sst s28  }
0x119: {  	p5 =	por $0x0, $0x0;
	[bflag:$0x0] =	sbarrier.arrive $0xFFFF  }
.LBB2_43:
0x11a: {  	[bflag:$0x0] =	sbarrier.arrive $0xFFFF;
	p3 =	por $0x0, $0x0  }
.LBB2_46:
0x11b: {  	s28 =	simm.s32 @!p2 $0x0  }
0x11c: {  	s28 =	simm.s32 @p2 $0x1;
	p2 =	por $0x0, $0x0  }
0x11d: {  	[smem:$0x7E6] =	sst s28;
	s28 =	simm.s32 @!p2 $0x0  }
0x11e: {  	[bflag:$0x0] =	sbarrier.arrive $0xFFFF;
	s28 =	simm.s32 @p2 $0x1  }
0x11f: {  	[smem:$0x7E7] =	sst s28  }
.LBB2_49:
0x120: {  	[bflag:$0x0] =	sbarrier.arrive $0xFFFF;
	p2 =	por $0x0, $0x0  }
.LBB2_51:
0x121: {  	s28 =	simm.s32 @!p5 $0x0  }
0x122: {  	s28 =	simm.s32 @p5 $0x1  }
0x123: {  	[smem:$0x7E5] =	sst s28  }
0x124: {  	[bflag:$0x0] =	sbarrier.arrive $0xFFFF  }
0x125: {  	_ =	swait.ge [sflag:s13], $0x2800  }
0x126: {  	[sflag:s13] =	ssyncset.done $0x0  }
0x127: {  	[sflag:s13] =	ssyncadd.s32 $0xFFFFD800  }
0x128: {  	_ =	swait.ge [sflag:s17], $0x2800  }
0x129: {  	[sflag:s17] =	ssyncset.done $0x0  }
0x12a: {  	[sflag:s17] =	ssyncadd.s32 $0xFFFFD800  }
0x12b: {  	_ =	swait.ge [sflag:s19], $0x2800  }
0x12c: {  	[sflag:s19] =	ssyncset.done $0x0  }
0x12d: {  	s28 =	simm.s32 $0x0;
	[sflag:s19] =	ssyncadd.s32 $0xFFFFD800  }
0x12e: {  	v15 =	vld [tilespmem:s28+$0x180]  }
0x12f: {  	v16 =	vld [tilespmem:s28+$0x2980]  }
0x130: {  	v17 =	vld [tilespmem:s28+$0x190]  }
0x131: {  	v18 =	vld [tilespmem:s28+$0x2990]  }
0x132: {  	v21 =	vld [tilespmem:s28+$0x1A0]  }
0x133: {  	v25 =	vld [tilespmem:s28+$0x29A0]  }
0x134: {  	v26 =	vld [tilespmem:s28+$0x1B0]  }
0x135: {  	v27 =	vld [tilespmem:s28+$0x29B0]  }
0x136: {  	v28 =	vld [tilespmem:s28+$0x1C0]  }
0x137: {  	v29 =	vld [tilespmem:s28+$0x29C0]  }
0x138: {  	v12 =	vld [tilespmem:s28+$0x1D0]  }
0x139: {  	v14 =	vld [tilespmem:s28+$0x29D0]  }
0x13a: {  	v11 =	vld [tilespmem:s28+$0x1E0]  }
0x13b: {  	v13 =	vld [tilespmem:s28+$0x29E0]  }
0x13c: {  	v9 =	vld [tilespmem:s28+$0x1F0]  }
0x13d: {  	v10 =	vld [tilespmem:s28+$0x29F0]  }
0x13e: {  	v22 =	vld [tilespmem:s28+$0x7980]  }
0x13f: {  	v20 =	vld [tilespmem:s28+$0x7990]  }
0x140: {  	v19 =	vld [tilespmem:s28+$0x79A0];
	v24 =	vadd.f32 v16, v15  }
0x141: {  	v23 =	vadd.f32 v18, v17;
	v21 =	vadd.f32 v25, v21;
	v17 =	vld [tilespmem:s28+$0x79B0]  }
0x142: {  	s29 =	simm.s32 $0x200;
	v18 =	vadd.f32 v27, v26;
	v15 =	vadd.f32 v29, v28;
	v16 =	vld [tilespmem:s28+$0x79C0]  }
.LBB2_52:
0x143: {  	p5 =	sne.s32 s29, $0x9E00;
	v22 =	vadd.f32 v22, v24;
	v12 =	vadd.f32 v14, v12;
	v14 =	vld [tilespmem:s28+$0x79D0]  }
0x144: {  	v11 =	vadd.f32 v13, v11;
	v20 =	vadd.f32 v20, v23;
	v13 =	vld [tilespmem:s28+$0x79E0]  }
0x145: {  	s30 =	sshra.s32 s29, $0x2;
	v9 =	vadd.f32 v10, v9;
	v22 =	vmax.f32 v22, $0.0e+00;
	v19 =	vadd.f32 v19, v21;
	v10 =	vld [tilespmem:s28+$0x79F0]  }
0x146: {  	v21 =	vld [tilespmem:s30+$0x180];
	v22 =	vadd.f32 v22, v8;
	v20 =	vmax.f32 v20, $0.0e+00;
	v17 =	vadd.f32 v17, v18  }
0x147: {  	v18 =	vld [tilespmem:s30+$0x2980];
	v20 =	vadd.f32 v20, v7;
	v19 =	vmax.f32 v19, $0.0e+00;
	v15 =	vadd.f32 v16, v15  }
0x148: {  	v16 =	vld [tilespmem:s30+$0x190];
	[tilespmem:s28+$0x7980] =	vst v22;
	v19 =	vadd.f32 v19, v6;
	v17 =	vmax.f32 v17, $0.0e+00;
	v12 =	vadd.f32 v14, v12  }
0x149: {  	v23 =	vld [tilespmem:s30+$0x2990];
	[tilespmem:s28+$0x7990] =	vst v20;
	v14 =	vadd.f32 v17, v5;
	v15 =	vmax.f32 v15, $0.0e+00;
	v11 =	vadd.f32 v13, v11  }
0x14a: {  	v17 =	vld [tilespmem:s30+$0x1A0];
	[tilespmem:s28+$0x79A0] =	vst v19;
	v13 =	vadd.f32 v15, v4;
	v12 =	vmax.f32 v12, $0.0e+00;
	v9 =	vadd.f32 v10, v9  }
0x14b: {  	v15 =	vld [tilespmem:s30+$0x29A0];
	[tilespmem:s28+$0x79B0] =	vst v14;
	v10 =	vadd.f32 v12, v3;
	v11 =	vmax.f32 v11, $0.0e+00  }
0x14c: {  	v25 =	vld [tilespmem:s30+$0x1B0];
	[tilespmem:s28+$0x79C0] =	vst v13;
	v11 =	vadd.f32 v11, v2;
	v9 =	vmax.f32 v9, $0.0e+00  }
0x14d: {  	v26 =	vld [tilespmem:s30+$0x29B0];
	[tilespmem:s28+$0x79D0] =	vst v10;
	v9 =	vadd.f32 v9, v1  }
0x14e: {  	v27 =	vld [tilespmem:s30+$0x1C0];
	[tilespmem:s28+$0x79E0] =	vst v11  }
0x14f: {  	v28 =	vld [tilespmem:s30+$0x29C0];
	[tilespmem:s28+$0x79F0] =	vst v9;
	s28 =	smov.u32 s30  }
0x150: {  	v12 =	vld [tilespmem:s28+$0x1D0]  }
0x151: {  	v14 =	vld [tilespmem:s28+$0x29D0]  }
0x152: {  	v11 =	vld [tilespmem:s28+$0x1E0]  }
0x153: {  	v13 =	vld [tilespmem:s28+$0x29E0]  }
0x154: {  	v9 =	vld [tilespmem:s28+$0x1F0]  }
0x155: {  	v10 =	vld [tilespmem:s28+$0x29F0]  }
.Ltmp5:
0x156: {  	v22 =	vld [tilespmem:s28+$0x7980];
	(pc) =	sbr.rel @p5 .LBB2_52-.Ltmp5, $4  }
0x157: {  	v20 =	vld [tilespmem:s28+$0x7990]  }
0x158: {  	v24 =	vadd.f32 v18, v21;
	v19 =	vld [tilespmem:s28+$0x79A0]  }
0x159: {  	v23 =	vadd.f32 v23, v16;
	v21 =	vadd.f32 v15, v17;
	v17 =	vld [tilespmem:s28+$0x79B0]  }
0x15a: {  	s29 =	sadd.s32 $0x200, s29;
	v18 =	vadd.f32 v26, v25;
	v15 =	vadd.f32 v28, v27;
	v16 =	vld [tilespmem:s28+$0x79C0]  }
0x15b: {  	v22 =	vadd.f32 v22, v24;
	v12 =	vadd.f32 v14, v12;
	v57 =	vld [tilespmem:s28+$0x79D0]  }
0x15c: {  	v11 =	vadd.f32 v13, v11;
	v58 =	vld [tilespmem:s28+$0x79E0];
	v20 =	vadd.f32 v20, v23  }
0x15d: {  	v9 =	vadd.f32 v10, v9;
	v10 =	vld [tilespmem:s28+$0x79F0];
	v22 =	vmax.f32 v22, $0.0e+00;
	v19 =	vadd.f32 v19, v21  }
0x15e: {  	v59 =	vadd.f32 v22, v8;
	v20 =	vmax.f32 v20, $0.0e+00;
	v17 =	vadd.f32 v17, v18  }
0x15f: {  	v60 =	vadd.f32 v20, v7;
	v19 =	vmax.f32 v19, $0.0e+00;
	v15 =	vadd.f32 v16, v15  }
0x160: {  	[tilespmem:s28+$0x7980] =	vst v59;
	v61 =	vadd.f32 v19, v6;
	v17 =	vmax.f32 v17, $0.0e+00;
	v12 =	vadd.f32 v57, v12  }
0x161: {  	v11 =	vadd.f32 v58, v11;
	[tilespmem:s28+$0x7990] =	vst v60;
	v62 =	vadd.f32 v17, v5;
	v15 =	vmax.f32 v15, $0.0e+00  }
0x162: {  	v9 =	vadd.f32 v10, v9;
	[tilespmem:s28+$0x79A0] =	vst v61;
	v63 =	vadd.f32 v15, v4;
	v12 =	vmax.f32 v12, $0.0e+00  }
0x163: {  	v11 =	vmax.f32 v11, $0.0e+00;
	[tilespmem:s28+$0x79B0] =	vst v62;
	v10 =	vadd.f32 v12, v3  }
0x164: {  	v9 =	vmax.f32 v9, $0.0e+00;
	v11 =	vadd.f32 v11, v2;
	[tilespmem:s28+$0x79C0] =	vst v63  }
0x165: {  	s26 =	sadd.s32 s26, s23;
	v9 =	vadd.f32 v9, v1;
	[tilespmem:s28+$0x79D0] =	vst v10  }
0x166: {  	s29 =	sshrl.u32 s26, $0x3;
	[tilespmem:s28+$0x79E0] =	vst v11  }
0x167: {  	s30 =	sadd.s32 s15, s29;
	[tilespmem:s28+$0x79F0] =	vst v9  }
0x168: {  	[tilespmem:s3], [sflag:$0x4] =	stream.linear.gather [hbm4b:s30+s3], $0x50, $0x38;
	[tilespmem:$0x1E600] =	vst v63  }
0x169: {  	_ =	swait.ge [sflag:s6], $0x50  }
0x16a: {  	[sflag:s6] =	ssyncset.done $0x0  }
0x16b: {  	s30 =	sadd.s32 s16, s29;
	[sflag:s6] =	ssyncadd.s32 $0xFFFFFFB0  }
0x16c: {  	[tilespmem:s8], [sflag:$0x4] =	stream.linear.gather [hbm4b:s30+s3], $0x50, $0x38;
	[tilespmem:$0x1E600] =	vst v63  }
0x16d: {  	_ =	swait.ge [sflag:s6], $0x50  }
0x16e: {  	[sflag:s6] =	ssyncset.done $0x0  }
0x16f: {  	[sflag:s6] =	ssyncadd.s32 $0xFFFFFFB0  }
0x170: {  	[tilespmem:s10], [sflag:$0x1] =	stream.indirect.gather [hbm4b:s1+s9], $0x80, s3, s9, $0xb8;
	[tilespmem:$0x1E600] =	vst v63  }
0x171: {  	p5 =	sne.s32 s4, $0x0;
	s26 =	sshll.u32 s26, $0x4  }
0x172: {  	[tilespmem:s11], [sflag:$0x2] =	stream.indirect.gather [hbm4b:s5+s9], $0x80, s8, s9, $0xb8;
	[tilespmem:$0x1E600] =	vst v63  }
0x173: {  	s26 =	sadd.s32 s14, s26;
	s28 =	simm.s32 @!p5 $0x80  }
0x174: {  	[tilespmem:s12], [sflag:$0x3] =	stream.linear.gather [hbm4b:s26+s3], $0x2800, $0x38;
	[tilespmem:$0x1E600] =	vst v63  }
0x175: {  	s29 =	simm.s32 @!p5 $0x7980;
	s26 =	simm.s32 @!p5 $0x50;
	[bflag:$0x0] =	sbarrier.arrive $0xFFFF  }
0x176: {  	[spmem:s2] =	stream.indirect.scatter.add.f32 @!p5 [tilespmem:s29], [sflag:$0x4], $0x80, s28, s26, $0xb8;
	[tilespmem:$0x1E600] =	vst v63  }
0x177: {  	s26 =	simm.s32 @!p5 $0x4  }
0x178: {  	s28 =	simm.s32 @!p5 $0x0;
	_ =	swait.ge @!p5 [sflag:s26], $0x2800  }
0x179: {  	s28 =	simm.s32 @p5 $0x1;
	[sflag:s26] =	ssyncset.done @!p5 $0x0  }
0x17a: {  	[smem:$0x7E2] =	sst s28;
	[sflag:s26] =	ssyncadd.s32 @!p5 $0xFFFFD800  }
0x17b: {  	[bflag:$0x0] =	sbarrier.arrive $0xFFFF  }
0x17c: {  	s28 =	sld [smem:$0x7EA];
	_ =	sdelay $0x2  }
0x17d: {  	p5 =	seq.s32 s28, $0x1  }
0x17e: {  	s26 =	simm.s32 @p5 $0x50;
	s28 =	simm.s32 @p5 $0x80;
	s29 =	simm.s32 @p5 $0x7980  }
0x17f: {  	[spmem:s2] =	stream.indirect.scatter.add.f32 @p5 [tilespmem:s29], [sflag:$0x4], $0x80, s28, s26, $0xb8;
	[tilespmem:$0x1E600] =	vst v63  }
0x180: {  	s26 =	simm.s32 @p5 $0x4  }
0x181: {  	_ =	swait.ge @p5 [sflag:s26], $0x2800  }
0x182: {  	[sflag:s26] =	ssyncset.done @p5 $0x0  }
0x183: {  	[sflag:s26] =	ssyncadd.s32 @p5 $0xFFFFD800  }
0x184: {  	[bflag:$0x0] =	sbarrier.arrive $0xFFFF  }
0x185: {  	s29 =	sld [smem:$0x7ED];
	_ =	sdelay $0x2  }
0x186: {  	p5 =	seq.s32 s29, $0x1  }
0x187: {  	s26 =	simm.s32 @p5 $0x50;
	s28 =	simm.s32 @p5 $0x80;
	s29 =	simm.s32 @p5 $0x7980  }
0x188: {  	[spmem:s2] =	stream.indirect.scatter.add.f32 @p5 [tilespmem:s29], [sflag:$0x4], $0x80, s28, s26, $0xb8;
	[tilespmem:$0x1E600] =	vst v63  }
0x189: {  	s26 =	simm.s32 @p5 $0x4  }
0x18a: {  	_ =	swait.ge @p5 [sflag:s26], $0x2800  }
0x18b: {  	[sflag:s26] =	ssyncset.done @p5 $0x0  }
0x18c: {  	[sflag:s26] =	ssyncadd.s32 @p5 $0xFFFFD800  }
0x18d: {  	[bflag:$0x0] =	sbarrier.arrive $0xFFFF  }
0x18e: {  	s30 =	sld [smem:$0x7EB];
	_ =	sdelay $0x2  }
0x18f: {  	p5 =	seq.s32 s30, $0x1  }
0x190: {  	s26 =	simm.s32 @p5 $0x50;
	s28 =	simm.s32 @p5 $0x80;
	s29 =	simm.s32 @p5 $0x7980  }
0x191: {  	[spmem:s2] =	stream.indirect.scatter.add.f32 @p5 [tilespmem:s29], [sflag:$0x4], $0x80, s28, s26, $0xb8;
	[tilespmem:$0x1E600] =	vst v63  }
0x192: {  	s26 =	simm.s32 @p5 $0x4  }
0x193: {  	_ =	swait.ge @p5 [sflag:s26], $0x2800  }
0x194: {  	[sflag:s26] =	ssyncset.done @p5 $0x0  }
0x195: {  	[sflag:s26] =	ssyncadd.s32 @p5 $0xFFFFD800  }
0x196: {  	[bflag:$0x0] =	sbarrier.arrive $0xFFFF  }
0x197: {  	s28 =	sld [smem:$0x7EC];
	_ =	sdelay $0x2  }
0x198: {  	p5 =	seq.s32 s28, $0x1  }
0x199: {  	s26 =	simm.s32 @p5 $0x50;
	s28 =	simm.s32 @p5 $0x80;
	s29 =	simm.s32 @p5 $0x7980  }
0x19a: {  	[spmem:s2] =	stream.indirect.scatter.add.f32 @p5 [tilespmem:s29], [sflag:$0x4], $0x80, s28, s26, $0xb8;
	[tilespmem:$0x1E600] =	vst v63  }
0x19b: {  	s26 =	simm.s32 @p5 $0x4  }
0x19c: {  	_ =	swait.ge @p5 [sflag:s26], $0x2800  }
0x19d: {  	[sflag:s26] =	ssyncset.done @p5 $0x0  }
0x19e: {  	s28 =	simm.s32 @p6 $0x80;
	[sflag:s26] =	ssyncadd.s32 @p5 $0xFFFFD800  }
0x19f: {  	s29 =	simm.s32 @p6 $0x7980;
	s26 =	simm.s32 @p6 $0x50;
	[bflag:$0x0] =	sbarrier.arrive $0xFFFF  }
0x1a0: {  	[spmem:s2] =	stream.indirect.scatter.add.f32 @p6 [tilespmem:s29], [sflag:$0x4], $0x80, s28, s26, $0xb8;
	[tilespmem:$0x1E600] =	vst v63  }
0x1a1: {  	s26 =	simm.s32 @p6 $0x4  }
0x1a2: {  	_ =	swait.ge @p6 [sflag:s26], $0x2800  }
0x1a3: {  	[sflag:s26] =	ssyncset.done @p6 $0x0  }
0x1a4: {  	[sflag:s26] =	ssyncadd.s32 @p6 $0xFFFFD800  }
0x1a5: {  	[bflag:$0x0] =	sbarrier.arrive $0xFFFF  }
0x1a6: {  	s29 =	sld [smem:$0x7E9];
	_ =	sdelay $0x2  }
0x1a7: {  	p5 =	seq.s32 s29, $0x1  }
0x1a8: {  	s26 =	simm.s32 @p5 $0x50;
	s28 =	simm.s32 @p5 $0x80;
	s29 =	simm.s32 @p5 $0x7980  }
0x1a9: {  	[spmem:s2] =	stream.indirect.scatter.add.f32 @p5 [tilespmem:s29], [sflag:$0x4], $0x80, s28, s26, $0xb8;
	[tilespmem:$0x1E600] =	vst v63  }
0x1aa: {  	s26 =	simm.s32 @p5 $0x4  }
0x1ab: {  	_ =	swait.ge @p5 [sflag:s26], $0x2800  }
0x1ac: {  	[sflag:s26] =	ssyncset.done @p5 $0x0  }
0x1ad: {  	s28 =	simm.s32 @p0 $0x80;
	[sflag:s26] =	ssyncadd.s32 @p5 $0xFFFFD800  }
0x1ae: {  	s29 =	simm.s32 @p0 $0x7980;
	s26 =	simm.s32 @p0 $0x50;
	[bflag:$0x0] =	sbarrier.arrive $0xFFFF  }
0x1af: {  	[spmem:s2] =	stream.indirect.scatter.add.f32 @p0 [tilespmem:s29], [sflag:$0x4], $0x80, s28, s26, $0xb8;
	[tilespmem:$0x1E600] =	vst v63  }
0x1b0: {  	s26 =	simm.s32 @p0 $0x4  }
0x1b1: {  	_ =	swait.ge @p0 [sflag:s26], $0x2800  }
0x1b2: {  	[sflag:s26] =	ssyncset.done @p0 $0x0  }
0x1b3: {  	[sflag:s26] =	ssyncadd.s32 @p0 $0xFFFFD800  }
0x1b4: {  	[bflag:$0x0] =	sbarrier.arrive $0xFFFF  }
0x1b5: {  	s30 =	sld [smem:$0x7E6];
	_ =	sdelay $0x2  }
0x1b6: {  	p5 =	seq.s32 s30, $0x1  }
0x1b7: {  	s26 =	simm.s32 @p5 $0x50;
	s28 =	simm.s32 @p5 $0x80;
	s29 =	simm.s32 @p5 $0x7980  }
0x1b8: {  	[spmem:s2] =	stream.indirect.scatter.add.f32 @p5 [tilespmem:s29], [sflag:$0x4], $0x80, s28, s26, $0xb8;
	[tilespmem:$0x1E600] =	vst v63  }
0x1b9: {  	s26 =	simm.s32 @p5 $0x4  }
0x1ba: {  	_ =	swait.ge @p5 [sflag:s26], $0x2800  }
0x1bb: {  	[sflag:s26] =	ssyncset.done @p5 $0x0  }
0x1bc: {  	s28 =	simm.s32 @p1 $0x80;
	[sflag:s26] =	ssyncadd.s32 @p5 $0xFFFFD800  }
0x1bd: {  	s29 =	simm.s32 @p1 $0x7980;
	s26 =	simm.s32 @p1 $0x50;
	[bflag:$0x0] =	sbarrier.arrive $0xFFFF  }
0x1be: {  	[spmem:s2] =	stream.indirect.scatter.add.f32 @p1 [tilespmem:s29], [sflag:$0x4], $0x80, s28, s26, $0xb8;
	[tilespmem:$0x1E600] =	vst v63  }
0x1bf: {  	s26 =	simm.s32 @p1 $0x4  }
0x1c0: {  	_ =	swait.ge @p1 [sflag:s26], $0x2800  }
0x1c1: {  	[sflag:s26] =	ssyncset.done @p1 $0x0  }
0x1c2: {  	[sflag:s26] =	ssyncadd.s32 @p1 $0xFFFFD800  }
0x1c3: {  	[bflag:$0x0] =	sbarrier.arrive $0xFFFF  }
0x1c4: {  	s28 =	sld [smem:$0x7E8];
	_ =	sdelay $0x2  }
0x1c5: {  	p5 =	seq.s32 s28, $0x1  }
0x1c6: {  	s26 =	simm.s32 @p5 $0x50;
	s28 =	simm.s32 @p5 $0x80;
	s29 =	simm.s32 @p5 $0x7980  }
0x1c7: {  	[spmem:s2] =	stream.indirect.scatter.add.f32 @p5 [tilespmem:s29], [sflag:$0x4], $0x80, s28, s26, $0xb8;
	[tilespmem:$0x1E600] =	vst v63  }
0x1c8: {  	s26 =	simm.s32 @p5 $0x4  }
0x1c9: {  	_ =	swait.ge @p5 [sflag:s26], $0x2800  }
0x1ca: {  	[sflag:s26] =	ssyncset.done @p5 $0x0  }
0x1cb: {  	s28 =	simm.s32 @p4 $0x80;
	[sflag:s26] =	ssyncadd.s32 @p5 $0xFFFFD800  }
0x1cc: {  	s29 =	simm.s32 @p4 $0x7980;
	s26 =	simm.s32 @p4 $0x50;
	[bflag:$0x0] =	sbarrier.arrive $0xFFFF  }
0x1cd: {  	[spmem:s2] =	stream.indirect.scatter.add.f32 @p4 [tilespmem:s29], [sflag:$0x4], $0x80, s28, s26, $0xb8;
	[tilespmem:$0x1E600] =	vst v63  }
0x1ce: {  	s26 =	simm.s32 @p4 $0x4  }
0x1cf: {  	_ =	swait.ge @p4 [sflag:s26], $0x2800  }
0x1d0: {  	[sflag:s26] =	ssyncset.done @p4 $0x0  }
0x1d1: {  	[sflag:s26] =	ssyncadd.s32 @p4 $0xFFFFD800  }
0x1d2: {  	[bflag:$0x0] =	sbarrier.arrive $0xFFFF  }
0x1d3: {  	s29 =	sld [smem:$0x7E5];
	_ =	sdelay $0x2  }
0x1d4: {  	p5 =	seq.s32 s29, $0x1  }
0x1d5: {  	s26 =	simm.s32 @p5 $0x50;
	s28 =	simm.s32 @p5 $0x80;
	s29 =	simm.s32 @p5 $0x7980  }
0x1d6: {  	[spmem:s2] =	stream.indirect.scatter.add.f32 @p5 [tilespmem:s29], [sflag:$0x4], $0x80, s28, s26, $0xb8;
	[tilespmem:$0x1E600] =	vst v63  }
0x1d7: {  	s26 =	simm.s32 @p5 $0x4  }
0x1d8: {  	_ =	swait.ge @p5 [sflag:s26], $0x2800  }
0x1d9: {  	[sflag:s26] =	ssyncset.done @p5 $0x0  }
0x1da: {  	s28 =	simm.s32 @p3 $0x80;
	[sflag:s26] =	ssyncadd.s32 @p5 $0xFFFFD800  }
0x1db: {  	s29 =	simm.s32 @p3 $0x7980;
	s26 =	simm.s32 @p3 $0x50;
	[bflag:$0x0] =	sbarrier.arrive $0xFFFF  }
0x1dc: {  	[spmem:s2] =	stream.indirect.scatter.add.f32 @p3 [tilespmem:s29], [sflag:$0x4], $0x80, s28, s26, $0xb8;
	[tilespmem:$0x1E600] =	vst v63  }
0x1dd: {  	s26 =	simm.s32 @p3 $0x4  }
0x1de: {  	_ =	swait.ge @p3 [sflag:s26], $0x2800  }
0x1df: {  	[sflag:s26] =	ssyncset.done @p3 $0x0  }
0x1e0: {  	[sflag:s26] =	ssyncadd.s32 @p3 $0xFFFFD800  }
0x1e1: {  	[bflag:$0x0] =	sbarrier.arrive $0xFFFF  }
0x1e2: {  	s30 =	sld [smem:$0x7E7];
	_ =	sdelay $0x2  }
0x1e3: {  	p5 =	seq.s32 s30, $0x1  }
0x1e4: {  	s26 =	simm.s32 @p5 $0x50;
	s28 =	simm.s32 @p5 $0x80;
	s29 =	simm.s32 @p5 $0x7980  }
0x1e5: {  	[spmem:s2] =	stream.indirect.scatter.add.f32 @p5 [tilespmem:s29], [sflag:$0x4], $0x80, s28, s26, $0xb8;
	[tilespmem:$0x1E600] =	vst v63  }
0x1e6: {  	s26 =	simm.s32 @p5 $0x4  }
0x1e7: {  	_ =	swait.ge @p5 [sflag:s26], $0x2800  }
0x1e8: {  	[sflag:s26] =	ssyncset.done @p5 $0x0  }
0x1e9: {  	s25 =	sadd.s32 $0x1, s25;
	s28 =	simm.s32 @p2 $0x80;
	[sflag:s26] =	ssyncadd.s32 @p5 $0xFFFFD800  }
0x1ea: {  	s29 =	simm.s32 @p2 $0x7980;
	s26 =	simm.s32 @p2 $0x50;
	[bflag:$0x0] =	sbarrier.arrive $0xFFFF  }
0x1eb: {  	[spmem:s2] =	stream.indirect.scatter.add.f32 @p2 [tilespmem:s29], [sflag:$0x4], $0x80, s28, s26, $0xb8;
	[tilespmem:$0x1E600] =	vst v63  }
0x1ec: {  	p5 =	sne.s32 s25, $0x3E;
	s26 =	simm.s32 @p2 $0x4  }
.Ltmp6:
0x1ed: {  	_ =	swait.ge @p2 [sflag:s26], $0x2800;
	(pc) =	sbr.rel @p5 .LBB2_4-.Ltmp6, $4  }
.Ltmp7:
0x1ee: {  	[sflag:s26] =	ssyncset.done @p2 $0x0;
	(pc) =	sbr.rel @!p5 .LBB2_54-.Ltmp7, $4  }
0x1ef: {  	[sflag:s26] =	ssyncadd.s32 @p2 $0xFFFFD800  }
0x1f0: {  	[bflag:$0x0] =	sbarrier.arrive $0xFFFF  }
0x1f1: {  	_ = 	snop  }
0x1f2: {  	_ = 	snop  }
.LBB2_11:
0x1f3: {  	[bflag:$0x0] =	sbarrier.arrive $0xFFFF  }
0x1f4: {  	s28 =	sld [smem:$0x7F0];
	_ =	sdelay $0x2  }
0x1f5: {  	p0 =	seq.s32 s28, $0x1  }
.Ltmp8:
0x1f6: {  	_ = 	snop;
	(pc) =	sbr.rel @p0 .LBB2_14-.Ltmp8, $1  }
0x1f7: {  	_ =	sdelay $0x3  }
.Ltmp9:
0x1f8: {  	(pc) =	sbr.rel .LBB2_13-.Ltmp9, $4  }
0x1f9: {  	[spmem:s2] =	stream.indirect.scatter.add.f32 [tilespmem:s12], [sflag:$0x4], $0x80, s3, s9, $0xb8;
	[tilespmem:$0x1E600] =	vst v63  }
0x1fa: {  	_ =	swait.ge [sflag:s6], $0x2800  }
0x1fb: {  	[sflag:s6] =	ssyncset.done $0x0  }
0x1fc: {  	p2 =	por $0x0, $0x0;
	p0 =	por $0x1, $0x1;
	[sflag:s6] =	ssyncadd.s32 $0xFFFFD800  }
.LBB2_14:
0x1fd: {  	[bflag:$0x0] =	sbarrier.arrive $0xFFFF  }
0x1fe: {  	s28 =	sld [smem:$0x7F1];
	_ =	sdelay $0x2  }
0x1ff: {  	p0 =	seq.s32 s28, $0x1  }
.Ltmp10:
0x200: {  	_ = 	snop;
	(pc) =	sbr.rel @p0 .LBB2_17-.Ltmp10, $1  }
0x201: {  	_ =	sdelay $0x3  }
0x202: {  	[spmem:s2] =	stream.indirect.scatter.add.f32 [tilespmem:s12], [sflag:$0x4], $0x80, s3, s9, $0xb8;
	[tilespmem:$0x1E600] =	vst v63  }
.Ltmp11:
0x203: {  	_ = 	snop;
	(pc) =	sbr.rel .LBB2_16-.Ltmp11, $4  }
0x204: {  	p1 =	por $0x0, $0x0  }
0x205: {  	_ =	swait.ge [sflag:s6], $0x2800;
	s28 =	simm.s32 @!p1 $0x0  }
0x206: {  	p2 =	por $0x0, $0x0;
	[sflag:s6] =	ssyncset.done $0x0;
	s28 =	simm.s32 @p1 $0x1  }
0x207: {  	p0 =	por $0x1, $0x1;
	[sflag:s6] =	ssyncadd.s32 $0xFFFFD800;
	[smem:$0x7ED] =	sst s28  }
.LBB2_17:
0x208: {  	[bflag:$0x0] =	sbarrier.arrive $0xFFFF  }
0x209: {  	s28 =	sld [smem:$0x7F2];
	_ =	sdelay $0x2  }
0x20a: {  	p0 =	seq.s32 s28, $0x1  }
.Ltmp12:
0x20b: {  	_ = 	snop;
	(pc) =	sbr.rel @p0 .LBB2_20-.Ltmp12, $1  }
0x20c: {  	_ =	sdelay $0x3  }
0x20d: {  	[spmem:s2] =	stream.indirect.scatter.add.f32 [tilespmem:s12], [sflag:$0x4], $0x80, s3, s9, $0xb8;
	[tilespmem:$0x1E600] =	vst v63  }
.Ltmp13:
0x20e: {  	_ = 	snop;
	(pc) =	sbr.rel .LBB2_19-.Ltmp13, $4  }
0x20f: {  	p0 =	por $0x0, $0x0  }
0x210: {  	p1 =	por $0x1, $0x1;
	_ =	swait.ge [sflag:s6], $0x2800;
	s28 =	simm.s32 @!p0 $0x0  }
0x211: {  	p2 =	por $0x0, $0x0;
	[sflag:s6] =	ssyncset.done $0x0;
	s28 =	simm.s32 @p0 $0x1  }
0x212: {  	p0 =	por $0x0, $0x0;
	[sflag:s6] =	ssyncadd.s32 $0xFFFFD800;
	[smem:$0x7ED] =	sst s28  }
.LBB2_20:
0x213: {  	[bflag:$0x0] =	sbarrier.arrive $0xFFFF  }
0x214: {  	s28 =	sld [smem:$0x7F3];
	_ =	sdelay $0x2  }
0x215: {  	p0 =	seq.s32 s28, $0x1  }
.Ltmp14:
0x216: {  	_ = 	snop;
	(pc) =	sbr.rel @p0 .LBB2_23-.Ltmp14, $1  }
0x217: {  	_ =	sdelay $0x3  }
0x218: {  	[spmem:s2] =	stream.indirect.scatter.add.f32 [tilespmem:s12], [sflag:$0x4], $0x80, s3, s9, $0xb8;
	[tilespmem:$0x1E600] =	vst v63  }
0x219: {  	p1 =	por $0x0, $0x0  }
.Ltmp15:
0x21a: {  	s28 =	simm.s32 @!p1 $0x0;
	(pc) =	sbr.rel .LBB2_22-.Ltmp15, $4  }
0x21b: {  	_ =	swait.ge [sflag:s6], $0x2800;
	s28 =	simm.s32 @p1 $0x1;
	p1 =	por $0x0, $0x0  }
0x21c: {  	p0 =	por $0x0, $0x0;
	[smem:$0x7ED] =	sst s28;
	s28 =	simm.s32 @!p1 $0x0  }
0x21d: {  	p6 =	por $0x1, $0x1;
	[sflag:s6] =	ssyncset.done $0x0;
	s28 =	simm.s32 @p1 $0x1  }
0x21e: {  	p2 =	por $0x0, $0x0;
	[sflag:s6] =	ssyncadd.s32 $0xFFFFD800;
	[smem:$0x7EC] =	sst s28  }
.LBB2_23:
0x21f: {  	[bflag:$0x0] =	sbarrier.arrive $0xFFFF  }
0x220: {  	s28 =	sld [smem:$0x7F4];
	_ =	sdelay $0x2  }
0x221: {  	p0 =	seq.s32 s28, $0x1  }
.Ltmp16:
0x222: {  	_ = 	snop;
	(pc) =	sbr.rel @p0 .LBB2_26-.Ltmp16, $1  }
0x223: {  	_ =	sdelay $0x3  }
0x224: {  	[spmem:s2] =	stream.indirect.scatter.add.f32 [tilespmem:s12], [sflag:$0x4], $0x80, s3, s9, $0xb8;
	[tilespmem:$0x1E600] =	vst v63  }
0x225: {  	p0 =	por $0x0, $0x0  }
0x226: {  	s28 =	simm.s32 @!p0 $0x0  }
0x227: {  	_ =	swait.ge [sflag:s6], $0x2800;
	s28 =	simm.s32 @p0 $0x1;
	p0 =	por $0x0, $0x0  }
.Ltmp17:
0x228: {  	[smem:$0x7EC] =	sst s28;
	s28 =	simm.s32 @!p0 $0x0;
	(pc) =	sbr.rel .LBB2_25-.Ltmp17, $4  }
0x229: {  	s28 =	simm.s32 @p0 $0x1;
	p0 =	por $0x0, $0x0  }
0x22a: {  	p1 =	por $0x1, $0x1;
	[smem:$0x7ED] =	sst s28;
	s28 =	simm.s32 @!p0 $0x0  }
0x22b: {  	p2 =	por $0x0, $0x0;
	[sflag:s6] =	ssyncset.done $0x0;
	s28 =	simm.s32 @p0 $0x1  }
0x22c: {  	p6 =	por $0x0, $0x0;
	[sflag:s6] =	ssyncadd.s32 $0xFFFFD800;
	[smem:$0x7EB] =	sst s28  }
.LBB2_26:
0x22d: {  	[bflag:$0x0] =	sbarrier.arrive $0xFFFF  }
0x22e: {  	s28 =	sld [smem:$0x7F5];
	_ =	sdelay $0x2  }
0x22f: {  	p0 =	seq.s32 s28, $0x1  }
.Ltmp18:
0x230: {  	_ = 	snop;
	(pc) =	sbr.rel @p0 .LBB2_29-.Ltmp18, $1  }
0x231: {  	_ =	sdelay $0x3  }
0x232: {  	[spmem:s2] =	stream.indirect.scatter.add.f32 [tilespmem:s12], [sflag:$0x4], $0x80, s3, s9, $0xb8;
	[tilespmem:$0x1E600] =	vst v63  }
0x233: {  	p1 =	por $0x0, $0x0  }
0x234: {  	s28 =	simm.s32 @!p1 $0x0  }
0x235: {  	_ =	swait.ge [sflag:s6], $0x2800;
	s28 =	simm.s32 @p1 $0x1;
	p1 =	por $0x0, $0x0  }
0x236: {  	[smem:$0x7EB] =	sst s28;
	s28 =	simm.s32 @!p1 $0x0  }
0x237: {  	s28 =	simm.s32 @p1 $0x1;
	p1 =	por $0x0, $0x0  }
.Ltmp19:
0x238: {  	[smem:$0x7EA] =	sst s28;
	s28 =	simm.s32 @!p1 $0x0;
	(pc) =	sbr.rel .LBB2_28-.Ltmp19, $4  }
0x239: {  	s28 =	simm.s32 @p1 $0x1;
	p1 =	por $0x0, $0x0  }
0x23a: {  	p6 =	por $0x0, $0x0;
	[smem:$0x7ED] =	sst s28;
	s28 =	simm.s32 @!p1 $0x0  }
0x23b: {  	p0 =	por $0x1, $0x1;
	[sflag:s6] =	ssyncset.done $0x0;
	s28 =	simm.s32 @p1 $0x1  }
0x23c: {  	[sflag:s6] =	ssyncadd.s32 $0xFFFFD800;
	p1 =	por $0x0, $0x0;
	[smem:$0x7EC] =	sst s28  }
.LBB2_29:
0x23d: {  	[bflag:$0x0] =	sbarrier.arrive $0xFFFF  }
0x23e: {  	s28 =	sld [smem:$0x7F6];
	_ =	sdelay $0x2  }
0x23f: {  	p0 =	seq.s32 s28, $0x1  }
.Ltmp20:
0x240: {  	_ = 	snop;
	(pc) =	sbr.rel @p0 .LBB2_32-.Ltmp20, $1  }
0x241: {  	_ =	sdelay $0x3  }
0x242: {  	[spmem:s2] =	stream.indirect.scatter.add.f32 [tilespmem:s12], [sflag:$0x4], $0x80, s3, s9, $0xb8;
	[tilespmem:$0x1E600] =	vst v63  }
0x243: {  	p0 =	por $0x0, $0x0  }
0x244: {  	s28 =	simm.s32 @!p0 $0x0  }
0x245: {  	_ =	swait.ge [sflag:s6], $0x2800;
	s28 =	simm.s32 @p0 $0x1;
	p0 =	por $0x0, $0x0  }
0x246: {  	[smem:$0x7E9] =	sst s28;
	s28 =	simm.s32 @!p0 $0x0  }
0x247: {  	s28 =	simm.s32 @p0 $0x1;
	p0 =	por $0x0, $0x0  }
0x248: {  	[smem:$0x7EC] =	sst s28;
	s28 =	simm.s32 @!p0 $0x0  }
0x249: {  	s28 =	simm.s32 @p0 $0x1;
	p0 =	por $0x0, $0x0  }
.Ltmp21:
0x24a: {  	[smem:$0x7ED] =	sst s28;
	s28 =	simm.s32 @!p0 $0x0;
	(pc) =	sbr.rel .LBB2_31-.Ltmp21, $4  }
0x24b: {  	s28 =	simm.s32 @p0 $0x1;
	p0 =	por $0x0, $0x0  }
0x24c: {  	p2 =	por $0x1, $0x1;
	[smem:$0x7EA] =	sst s28;
	s28 =	simm.s32 @!p0 $0x0  }
0x24d: {  	p6 =	por $0x0, $0x0;
	[sflag:s6] =	ssyncset.done $0x0;
	s28 =	simm.s32 @p0 $0x1  }
0x24e: {  	[sflag:s6] =	ssyncadd.s32 $0xFFFFD800;
	p0 =	por $0x0, $0x0;
	[smem:$0x7EB] =	sst s28  }
.LBB2_32:
0x24f: {  	[bflag:$0x0] =	sbarrier.arrive $0xFFFF  }
0x250: {  	s28 =	sld [smem:$0x7F7];
	_ =	sdelay $0x2  }
0x251: {  	p0 =	seq.s32 s28, $0x1  }
.Ltmp22:
0x252: {  	_ = 	snop;
	(pc) =	sbr.rel @p0 .LBB2_35-.Ltmp22, $1  }
0x253: {  	_ =	sdelay $0x3  }
0x254: {  	[spmem:s2] =	stream.indirect.scatter.add.f32 [tilespmem:s12], [sflag:$0x4], $0x80, s3, s9, $0xb8;
	[tilespmem:$0x1E600] =	vst v63  }
0x255: {  	p2 =	por $0x0, $0x0  }
0x256: {  	s28 =	simm.s32 @!p2 $0x0  }
0x257: {  	_ =	swait.ge [sflag:s6], $0x2800;
	s28 =	simm.s32 @p2 $0x1;
	p2 =	por $0x0, $0x0  }
0x258: {  	[smem:$0x7EB] =	sst s28;
	s28 =	simm.s32 @!p2 $0x0  }
0x259: {  	s28 =	simm.s32 @p2 $0x1;
	p2 =	por $0x0, $0x0  }
0x25a: {  	[smem:$0x7EA] =	sst s28;
	s28 =	simm.s32 @!p2 $0x0  }
0x25b: {  	s28 =	simm.s32 @p2 $0x1;
	p2 =	por $0x0, $0x0  }
.Ltmp23:
0x25c: {  	[smem:$0x7ED] =	sst s28;
	s28 =	simm.s32 @!p2 $0x0;
	(pc) =	sbr.rel .LBB2_34-.Ltmp23, $4  }
0x25d: {  	p0 =	por $0x0, $0x0;
	s28 =	simm.s32 @p2 $0x1;
	p2 =	por $0x0, $0x0  }
0x25e: {  	p1 =	por $0x1, $0x1;
	[smem:$0x7EC] =	sst s28;
	s28 =	simm.s32 @!p2 $0x0  }
0x25f: {  	p6 =	por $0x0, $0x0;
	[sflag:s6] =	ssyncset.done $0x0;
	s28 =	simm.s32 @p2 $0x1  }
0x260: {  	[sflag:s6] =	ssyncadd.s32 $0xFFFFD800;
	p2 =	por $0x0, $0x0;
	[smem:$0x7E9] =	sst s28  }
.LBB2_35:
0x261: {  	[bflag:$0x0] =	sbarrier.arrive $0xFFFF  }
0x262: {  	s28 =	sld [smem:$0x7F8];
	_ =	sdelay $0x2  }
0x263: {  	p0 =	seq.s32 s28, $0x1  }
.Ltmp24:
0x264: {  	_ = 	snop;
	(pc) =	sbr.rel @p0 .LBB2_38-.Ltmp24, $1  }
0x265: {  	_ =	sdelay $0x3  }
0x266: {  	[spmem:s2] =	stream.indirect.scatter.add.f32 [tilespmem:s12], [sflag:$0x4], $0x80, s3, s9, $0xb8;
	[tilespmem:$0x1E600] =	vst v63  }
0x267: {  	p0 =	por $0x0, $0x0  }
0x268: {  	s28 =	simm.s32 @!p0 $0x0  }
0x269: {  	_ =	swait.ge [sflag:s6], $0x2800;
	s28 =	simm.s32 @p0 $0x1;
	p0 =	por $0x0, $0x0  }
0x26a: {  	[smem:$0x7E9] =	sst s28;
	s28 =	simm.s32 @!p0 $0x0  }
0x26b: {  	s28 =	simm.s32 @p0 $0x1;
	p0 =	por $0x0, $0x0  }
0x26c: {  	[smem:$0x7EC] =	sst s28;
	s28 =	simm.s32 @!p0 $0x0  }
0x26d: {  	p2 =	por $0x0, $0x0;
	s28 =	simm.s32 @p0 $0x1;
	p0 =	por $0x0, $0x0  }
.Ltmp25:
0x26e: {  	[smem:$0x7ED] =	sst s28;
	s28 =	simm.s32 @!p0 $0x0;
	(pc) =	sbr.rel .LBB2_37-.Ltmp25, $4  }
0x26f: {  	p3 =	por $0x1, $0x1;
	s28 =	simm.s32 @p0 $0x1;
	p0 =	por $0x0, $0x0  }
0x270: {  	p6 =	por $0x0, $0x0;
	[smem:$0x7EA] =	sst s28;
	s28 =	simm.s32 @!p0 $0x0  }
0x271: {  	p1 =	por $0x0, $0x0;
	[sflag:s6] =	ssyncset.done $0x0;
	s28 =	simm.s32 @p0 $0x1  }
0x272: {  	[sflag:s6] =	ssyncadd.s32 $0xFFFFD800;
	p0 =	por $0x0, $0x0;
	[smem:$0x7EB] =	sst s28  }
.LBB2_38:
0x273: {  	[bflag:$0x0] =	sbarrier.arrive $0xFFFF  }
0x274: {  	s28 =	sld [smem:$0x7F9];
	_ =	sdelay $0x2  }
0x275: {  	p0 =	seq.s32 s28, $0x1  }
.Ltmp26:
0x276: {  	_ = 	snop;
	(pc) =	sbr.rel @p0 .LBB2_41-.Ltmp26, $1  }
0x277: {  	_ =	sdelay $0x3  }
0x278: {  	[spmem:s2] =	stream.indirect.scatter.add.f32 [tilespmem:s12], [sflag:$0x4], $0x80, s3, s9, $0xb8;
	[tilespmem:$0x1E600] =	vst v63  }
0x279: {  	p2 =	por $0x0, $0x0  }
0x27a: {  	s28 =	simm.s32 @!p2 $0x0  }
0x27b: {  	_ =	swait.ge [sflag:s6], $0x2800;
	s28 =	simm.s32 @p2 $0x1;
	p2 =	por $0x0, $0x0  }
0x27c: {  	[smem:$0x7EB] =	sst s28;
	s28 =	simm.s32 @!p2 $0x0  }
0x27d: {  	s28 =	simm.s32 @p2 $0x1;
	p2 =	por $0x0, $0x0  }
0x27e: {  	p1 =	por $0x0, $0x0;
	[smem:$0x7EA] =	sst s28;
	s28 =	simm.s32 @!p2 $0x0  }
0x27f: {  	p4 =	por $0x1, $0x1;
	s28 =	simm.s32 @p2 $0x1;
	p2 =	por $0x0, $0x0  }
.Ltmp27:
0x280: {  	[smem:$0x7ED] =	sst s28;
	s28 =	simm.s32 @!p2 $0x0;
	(pc) =	sbr.rel .LBB2_40-.Ltmp27, $4  }
0x281: {  	p0 =	por $0x0, $0x0;
	s28 =	simm.s32 @p2 $0x1;
	p2 =	por $0x0, $0x0  }
0x282: {  	p6 =	por $0x0, $0x0;
	[smem:$0x7EC] =	sst s28;
	s28 =	simm.s32 @!p2 $0x0  }
0x283: {  	p3 =	por $0x0, $0x0;
	[sflag:s6] =	ssyncset.done $0x0;
	s28 =	simm.s32 @p2 $0x1  }
0x284: {  	[sflag:s6] =	ssyncadd.s32 $0xFFFFD800;
	p2 =	por $0x0, $0x0;
	[smem:$0x7E9] =	sst s28  }
.LBB2_41:
0x285: {  	[bflag:$0x0] =	sbarrier.arrive $0xFFFF  }
0x286: {  	s28 =	sld [smem:$0x7FA];
	_ =	sdelay $0x2  }
0x287: {  	p0 =	seq.s32 s28, $0x1  }
.Ltmp28:
0x288: {  	_ = 	snop;
	(pc) =	sbr.rel @p0 .LBB2_44-.Ltmp28, $1  }
0x289: {  	_ =	sdelay $0x3  }
0x28a: {  	[spmem:s2] =	stream.indirect.scatter.add.f32 [tilespmem:s12], [sflag:$0x4], $0x80, s3, s9, $0xb8;
	[tilespmem:$0x1E600] =	vst v63  }
0x28b: {  	p0 =	por $0x0, $0x0  }
0x28c: {  	s28 =	simm.s32 @!p0 $0x0  }
0x28d: {  	_ =	swait.ge [sflag:s6], $0x2800;
	s28 =	simm.s32 @p0 $0x1;
	p0 =	por $0x0, $0x0  }
0x28e: {  	[smem:$0x7E8] =	sst s28;
	s28 =	simm.s32 @!p0 $0x0  }
0x28f: {  	s28 =	simm.s32 @p0 $0x1;
	p0 =	por $0x0, $0x0  }
0x290: {  	[smem:$0x7E9] =	sst s28;
	s28 =	simm.s32 @!p0 $0x0  }
0x291: {  	s28 =	simm.s32 @p0 $0x1;
	p0 =	por $0x0, $0x0  }
0x292: {  	p5 =	por $0x1, $0x1;
	[smem:$0x7EC] =	sst s28;
	s28 =	simm.s32 @!p0 $0x0  }
0x293: {  	p2 =	por $0x0, $0x0;
	s28 =	simm.s32 @p0 $0x1;
	p0 =	por $0x0, $0x0  }
.Ltmp29:
0x294: {  	[smem:$0x7ED] =	sst s28;
	s28 =	simm.s32 @!p0 $0x0;
	(pc) =	sbr.rel .LBB2_43-.Ltmp29, $4  }
0x295: {  	p6 =	por $0x0, $0x0;
	s28 =	simm.s32 @p0 $0x1;
	p0 =	por $0x0, $0x0  }
0x296: {  	p1 =	por $0x0, $0x0;
	[smem:$0x7EA] =	sst s28;
	s28 =	simm.s32 @!p0 $0x0  }
0x297: {  	p4 =	por $0x0, $0x0;
	[sflag:s6] =	ssyncset.done $0x0;
	s28 =	simm.s32 @p0 $0x1  }
0x298: {  	[sflag:s6] =	ssyncadd.s32 $0xFFFFD800;
	p0 =	por $0x0, $0x0;
	[smem:$0x7EB] =	sst s28  }
.LBB2_44:
0x299: {  	[bflag:$0x0] =	sbarrier.arrive $0xFFFF  }
0x29a: {  	s28 =	sld [smem:$0x7FB];
	_ =	sdelay $0x2  }
0x29b: {  	p0 =	seq.s32 s28, $0x1  }
.Ltmp30:
0x29c: {  	_ = 	snop;
	(pc) =	sbr.rel @p0 .LBB2_47-.Ltmp30, $1  }
0x29d: {  	_ =	sdelay $0x3  }
0x29e: {  	[spmem:s2] =	stream.indirect.scatter.add.f32 [tilespmem:s12], [sflag:$0x4], $0x80, s3, s9, $0xb8;
	[tilespmem:$0x1E600] =	vst v63  }
0x29f: {  	p2 =	por $0x0, $0x0  }
0x2a0: {  	s28 =	simm.s32 @!p2 $0x0  }
0x2a1: {  	_ =	swait.ge [sflag:s6], $0x2800;
	s28 =	simm.s32 @p2 $0x1;
	p2 =	por $0x0, $0x0  }
0x2a2: {  	[smem:$0x7EB] =	sst s28;
	s28 =	simm.s32 @!p2 $0x0  }
0x2a3: {  	s28 =	simm.s32 @p2 $0x1;
	p2 =	por $0x0, $0x0  }
0x2a4: {  	[smem:$0x7EA] =	sst s28;
	s28 =	simm.s32 @!p2 $0x0  }
0x2a5: {  	p4 =	por $0x0, $0x0;
	s28 =	simm.s32 @p2 $0x1;
	p2 =	por $0x0, $0x0  }
0x2a6: {  	p3 =	por $0x1, $0x1;
	[smem:$0x7ED] =	sst s28;
	s28 =	simm.s32 @!p2 $0x0  }
0x2a7: {  	p1 =	por $0x0, $0x0;
	s28 =	simm.s32 @p2 $0x1;
	p2 =	por $0x0, $0x0  }
.Ltmp31:
0x2a8: {  	[smem:$0x7EC] =	sst s28;
	s28 =	simm.s32 @!p2 $0x0;
	(pc) =	sbr.rel .LBB2_46-.Ltmp31, $4  }
0x2a9: {  	p0 =	por $0x0, $0x0;
	p5 =	por $0x0, $0x0;
	s28 =	simm.s32 @p2 $0x1  }
0x2aa: {  	[sflag:s6] =	ssyncset.done $0x0;
	[smem:$0x7E9] =	sst s28;
	s28 =	simm.s32 @!p5 $0x0  }
0x2ab: {  	p6 =	por $0x0, $0x0;
	[sflag:s6] =	ssyncadd.s32 $0xFFFFD800;
	s28 =	simm.s32 @p5 $0x1  }
0x2ac: {  	p2 =	por $0x0, $0x0;
	p5 =	por $0x0, $0x0;
	[smem:$0x7E8] =	sst s28  }
.LBB2_47:
0x2ad: {  	[bflag:$0x0] =	sbarrier.arrive $0xFFFF  }
0x2ae: {  	s28 =	sld [smem:$0x7FC];
	_ =	sdelay $0x2  }
0x2af: {  	p0 =	seq.s32 s28, $0x1  }
.Ltmp32:
0x2b0: {  	_ = 	snop;
	(pc) =	sbr.rel @p0 .LBB2_50-.Ltmp32, $1  }
0x2b1: {  	_ =	sdelay $0x3  }
0x2b2: {  	[spmem:s2] =	stream.indirect.scatter.add.f32 [tilespmem:s12], [sflag:$0x4], $0x80, s3, s9, $0xb8;
	[tilespmem:$0x1E600] =	vst v63  }
0x2b3: {  	p0 =	por $0x1, $0x1  }
0x2b4: {  	s28 =	simm.s32 @!p0 $0x0  }
0x2b5: {  	_ =	swait.ge [sflag:s6], $0x2800;
	s28 =	simm.s32 @p0 $0x1;
	p0 =	por $0x0, $0x0  }
0x2b6: {  	[smem:$0x7E7] =	sst s28;
	s28 =	simm.s32 @!p0 $0x0  }
0x2b7: {  	s28 =	simm.s32 @p0 $0x1;
	p0 =	por $0x0, $0x0  }
0x2b8: {  	[smem:$0x7E8] =	sst s28;
	s28 =	simm.s32 @!p0 $0x0  }
0x2b9: {  	s28 =	simm.s32 @p0 $0x1;
	p0 =	por $0x0, $0x0  }
0x2ba: {  	[smem:$0x7E6] =	sst s28;
	s28 =	simm.s32 @!p0 $0x0  }
0x2bb: {  	s28 =	simm.s32 @p0 $0x1;
	p0 =	por $0x0, $0x0  }
0x2bc: {  	[smem:$0x7E9] =	sst s28;
	s28 =	simm.s32 @!p0 $0x0  }
0x2bd: {  	s28 =	simm.s32 @p0 $0x1;
	p0 =	por $0x0, $0x0  }
0x2be: {  	p5 =	por $0x0, $0x0;
	[smem:$0x7EC] =	sst s28;
	s28 =	simm.s32 @!p0 $0x0  }
0x2bf: {  	p6 =	por $0x0, $0x0;
	s28 =	simm.s32 @p0 $0x1;
	p0 =	por $0x0, $0x0  }
.Ltmp33:
0x2c0: {  	[smem:$0x7ED] =	sst s28;
	s28 =	simm.s32 @!p0 $0x0;
	(pc) =	sbr.rel .LBB2_49-.Ltmp33, $4  }
0x2c1: {  	p1 =	por $0x0, $0x0;
	s28 =	simm.s32 @p0 $0x1;
	p0 =	por $0x0, $0x0  }
0x2c2: {  	p4 =	por $0x0, $0x0;
	[smem:$0x7EA] =	sst s28;
	s28 =	simm.s32 @!p0 $0x0  }
0x2c3: {  	p3 =	por $0x0, $0x0;
	[sflag:s6] =	ssyncset.done $0x0;
	s28 =	simm.s32 @p0 $0x1  }
0x2c4: {  	[sflag:s6] =	ssyncadd.s32 $0xFFFFD800;
	p0 =	por $0x0, $0x0;
	[smem:$0x7EB] =	sst s28  }
.LBB2_50:
0x2c5: {  	[bflag:$0x0] =	sbarrier.arrive $0xFFFF  }
0x2c6: {  	s28 =	sld [smem:$0x7FD];
	_ =	sdelay $0x1  }
0x2c7: {  	p2 =	por $0x0, $0x0;
	p3 =	por $0x0, $0x0  }
0x2c8: {  	p1 =	por $0x0, $0x0;
	p6 =	por $0x0, $0x0;
	p5 =	seq.s32 s28, $0x1  }
0x2c9: {  	s28 =	simm.s32 @!p5 $0x50;
	s29 =	simm.s32 @!p5 $0x0;
	s30 =	simm.s32 @!p5 $0x5180  }
0x2ca: {  	[spmem:s2] =	stream.indirect.scatter.add.f32 @!p5 [tilespmem:s30], [sflag:$0x4], $0x80, s29, s28, $0xb8;
	[tilespmem:$0x1E600] =	vst v63  }
0x2cb: {  	p4 =	por @!p5 $0x0, $0x0;
	p0 =	por @!p5 $0x1, $0x1;
	s28 =	simm.s32 @!p5 $0x4  }
0x2cc: {  	p2 =	por @!p5 p0, p0;
	p0 =	por $0x0, $0x0;
	_ =	swait.ge @!p5 [sflag:s28], $0x2800  }
0x2cd: {  	p3 =	por @!p5 p4, p4;
	p0 =	por @!p5 p4, p4;
	s30 =	sld [smem:$0x7FD]  }
0x2ce: {  	p1 =	por @!p5 p4, p4;
	p6 =	por @!p5 p4, p4;
	s29 =	simm.s32 @!p0 $0x0  }
0x2cf: {  	[sflag:s28] =	ssyncset.done @!p5 $0x0;
	s29 =	simm.s32 @p0 $0x1;
	p0 =	por $0x0, $0x0  }
0x2d0: {  	p0 =	por @!p5 p4, p4;
	p5 =	seq.s32 s30, $0x1;
	s30 =	sld [smem:$0x7FD]  }
0x2d1: {  	_ = 	snop  }
0x2d2: {  	[smem:$0x7E4] =	sst s29;
	s29 =	simm.s32 @!p6 $0x0;
	p4 =	por $0x0, $0x0  }
0x2d3: {  	s29 =	simm.s32 @p6 $0x1;
	p5 =	por @!p5 $0x0, $0x0;
	p6 =	seq.s32 s30, $0x1  }
0x2d4: {  	[smem:$0x7E3] =	sst s29;
	p4 =	por @!p6 p5, p5  }
0x2d5: {  	s30 =	sld [smem:$0x7FD];
	s29 =	simm.s32 @!p4 $0x0  }
0x2d6: {  	s29 =	simm.s32 @p4 $0x1;
	p4 =	por $0x0, $0x0  }
0x2d7: {  	[smem:$0x7EB] =	sst s29;
	s29 =	simm.s32 @!p4 $0x0  }
0x2d8: {  	s29 =	simm.s32 @p4 $0x1;
	p4 =	seq.s32 s30, $0x1;
	s30 =	sld [smem:$0x7FD]  }
0x2d9: {  	_ = 	snop  }
0x2da: {  	[smem:$0x7EA] =	sst s29  }
0x2db: {  	p5 =	seq.s32 s30, $0x1;
	s30 =	sld [smem:$0x7EA];
	_ =	sdelay $0x2  }
0x2dc: {  	p6 =	seq.s32 s30, $0x1;
	s30 =	sld [smem:$0x7FD];
	_ =	sdelay $0x1  }
0x2dd: {  	p4 =	por @!p4 $0x0, $0x0  }
0x2de: {  	p6 =	por @!p5 p4, p4;
	p4 =	seq.s32 s30, $0x1;
	s30 =	sld [smem:$0x7FD]  }
0x2df: {  	_ =	sdelay $0x1  }
0x2e0: {  	p5 =	seq.s32 s30, $0x1;
	s30 =	sld [smem:$0x7FD]  }
0x2e1: {  	s29 =	simm.s32 @!p6 $0x0  }
0x2e2: {  	s29 =	simm.s32 @p6 $0x1;
	p6 =	por $0x0, $0x0;
	p4 =	por @!p4 $0x0, $0x0  }
0x2e3: {  	p6 =	por @!p5 p4, p4;
	p5 =	seq.s32 s30, $0x1;
	s30 =	sld [smem:$0x7FD]  }
0x2e4: {  	_ = 	snop  }
0x2e5: {  	[smem:$0x7EA] =	sst s29;
	p4 =	por $0x0, $0x0;
	s29 =	simm.s32 @!p6 $0x0  }
0x2e6: {  	s29 =	simm.s32 @p6 $0x1;
	p5 =	por @!p5 $0x0, $0x0;
	p6 =	seq.s32 s30, $0x1  }
0x2e7: {  	[smem:$0x7ED] =	sst s29;
	p4 =	por @!p6 p5, p5  }
0x2e8: {  	s30 =	sld [smem:$0x7FD];
	s29 =	simm.s32 @!p4 $0x0  }
0x2e9: {  	s29 =	simm.s32 @p4 $0x1;
	p4 =	por $0x0, $0x0  }
0x2ea: {  	[smem:$0x7EC] =	sst s29;
	s29 =	simm.s32 @!p4 $0x0  }
0x2eb: {  	s29 =	simm.s32 @p4 $0x1;
	p4 =	seq.s32 s30, $0x1;
	s30 =	sld [smem:$0x7FD]  }
0x2ec: {  	_ = 	snop  }
0x2ed: {  	[smem:$0x7E9] =	sst s29  }
0x2ee: {  	p5 =	seq.s32 s30, $0x1;
	s30 =	sld [smem:$0x7E9];
	_ =	sdelay $0x2  }
0x2ef: {  	p6 =	seq.s32 s30, $0x1;
	s30 =	sld [smem:$0x7FD];
	_ =	sdelay $0x1  }
0x2f0: {  	p4 =	por @!p4 $0x0, $0x0  }
0x2f1: {  	p6 =	por @!p5 p4, p4;
	p4 =	seq.s32 s30, $0x1;
	s30 =	sld [smem:$0x7FD]  }
0x2f2: {  	_ =	sdelay $0x1  }
0x2f3: {  	p5 =	seq.s32 s30, $0x1;
	s30 =	sld [smem:$0x7FD]  }
0x2f4: {  	s29 =	simm.s32 @!p6 $0x0  }
0x2f5: {  	s29 =	simm.s32 @p6 $0x1;
	p6 =	por $0x0, $0x0;
	p4 =	por @!p4 $0x0, $0x0  }
0x2f6: {  	p6 =	por @!p5 p4, p4;
	p5 =	seq.s32 s30, $0x1;
	s30 =	sld [smem:$0x7FD]  }
0x2f7: {  	_ = 	snop  }
0x2f8: {  	[smem:$0x7E9] =	sst s29;
	p4 =	por $0x0, $0x0;
	s29 =	simm.s32 @!p6 $0x0  }
0x2f9: {  	s29 =	simm.s32 @p6 $0x1;
	p5 =	por @!p5 $0x0, $0x0;
	p6 =	seq.s32 s30, $0x1  }
0x2fa: {  	s30 =	sld [smem:$0x7FD];
	p4 =	por @!p6 p5, p5  }
0x2fb: {  	[smem:$0x7E6] =	sst s29;
	s29 =	simm.s32 @!p4 $0x0  }
0x2fc: {  	s29 =	simm.s32 @p4 $0x1  }
0x2fd: {  	p4 =	por $0x0, $0x0;
	p5 =	seq.s32 s30, $0x1;
	s30 =	sld [smem:$0x7FD]  }
0x2fe: {  	[smem:$0x7E8] =	sst s29;
	s29 =	simm.s32 @!p4 $0x0  }
0x2ff: {  	s29 =	simm.s32 @p4 $0x1  }
0x300: {  	[smem:$0x7E5] =	sst s29  }
0x301: {  	p6 =	seq.s32 s30, $0x1;
	s30 =	sld [smem:$0x7E5];
	_ =	sdelay $0x2  }
0x302: {  	p4 =	seq.s32 s30, $0x1;
	s30 =	sld [smem:$0x7FD];
	_ =	sdelay $0x1  }
0x303: {  	p5 =	por @!p5 $0x0, $0x0  }
0x304: {  	p4 =	por @!p6 p5, p5;
	p5 =	seq.s32 s30, $0x1;
	s30 =	sld [smem:$0x7FD]  }
0x305: {  	_ =	sdelay $0x1  }
0x306: {  	p6 =	seq.s32 s30, $0x1;
	s30 =	sld [smem:$0x7E3]  }
0x307: {  	s29 =	simm.s32 @!p4 $0x0  }
0x308: {  	s29 =	simm.s32 @p4 $0x1;
	p4 =	por $0x0, $0x0;
	p5 =	por @!p5 $0x0, $0x0  }
0x309: {  	p4 =	por @!p6 p5, p5;
	p6 =	seq.s32 s30, $0x1;
	s30 =	sld [smem:$0x7E4]  }
0x30a: {  	_ = 	snop  }
0x30b: {  	[smem:$0x7E5] =	sst s29;
	s29 =	simm.s32 @!p4 $0x0  }
0x30c: {  	s29 =	simm.s32 @p4 $0x1;
	p4 =	seq.s32 s30, $0x1;
	s30 =	sld [smem:$0x7FD]  }
0x30d: {  	_ = 	snop  }
.Ltmp34:
0x30e: {  	_ = 	snop;
	(pc) =	sbr.rel .LBB2_51-.Ltmp34, $2  }
0x30f: {  	p5 =	seq.s32 s30, $0x1;
	s30 =	sld [smem:$0x7E5];
	_ =	sdelay $0x2  }
0x310: {  	[smem:$0x7E7] =	sst s29;
	[sflag:s28] =	ssyncadd.s32 @!p5 $0xFFFFD800;
	p5 =	seq.s32 s30, $0x1  }
.LBB2_54:
0x311: {  	s25 =	sld [smem:$0x7E2];
	_ =	sdelay $0x2  }
0x312: {  	p5 =	seq.s32 s25, $0x1;
	s25 =	simm.s32 @!p4 $0x0  }
0x313: {  	s25 =	simm.s32 @p4 $0x1  }
0x314: {  	[smem:$0x7E4] =	sst s25  }
0x315: {  	_ =	swait.ge [sflag:s13], $0x2800  }
0x316: {  	[sflag:s13] =	ssyncset.done $0x0  }
0x317: {  	[sflag:s13] =	ssyncadd.s32 $0xFFFFD800  }
0x318: {  	_ =	swait.ge [sflag:s17], $0x2800  }
0x319: {  	[sflag:s17] =	ssyncset.done $0x0  }
0x31a: {  	[sflag:s17] =	ssyncadd.s32 $0xFFFFD800  }
0x31b: {  	_ =	swait.ge [sflag:s19], $0x2800  }
0x31c: {  	[sflag:s19] =	ssyncset.done $0x0  }
0x31d: {  	s25 =	simm.s32 $0x0;
	[sflag:s19] =	ssyncadd.s32 $0xFFFFD800  }
0x31e: {  	v15 =	vld [tilespmem:s25+$0x180]  }
0x31f: {  	v16 =	vld [tilespmem:s25+$0x2980]  }
0x320: {  	v17 =	vld [tilespmem:s25+$0x190]  }
0x321: {  	v18 =	vld [tilespmem:s25+$0x2990]  }
0x322: {  	v21 =	vld [tilespmem:s25+$0x1A0]  }
0x323: {  	v25 =	vld [tilespmem:s25+$0x29A0]  }
0x324: {  	v26 =	vld [tilespmem:s25+$0x1B0]  }
0x325: {  	v27 =	vld [tilespmem:s25+$0x29B0]  }
0x326: {  	v28 =	vld [tilespmem:s25+$0x1C0]  }
0x327: {  	v29 =	vld [tilespmem:s25+$0x29C0]  }
0x328: {  	v12 =	vld [tilespmem:s25+$0x1D0]  }
0x329: {  	v14 =	vld [tilespmem:s25+$0x29D0]  }
0x32a: {  	v11 =	vld [tilespmem:s25+$0x1E0]  }
0x32b: {  	v13 =	vld [tilespmem:s25+$0x29E0]  }
0x32c: {  	v9 =	vld [tilespmem:s25+$0x1F0]  }
0x32d: {  	v10 =	vld [tilespmem:s25+$0x29F0]  }
0x32e: {  	v22 =	vld [tilespmem:s25+$0x5180]  }
0x32f: {  	v20 =	vld [tilespmem:s25+$0x5190]  }
0x330: {  	v19 =	vld [tilespmem:s25+$0x51A0];
	v24 =	vadd.f32 v16, v15  }
0x331: {  	v23 =	vadd.f32 v18, v17;
	v21 =	vadd.f32 v25, v21;
	v17 =	vld [tilespmem:s25+$0x51B0]  }
0x332: {  	s26 =	simm.s32 $0x200;
	v18 =	vadd.f32 v27, v26;
	v15 =	vadd.f32 v29, v28;
	v16 =	vld [tilespmem:s25+$0x51C0]  }
.LBB2_55:
0x333: {  	p4 =	sne.s32 s26, $0x9E00;
	v22 =	vadd.f32 v22, v24;
	v12 =	vadd.f32 v14, v12;
	v14 =	vld [tilespmem:s25+$0x51D0]  }
0x334: {  	v11 =	vadd.f32 v13, v11;
	v20 =	vadd.f32 v20, v23;
	v13 =	vld [tilespmem:s25+$0x51E0]  }
0x335: {  	s28 =	sshra.s32 s26, $0x2;
	v9 =	vadd.f32 v10, v9;
	v22 =	vmax.f32 v22, $0.0e+00;
	v19 =	vadd.f32 v19, v21;
	v10 =	vld [tilespmem:s25+$0x51F0]  }
0x336: {  	v21 =	vld [tilespmem:s28+$0x180];
	v22 =	vadd.f32 v22, v8;
	v20 =	vmax.f32 v20, $0.0e+00;
	v17 =	vadd.f32 v17, v18  }
0x337: {  	v18 =	vld [tilespmem:s28+$0x2980];
	v20 =	vadd.f32 v20, v7;
	v19 =	vmax.f32 v19, $0.0e+00;
	v15 =	vadd.f32 v16, v15  }
0x338: {  	v16 =	vld [tilespmem:s28+$0x190];
	[tilespmem:s25+$0x5180] =	vst v22;
	v19 =	vadd.f32 v19, v6;
	v17 =	vmax.f32 v17, $0.0e+00;
	v12 =	vadd.f32 v14, v12  }
0x339: {  	v23 =	vld [tilespmem:s28+$0x2990];
	[tilespmem:s25+$0x5190] =	vst v20;
	v14 =	vadd.f32 v17, v5;
	v15 =	vmax.f32 v15, $0.0e+00;
	v11 =	vadd.f32 v13, v11  }
0x33a: {  	v17 =	vld [tilespmem:s28+$0x1A0];
	[tilespmem:s25+$0x51A0] =	vst v19;
	v13 =	vadd.f32 v15, v4;
	v12 =	vmax.f32 v12, $0.0e+00;
	v9 =	vadd.f32 v10, v9  }
0x33b: {  	v15 =	vld [tilespmem:s28+$0x29A0];
	[tilespmem:s25+$0x51B0] =	vst v14;
	v10 =	vadd.f32 v12, v3;
	v11 =	vmax.f32 v11, $0.0e+00  }
0x33c: {  	v25 =	vld [tilespmem:s28+$0x1B0];
	[tilespmem:s25+$0x51C0] =	vst v13;
	v11 =	vadd.f32 v11, v2;
	v9 =	vmax.f32 v9, $0.0e+00  }
0x33d: {  	v26 =	vld [tilespmem:s28+$0x29B0];
	[tilespmem:s25+$0x51D0] =	vst v10;
	v9 =	vadd.f32 v9, v1  }
0x33e: {  	v27 =	vld [tilespmem:s28+$0x1C0];
	[tilespmem:s25+$0x51E0] =	vst v11  }
0x33f: {  	v28 =	vld [tilespmem:s28+$0x29C0];
	[tilespmem:s25+$0x51F0] =	vst v9;
	s25 =	smov.u32 s28  }
0x340: {  	v12 =	vld [tilespmem:s25+$0x1D0]  }
0x341: {  	v14 =	vld [tilespmem:s25+$0x29D0]  }
0x342: {  	v11 =	vld [tilespmem:s25+$0x1E0]  }
0x343: {  	v13 =	vld [tilespmem:s25+$0x29E0]  }
0x344: {  	v9 =	vld [tilespmem:s25+$0x1F0]  }
0x345: {  	v10 =	vld [tilespmem:s25+$0x29F0]  }
.Ltmp35:
0x346: {  	v22 =	vld [tilespmem:s25+$0x5180];
	(pc) =	sbr.rel @p4 .LBB2_55-.Ltmp35, $4  }
0x347: {  	v20 =	vld [tilespmem:s25+$0x5190]  }
0x348: {  	v24 =	vadd.f32 v18, v21;
	v19 =	vld [tilespmem:s25+$0x51A0]  }
0x349: {  	v23 =	vadd.f32 v23, v16;
	v21 =	vadd.f32 v15, v17;
	v17 =	vld [tilespmem:s25+$0x51B0]  }
0x34a: {  	s26 =	sadd.s32 $0x200, s26;
	v18 =	vadd.f32 v26, v25;
	v15 =	vadd.f32 v28, v27;
	v16 =	vld [tilespmem:s25+$0x51C0]  }
0x34b: {  	v22 =	vadd.f32 v22, v24;
	v12 =	vadd.f32 v14, v12;
	v53 =	vld [tilespmem:s25+$0x51D0]  }
0x34c: {  	v11 =	vadd.f32 v13, v11;
	v54 =	vld [tilespmem:s25+$0x51E0];
	v20 =	vadd.f32 v20, v23  }
0x34d: {  	v9 =	vadd.f32 v10, v9;
	v55 =	vld [tilespmem:s25+$0x51F0];
	v22 =	vmax.f32 v22, $0.0e+00;
	v19 =	vadd.f32 v19, v21  }
0x34e: {  	v8 =	vadd.f32 v22, v8;
	v20 =	vmax.f32 v20, $0.0e+00;
	v17 =	vadd.f32 v17, v18  }
0x34f: {  	v7 =	vadd.f32 v20, v7;
	v56 =	vmax.f32 v19, $0.0e+00;
	v15 =	vadd.f32 v16, v15  }
0x350: {  	[tilespmem:s25+$0x5180] =	vst v8;
	v6 =	vadd.f32 v56, v6;
	v57 =	vmax.f32 v17, $0.0e+00;
	v12 =	vadd.f32 v53, v12  }
0x351: {  	v59 =	vadd.f32 v54, v11;
	[tilespmem:s25+$0x5190] =	vst v7;
	v5 =	vadd.f32 v57, v5;
	v58 =	vmax.f32 v15, $0.0e+00  }
0x352: {  	v61 =	vadd.f32 v55, v9;
	[tilespmem:s25+$0x51A0] =	vst v6;
	v4 =	vadd.f32 v58, v4;
	v60 =	vmax.f32 v12, $0.0e+00  }
0x353: {  	v62 =	vmax.f32 v59, $0.0e+00;
	[tilespmem:s25+$0x51B0] =	vst v5;
	v3 =	vadd.f32 v60, v3  }
0x354: {  	v63 =	vmax.f32 v61, $0.0e+00;
	v2 =	vadd.f32 v62, v2;
	[tilespmem:s25+$0x51C0] =	vst v4  }
0x355: {  	v1 =	vadd.f32 v63, v1;
	[tilespmem:s25+$0x51D0] =	vst v3  }
0x356: {  	[tilespmem:s25+$0x51E0] =	vst v2  }
0x357: {  	s26 =	simm.s32 @!p5 $0x0;
	[tilespmem:s25+$0x51F0] =	vst v1  }
0x358: {  	s28 =	simm.s32 @!p5 $0x5180;
	s25 =	simm.s32 @!p5 $0x50;
	[bflag:$0x0] =	sbarrier.arrive $0xFFFF  }
0x359: {  	[spmem:s2] =	stream.indirect.scatter.add.f32 @!p5 [tilespmem:s28], [sflag:$0x4], $0x80, s26, s25, $0xb8;
	[tilespmem:$0x1E600] =	vst v63  }
0x35a: {  	s25 =	simm.s32 @!p5 $0x4  }
0x35b: {  	_ =	swait.ge @!p5 [sflag:s25], $0x2800  }
0x35c: {  	[sflag:s25] =	ssyncset.done @!p5 $0x0  }
0x35d: {  	[sflag:s25] =	ssyncadd.s32 @!p5 $0xFFFFD800  }
0x35e: {  	[bflag:$0x0] =	sbarrier.arrive $0xFFFF  }
0x35f: {  	s26 =	sld [smem:$0x7EA];
	_ =	sdelay $0x2  }
0x360: {  	p4 =	seq.s32 s26, $0x1  }
0x361: {  	s25 =	simm.s32 @p4 $0x50;
	s26 =	simm.s32 @p4 $0x0;
	s28 =	simm.s32 @p4 $0x5180  }
0x362: {  	[spmem:s2] =	stream.indirect.scatter.add.f32 @p4 [tilespmem:s28], [sflag:$0x4], $0x80, s26, s25, $0xb8;
	[tilespmem:$0x1E600] =	vst v63  }
0x363: {  	s25 =	simm.s32 @p4 $0x4  }
0x364: {  	_ =	swait.ge @p4 [sflag:s25], $0x2800  }
0x365: {  	[sflag:s25] =	ssyncset.done @p4 $0x0  }
0x366: {  	[sflag:s25] =	ssyncadd.s32 @p4 $0xFFFFD800  }
0x367: {  	[bflag:$0x0] =	sbarrier.arrive $0xFFFF  }
0x368: {  	s28 =	sld [smem:$0x7ED];
	_ =	sdelay $0x2  }
0x369: {  	p4 =	seq.s32 s28, $0x1  }
0x36a: {  	s25 =	simm.s32 @p4 $0x50;
	s26 =	simm.s32 @p4 $0x0;
	s28 =	simm.s32 @p4 $0x5180  }
0x36b: {  	[spmem:s2] =	stream.indirect.scatter.add.f32 @p4 [tilespmem:s28], [sflag:$0x4], $0x80, s26, s25, $0xb8;
	[tilespmem:$0x1E600] =	vst v63  }
0x36c: {  	s25 =	simm.s32 @p4 $0x4  }
0x36d: {  	_ =	swait.ge @p4 [sflag:s25], $0x2800  }
0x36e: {  	[sflag:s25] =	ssyncset.done @p4 $0x0  }
0x36f: {  	[sflag:s25] =	ssyncadd.s32 @p4 $0xFFFFD800  }
0x370: {  	[bflag:$0x0] =	sbarrier.arrive $0xFFFF  }
0x371: {  	s29 =	sld [smem:$0x7EB];
	_ =	sdelay $0x2  }
0x372: {  	p4 =	seq.s32 s29, $0x1  }
0x373: {  	s25 =	simm.s32 @p4 $0x50;
	s26 =	simm.s32 @p4 $0x0;
	s28 =	simm.s32 @p4 $0x5180  }
0x374: {  	[spmem:s2] =	stream.indirect.scatter.add.f32 @p4 [tilespmem:s28], [sflag:$0x4], $0x80, s26, s25, $0xb8;
	[tilespmem:$0x1E600] =	vst v63  }
0x375: {  	s25 =	simm.s32 @p4 $0x4  }
0x376: {  	_ =	swait.ge @p4 [sflag:s25], $0x2800  }
0x377: {  	[sflag:s25] =	ssyncset.done @p4 $0x0  }
0x378: {  	[sflag:s25] =	ssyncadd.s32 @p4 $0xFFFFD800  }
0x379: {  	[bflag:$0x0] =	sbarrier.arrive $0xFFFF  }
0x37a: {  	s30 =	sld [smem:$0x7EC];
	_ =	sdelay $0x2  }
0x37b: {  	p4 =	seq.s32 s30, $0x1  }
0x37c: {  	s25 =	simm.s32 @p4 $0x50;
	s26 =	simm.s32 @p4 $0x0;
	s28 =	simm.s32 @p4 $0x5180  }
0x37d: {  	[spmem:s2] =	stream.indirect.scatter.add.f32 @p4 [tilespmem:s28], [sflag:$0x4], $0x80, s26, s25, $0xb8;
	[tilespmem:$0x1E600] =	vst v63  }
0x37e: {  	s25 =	simm.s32 @p4 $0x4  }
0x37f: {  	_ =	swait.ge @p4 [sflag:s25], $0x2800  }
0x380: {  	[sflag:s25] =	ssyncset.done @p4 $0x0  }
0x381: {  	s26 =	simm.s32 @p6 $0x0;
	[sflag:s25] =	ssyncadd.s32 @p4 $0xFFFFD800  }
0x382: {  	s28 =	simm.s32 @p6 $0x5180;
	s25 =	simm.s32 @p6 $0x50;
	[bflag:$0x0] =	sbarrier.arrive $0xFFFF  }
0x383: {  	[spmem:s2] =	stream.indirect.scatter.add.f32 @p6 [tilespmem:s28], [sflag:$0x4], $0x80, s26, s25, $0xb8;
	[tilespmem:$0x1E600] =	vst v63  }
0x384: {  	s25 =	simm.s32 @p6 $0x4  }
0x385: {  	_ =	swait.ge @p6 [sflag:s25], $0x2800  }
0x386: {  	[sflag:s25] =	ssyncset.done @p6 $0x0  }
0x387: {  	[sflag:s25] =	ssyncadd.s32 @p6 $0xFFFFD800  }
0x388: {  	[bflag:$0x0] =	sbarrier.arrive $0xFFFF  }
0x389: {  	s26 =	sld [smem:$0x7E9];
	_ =	sdelay $0x2  }
0x38a: {  	p4 =	seq.s32 s26, $0x1  }
0x38b: {  	s25 =	simm.s32 @p4 $0x50;
	s26 =	simm.s32 @p4 $0x0;
	s28 =	simm.s32 @p4 $0x5180  }
0x38c: {  	[spmem:s2] =	stream.indirect.scatter.add.f32 @p4 [tilespmem:s28], [sflag:$0x4], $0x80, s26, s25, $0xb8;
	[tilespmem:$0x1E600] =	vst v63  }
0x38d: {  	s25 =	simm.s32 @p4 $0x4  }
0x38e: {  	_ =	swait.ge @p4 [sflag:s25], $0x2800  }
0x38f: {  	[sflag:s25] =	ssyncset.done @p4 $0x0  }
0x390: {  	s26 =	simm.s32 @p0 $0x0;
	[sflag:s25] =	ssyncadd.s32 @p4 $0xFFFFD800  }
0x391: {  	s28 =	simm.s32 @p0 $0x5180;
	s25 =	simm.s32 @p0 $0x50;
	[bflag:$0x0] =	sbarrier.arrive $0xFFFF  }
0x392: {  	[spmem:s2] =	stream.indirect.scatter.add.f32 @p0 [tilespmem:s28], [sflag:$0x4], $0x80, s26, s25, $0xb8;
	[tilespmem:$0x1E600] =	vst v63  }
0x393: {  	s25 =	simm.s32 @p0 $0x4  }
0x394: {  	_ =	swait.ge @p0 [sflag:s25], $0x2800  }
0x395: {  	[sflag:s25] =	ssyncset.done @p0 $0x0  }
0x396: {  	[sflag:s25] =	ssyncadd.s32 @p0 $0xFFFFD800  }
0x397: {  	[bflag:$0x0] =	sbarrier.arrive $0xFFFF  }
0x398: {  	s28 =	sld [smem:$0x7E6];
	_ =	sdelay $0x2  }
0x399: {  	p0 =	seq.s32 s28, $0x1  }
0x39a: {  	s25 =	simm.s32 @p0 $0x50;
	s26 =	simm.s32 @p0 $0x0;
	s28 =	simm.s32 @p0 $0x5180  }
0x39b: {  	[spmem:s2] =	stream.indirect.scatter.add.f32 @p0 [tilespmem:s28], [sflag:$0x4], $0x80, s26, s25, $0xb8;
	[tilespmem:$0x1E600] =	vst v63  }
0x39c: {  	s25 =	simm.s32 @p0 $0x4  }
0x39d: {  	_ =	swait.ge @p0 [sflag:s25], $0x2800  }
0x39e: {  	[sflag:s25] =	ssyncset.done @p0 $0x0  }
0x39f: {  	s26 =	simm.s32 @p1 $0x0;
	[sflag:s25] =	ssyncadd.s32 @p0 $0xFFFFD800  }
0x3a0: {  	s28 =	simm.s32 @p1 $0x5180;
	s25 =	simm.s32 @p1 $0x50;
	[bflag:$0x0] =	sbarrier.arrive $0xFFFF  }
0x3a1: {  	[spmem:s2] =	stream.indirect.scatter.add.f32 @p1 [tilespmem:s28], [sflag:$0x4], $0x80, s26, s25, $0xb8;
	[tilespmem:$0x1E600] =	vst v63  }
0x3a2: {  	s25 =	simm.s32 @p1 $0x4  }
0x3a3: {  	_ =	swait.ge @p1 [sflag:s25], $0x2800  }
0x3a4: {  	[sflag:s25] =	ssyncset.done @p1 $0x0  }
0x3a5: {  	[sflag:s25] =	ssyncadd.s32 @p1 $0xFFFFD800  }
0x3a6: {  	[bflag:$0x0] =	sbarrier.arrive $0xFFFF  }
0x3a7: {  	s29 =	sld [smem:$0x7E8];
	_ =	sdelay $0x2  }
0x3a8: {  	p0 =	seq.s32 s29, $0x1  }
0x3a9: {  	s25 =	simm.s32 @p0 $0x50;
	s26 =	simm.s32 @p0 $0x0;
	s28 =	simm.s32 @p0 $0x5180  }
0x3aa: {  	[spmem:s2] =	stream.indirect.scatter.add.f32 @p0 [tilespmem:s28], [sflag:$0x4], $0x80, s26, s25, $0xb8;
	[tilespmem:$0x1E600] =	vst v63  }
0x3ab: {  	s25 =	simm.s32 @p0 $0x4  }
0x3ac: {  	_ =	swait.ge @p0 [sflag:s25], $0x2800  }
0x3ad: {  	[sflag:s25] =	ssyncset.done @p0 $0x0  }
0x3ae: {  	[sflag:s25] =	ssyncadd.s32 @p0 $0xFFFFD800  }
0x3af: {  	[bflag:$0x0] =	sbarrier.arrive $0xFFFF  }
0x3b0: {  	s30 =	sld [smem:$0x7E4];
	_ =	sdelay $0x2  }
0x3b1: {  	p0 =	seq.s32 s30, $0x1  }
0x3b2: {  	s25 =	simm.s32 @p0 $0x50;
	s26 =	simm.s32 @p0 $0x0;
	s28 =	simm.s32 @p0 $0x5180  }
0x3b3: {  	[spmem:s2] =	stream.indirect.scatter.add.f32 @p0 [tilespmem:s28], [sflag:$0x4], $0x80, s26, s25, $0xb8;
	[tilespmem:$0x1E600] =	vst v63  }
0x3b4: {  	s25 =	simm.s32 @p0 $0x4  }
0x3b5: {  	_ =	swait.ge @p0 [sflag:s25], $0x2800  }
0x3b6: {  	[sflag:s25] =	ssyncset.done @p0 $0x0  }
0x3b7: {  	[sflag:s25] =	ssyncadd.s32 @p0 $0xFFFFD800  }
0x3b8: {  	[bflag:$0x0] =	sbarrier.arrive $0xFFFF  }
0x3b9: {  	s26 =	sld [smem:$0x7E5];
	_ =	sdelay $0x2  }
0x3ba: {  	p0 =	seq.s32 s26, $0x1  }
0x3bb: {  	s25 =	simm.s32 @p0 $0x50;
	s26 =	simm.s32 @p0 $0x0;
	s28 =	simm.s32 @p0 $0x5180  }
0x3bc: {  	[spmem:s2] =	stream.indirect.scatter.add.f32 @p0 [tilespmem:s28], [sflag:$0x4], $0x80, s26, s25, $0xb8;
	[tilespmem:$0x1E600] =	vst v63  }
0x3bd: {  	s25 =	simm.s32 @p0 $0x4  }
0x3be: {  	_ =	swait.ge @p0 [sflag:s25], $0x2800  }
0x3bf: {  	[sflag:s25] =	ssyncset.done @p0 $0x0  }
0x3c0: {  	s26 =	simm.s32 @p3 $0x0;
	[sflag:s25] =	ssyncadd.s32 @p0 $0xFFFFD800  }
0x3c1: {  	s28 =	simm.s32 @p3 $0x5180;
	s25 =	simm.s32 @p3 $0x50;
	[bflag:$0x0] =	sbarrier.arrive $0xFFFF  }
0x3c2: {  	[spmem:s2] =	stream.indirect.scatter.add.f32 @p3 [tilespmem:s28], [sflag:$0x4], $0x80, s26, s25, $0xb8;
	[tilespmem:$0x1E600] =	vst v63  }
0x3c3: {  	s25 =	simm.s32 @p3 $0x4  }
0x3c4: {  	_ =	swait.ge @p3 [sflag:s25], $0x2800  }
0x3c5: {  	[sflag:s25] =	ssyncset.done @p3 $0x0  }
0x3c6: {  	[sflag:s25] =	ssyncadd.s32 @p3 $0xFFFFD800  }
0x3c7: {  	[bflag:$0x0] =	sbarrier.arrive $0xFFFF  }
0x3c8: {  	s28 =	sld [smem:$0x7E7];
	_ =	sdelay $0x2  }
0x3c9: {  	p0 =	seq.s32 s28, $0x1  }
0x3ca: {  	s25 =	simm.s32 @p0 $0x50;
	s26 =	simm.s32 @p0 $0x0;
	s28 =	simm.s32 @p0 $0x5180  }
0x3cb: {  	[spmem:s2] =	stream.indirect.scatter.add.f32 @p0 [tilespmem:s28], [sflag:$0x4], $0x80, s26, s25, $0xb8;
	[tilespmem:$0x1E600] =	vst v63  }
0x3cc: {  	s25 =	simm.s32 @p0 $0x4  }
0x3cd: {  	_ =	swait.ge @p0 [sflag:s25], $0x2800  }
0x3ce: {  	[sflag:s25] =	ssyncset.done @p0 $0x0  }
0x3cf: {  	s26 =	simm.s32 @p2 $0x0;
	[sflag:s25] =	ssyncadd.s32 @p0 $0xFFFFD800  }
0x3d0: {  	s28 =	simm.s32 @p2 $0x5180;
	s25 =	simm.s32 @p2 $0x50;
	[bflag:$0x0] =	sbarrier.arrive $0xFFFF  }
0x3d1: {  	[spmem:s2] =	stream.indirect.scatter.add.f32 @p2 [tilespmem:s28], [sflag:$0x4], $0x80, s26, s25, $0xb8;
	[tilespmem:$0x1E600] =	vst v63  }
0x3d2: {  	s25 =	simm.s32 @p2 $0x4  }
0x3d3: {  	_ =	swait.ge @p2 [sflag:s25], $0x2800  }
0x3d4: {  	[sflag:s25] =	ssyncset.done @p2 $0x0  }
0x3d5: {  	[sflag:s25] =	ssyncadd.s32 @p2 $0xFFFFD800  }
0x3d6: {  	[bflag:$0x0] =	sbarrier.arrive $0xFFFF  }
0x3d7: {  	[bflag:$0x0] =	sbarrier.arrive $0xFFFF  }
0x3d8: {  	[tilespmem:s10], [sflag:$0x4] =	stream.linear.gather [spmem:s18], $0x2800, $0x38;
	[tilespmem:$0x1E600] =	vst v63  }
0x3d9: {  	_ =	swait.ge [sflag:s6], $0x2800  }
0x3da: {  	[sflag:s6] =	ssyncset.done $0x0  }
0x3db: {  	s29 =	rddreg [dreg:$0x4];
	[sflag:s6] =	ssyncadd.s32 $0xFFFFD800  }
0x3dc: {  	[hbm4b:s29+s3] =	stream.linear.scatter [tilespmem:s10], [sflag:$0x4], $0x2800, $0x38;
	[tilespmem:$0x1E600] =	vst v63  }
0x3dd: {  	_ =	swait.ge [sflag:s6], $0x2800  }
0x3de: {  	[sflag:s6] =	ssyncset.done $0x0  }
0x3df: {  	s30 =	rddreg [dreg:$0x11];
	[sflag:s6] =	ssyncadd.s32 $0xFFFFD800  }
0x3e0: {  	[tilespmem:s10], [sflag:$0x4] =	stream.linear.gather [spmem:s30], $0x2800, $0x38;
	[tilespmem:$0x1E600] =	vst v63  }
0x3e1: {  	_ =	swait.ge [sflag:s6], $0x2800  }
0x3e2: {  	[sflag:s6] =	ssyncset.done $0x0  }
0x3e3: {  	s26 =	rddreg [dreg:$0x5];
	[sflag:s6] =	ssyncadd.s32 $0xFFFFD800  }
0x3e4: {  	[hbm4b:s26+s3] =	stream.linear.scatter [tilespmem:s10], [sflag:$0x4], $0x2800, $0x38;
	[tilespmem:$0x1E600] =	vst v63  }
0x3e5: {  	_ =	swait.ge [sflag:s6], $0x2800  }
0x3e6: {  	[sflag:s6] =	ssyncset.done $0x0  }
0x3e7: {  	s28 =	rddreg [dreg:$0x12];
	[sflag:s6] =	ssyncadd.s32 $0xFFFFD800  }
0x3e8: {  	[tilespmem:s10], [sflag:$0x4] =	stream.linear.gather [spmem:s28], $0x2800, $0x38;
	[tilespmem:$0x1E600] =	vst v63  }
0x3e9: {  	_ =	swait.ge [sflag:s6], $0x2800  }
0x3ea: {  	[sflag:s6] =	ssyncset.done $0x0  }
0x3eb: {  	s29 =	rddreg [dreg:$0x6];
	[sflag:s6] =	ssyncadd.s32 $0xFFFFD800  }
0x3ec: {  	[hbm4b:s29+s3] =	stream.linear.scatter [tilespmem:s10], [sflag:$0x4], $0x2800, $0x38;
	[tilespmem:$0x1E600] =	vst v63  }
0x3ed: {  	_ =	swait.ge [sflag:s6], $0x2800  }
0x3ee: {  	[sflag:s6] =	ssyncset.done $0x0  }
0x3ef: {  	s30 =	rddreg [dreg:$0x13];
	[sflag:s6] =	ssyncadd.s32 $0xFFFFD800  }
0x3f0: {  	[tilespmem:s10], [sflag:$0x4] =	stream.linear.gather [spmem:s30], $0x2800, $0x38;
	[tilespmem:$0x1E600] =	vst v63  }
0x3f1: {  	_ =	swait.ge [sflag:s6], $0x2800  }
0x3f2: {  	[sflag:s6] =	ssyncset.done $0x0  }
0x3f3: {  	s26 =	rddreg [dreg:$0x7];
	[sflag:s6] =	ssyncadd.s32 $0xFFFFD800  }
0x3f4: {  	[hbm4b:s26+s3] =	stream.linear.scatter [tilespmem:s10], [sflag:$0x4], $0x2800, $0x38;
	[tilespmem:$0x1E600] =	vst v63  }
0x3f5: {  	_ =	swait.ge [sflag:s6], $0x2800  }
0x3f6: {  	[sflag:s6] =	ssyncset.done $0x0  }
0x3f7: {  	s28 =	rddreg [dreg:$0x14];
	[sflag:s6] =	ssyncadd.s32 $0xFFFFD800  }
0x3f8: {  	[tilespmem:s10], [sflag:$0x4] =	stream.linear.gather [spmem:s28], $0x2800, $0x38;
	[tilespmem:$0x1E600] =	vst v63  }
0x3f9: {  	_ =	swait.ge [sflag:s6], $0x2800  }
0x3fa: {  	[sflag:s6] =	ssyncset.done $0x0  }
0x3fb: {  	s29 =	rddreg [dreg:$0x8];
	[sflag:s6] =	ssyncadd.s32 $0xFFFFD800  }
0x3fc: {  	[hbm4b:s29+s3] =	stream.linear.scatter [tilespmem:s10], [sflag:$0x4], $0x2800, $0x38;
	[tilespmem:$0x1E600] =	vst v63  }
0x3fd: {  	_ =	swait.ge [sflag:s6], $0x2800  }
0x3fe: {  	[sflag:s6] =	ssyncset.done $0x0  }
0x3ff: {  	s30 =	rddreg [dreg:$0x15];
	[sflag:s6] =	ssyncadd.s32 $0xFFFFD800  }
0x400: {  	[tilespmem:s10], [sflag:$0x4] =	stream.linear.gather [spmem:s30], $0x2800, $0x38;
	[tilespmem:$0x1E600] =	vst v63  }
0x401: {  	_ =	swait.ge [sflag:s6], $0x2800  }
0x402: {  	[sflag:s6] =	ssyncset.done $0x0  }
0x403: {  	s26 =	rddreg [dreg:$0x9];
	[sflag:s6] =	ssyncadd.s32 $0xFFFFD800  }
0x404: {  	[hbm4b:s26+s3] =	stream.linear.scatter [tilespmem:s10], [sflag:$0x4], $0x2800, $0x38;
	[tilespmem:$0x1E600] =	vst v63  }
0x405: {  	_ =	swait.ge [sflag:s6], $0x2800  }
0x406: {  	[sflag:s6] =	ssyncset.done $0x0  }
0x407: {  	[sflag:s6] =	ssyncadd.s32 $0xFFFFD800  }
0x408: {  	[tilespmem:s10], [sflag:$0x4] =	stream.linear.gather [spmem:s31], $0x2800, $0x38;
	[tilespmem:$0x1E600] =	vst v63  }
0x409: {  	_ =	swait.ge [sflag:s6], $0x2800  }
0x40a: {  	[sflag:s6] =	ssyncset.done $0x0  }
0x40b: {  	s28 =	rddreg [dreg:$0xa];
	[sflag:s6] =	ssyncadd.s32 $0xFFFFD800  }
0x40c: {  	[hbm4b:s28+s3] =	stream.linear.scatter [tilespmem:s10], [sflag:$0x4], $0x2800, $0x38;
	[tilespmem:$0x1E600] =	vst v63  }
0x40d: {  	_ =	swait.ge [sflag:s6], $0x2800  }
0x40e: {  	[sflag:s6] =	ssyncset.done $0x0  }
0x40f: {  	[sflag:s6] =	ssyncadd.s32 $0xFFFFD800  }
0x410: {  	[tilespmem:s10], [sflag:$0x4] =	stream.linear.gather [spmem:s0], $0x2800, $0x38;
	[tilespmem:$0x1E600] =	vst v63  }
0x411: {  	_ =	swait.ge [sflag:s6], $0x2800  }
0x412: {  	[sflag:s6] =	ssyncset.done $0x0  }
0x413: {  	s29 =	rddreg [dreg:$0xb];
	[sflag:s6] =	ssyncadd.s32 $0xFFFFD800  }
0x414: {  	[hbm4b:s29+s3] =	stream.linear.scatter [tilespmem:s10], [sflag:$0x4], $0x2800, $0x38;
	[tilespmem:$0x1E600] =	vst v63  }
0x415: {  	_ =	swait.ge [sflag:s6], $0x2800  }
0x416: {  	s24 =	sadd.s32 $0x1, s24;
	s30 =	rddreg [dreg:$0x10]  }
0x417: {  	p0 =	sne.s32 s24, s30  }
.Ltmp36:
0x418: {  	_ = 	snop;
	(pc) =	sbr.rel @p0 .LBB2_1-.Ltmp36, $3  }
0x419: {  	_ =	sdelay $0x1  }
0x41a: {  	[sflag:s6] =	ssyncset.done $0x0  }
0x41b: {  	[sflag:s6] =	ssyncadd.s32 $0xFFFFD800  }
0x41c: {  	_ =	sfence.sel $0x180000  }
0x41d: {  	[bflag:$0x0] =	sbarrier.arrive $0xFFFF  }
0x41e: {  	_ =	strace $0x90000047  }
0x41f: {  	[bflag:$0x2] =	sbarrier.arrive $0xFFFF  }
0x420: {  	s0 =	rddreg [dreg:$0x3]  }
0x421: {  	s0 =	sadd.s32 @!p5 $0x100000, s0  }
0x422: {  	[sflag:s0] =	ssyncadd.tile.s32 @!p5 $0x1;
	_ =	shalt  }
.Lfunc_end2:
_tile_overlayer_lowered:
.L_overlay_start_2:
0x423: {  	(tag) =	ssettag $0x2  }
0x424: {  	s0 =	rddreg [dreg:$0x0];
	s2 =	stileid.u32  }
0x425: {  	s1 =	rddreg [dreg:$0x1];
	p0 =	sne.s32 s2, $0x0  }
0x426: {  	s3 =	rddreg [dreg:$0x2];
	[bflag:$0x3] =	sbarrier.arrive $0xFFFF;
	s2 =	simm.s32 @!p0 $0x1C04  }
0x427: {  	[timem:s3], [sflag:s2] =	dma.local @!p0 [hbm:s0], s1  }
0x428: {  	s0 =	simm.s32 @!p0 $0x4  }
0x429: {  	_ =	swait.ge @!p0 [sflag:s0], s1  }
0x42a: {  	s1 =	ssub.s32 @!p0 $0x0, s1;
	[sflag:s0] =	ssyncset.done @!p0 $0x0  }
0x42b: {  	[sflag:s0] =	ssyncadd.s32 @!p0 s1  }
0x42c: {  	[bflag:$0x3] =	sbarrier.arrive $0xFFFF  }
0x42d: {  	_ =	shalt  }

</sc_bundles>
